<compile_context>
chip_gen: v7x
topology: tpu7x:2x2x1
jax: 0.10.2.dev20260603
libtpu: 0.0.44.dev20260713+nightly
codegen_flags: <defaults>
</compile_context>

<pallas_src>
import jax
import jax.numpy as jnp
import numpy as np
from jax import lax
from jax.experimental import pallas as pl
from jax.experimental.pallas import tpu as pltpu
from jax.experimental.pallas import tpu_sc as plsc

T, N, E, D, C = 36, 10000, 320000, 128, 6
_PH = jax.lax.Precision.HIGHEST
NP = 10240
HD = D // 2
NC, NS = 2, 16
NW = NC * NS
EW = E // NW
CH = 80
NCH = 126
EWP = NCH * CH
STRIPE = NP // NS
W2 = 16

_TS0, _NTS, _NI = 6, 4, 12
_CNT = _NTS * _NI
_ZROWS = 40
_OFFS = (0, 7, 8, 9, 10, 11, 12, 13)



def _segsum(xa, xb, srco, dstr, zrows, zrows8, ones, with_deg):
    mesh = plsc.VectorSubcoreMesh(core_axis_name="c", subcore_axis_name="s")

    def body(xa_r, xb_r, srco_r, dstr_r, zrows_r, zrows8_r, ones_r,
             *out_and_scratch):
        if with_deg:
            (aggp_r, degp_r, idxs_v, idxd_v, rows_v, ones_v, zbuf_v, zbuf8_v,
             sg0, sg1, sg2, ss0, ss1, ss2, sd0, sd1, sd2,
             agg_sh, deg_sh) = out_and_scratch
        else:
            (aggp_r, idxs_v, idxd_v, rows_v, ones_v, zbuf_v, zbuf8_v,
             sg0, sg1, sg2, ss0, ss1, ss2, sd0, sd1, sd2,
             agg_sh) = out_and_scratch
            degp_r = deg_sh = None
        sgs, sss, sds = (sg0, sg1, sg2), (ss0, ss1, ss2), (sd0, sd1, sd2)
        c = lax.axis_index("c")
        s = lax.axis_index("s")
        wid = s * NC + c
        pltpu.sync_copy(ones_r, ones_v)
        pltpu.sync_copy(zrows_r, zbuf_v)
        pltpu.sync_copy(zrows8_r, zbuf8_v)

        def step_t(t, carry):
            pltpu.sync_copy(srco_r.at[t, wid], idxs_v)
            pltpu.sync_copy(dstr_r.at[t, wid], idxd_v)
            for h, tab in ((0, xa_r), (1, xb_r)):
                pltpu.sync_copy(zbuf_v, agg_sh.at[pl.ds(s * STRIPE, STRIPE)])
                if h == 0 and with_deg:
                    pltpu.sync_copy(zbuf8_v,
                                    deg_sh.at[pl.ds(s * STRIPE, STRIPE)])
                plsc.subcore_barrier()

                def step_j(gg, carry2):
                    j = 3 * gg
                    cps = [pltpu.async_copy(tab.at[idxs_v.at[j + b]],
                                            rows_v.at[b], sgs[b])
                           for b in range(3)]
                    deps = []
                    for b in range(3):
                        cps[b].wait()
                        deps.append(pltpu.async_copy(
                            rows_v.at[b], agg_sh.at[idxd_v.at[j + b]],
                            sss[b], add=True))
                        if h == 0 and with_deg:
                            deps.append(pltpu.async_copy(
                                ones_v, deg_sh.at[idxd_v.at[j + b]],
                                sds[b], add=True))
                    for dep in deps:
                        dep.wait()
                    return carry2

                lax.fori_loop(0, NCH // 3, step_j, 0)
                plsc.subcore_barrier()
                pltpu.sync_copy(agg_sh.at[pl.ds(s * STRIPE, STRIPE)],
                                aggp_r.at[h, t, c, pl.ds(s * STRIPE, STRIPE)])
                if h == 0 and with_deg:
                    pltpu.sync_copy(deg_sh.at[pl.ds(s * STRIPE, STRIPE)],
                                    degp_r.at[t, c, pl.ds(s * STRIPE, STRIPE)])
                plsc.subcore_barrier()
            return carry

        lax.fori_loop(0, T, step_t, 0)

    out_type = [jax.ShapeDtypeStruct((2, T, NC, NP, HD), jnp.float32)]
    scratch = [
        pltpu.VMEM((NCH, CH), jnp.int32),
        pltpu.VMEM((NCH, CH), jnp.int32),
        pltpu.VMEM((3, CH, HD), jnp.float32),
        pltpu.VMEM((CH, 8), jnp.float32),
        pltpu.VMEM((STRIPE, HD), jnp.float32),
        pltpu.VMEM((STRIPE, 8), jnp.float32),
        pltpu.SemaphoreType.DMA,
        pltpu.SemaphoreType.DMA,
        pltpu.SemaphoreType.DMA,
        pltpu.SemaphoreType.DMA,
        pltpu.SemaphoreType.DMA,
        pltpu.SemaphoreType.DMA,
        pltpu.SemaphoreType.DMA,
        pltpu.SemaphoreType.DMA,
        pltpu.SemaphoreType.DMA,
        pltpu.VMEM_SHARED((NP, HD), jnp.float32),
    ]
    if with_deg:
        out_type.append(jax.ShapeDtypeStruct((T, NC, NP, 8), jnp.float32))
        scratch.append(pltpu.VMEM_SHARED((NP, 8), jnp.float32))

    f = pl.kernel(
        body,
        out_type=tuple(out_type),
        mesh=mesh,
        scratch_types=scratch,
        compiler_params=pltpu.CompilerParams(use_tc_tiling_on_sc=False),
    )
    return f(xa, xb, srco, dstr, zrows, zrows8, ones)



_BN = 2048


def _dense1_body(a00, a01, a10, a11, d0, d1, x, wl1t, wr1t, b1,
                 ha_ref, hb_ref):
    agg = jnp.concatenate([a00[0, 0, 0] + a01[0, 0, 0],
                           a10[0, 0, 0] + a11[0, 0, 0]], axis=1)
    deg = d0[0, 0, :, 0:1] + d1[0, 0, :, 0:1]
    aggm = agg / jnp.maximum(deg, 1.0)
    h = (jnp.dot(aggm, wl1t[...], preferred_element_type=jnp.float32)
         + jnp.dot(x[0], wr1t[...], preferred_element_type=jnp.float32)
         + b1[...])
    h = jnp.maximum(h, 0.0)
    ha_ref[0] = h[:, :HD]
    hb_ref[0] = h[:, HD:]


def _dense1(aggp, degp, xp, wl1t, wr1t, b1r):
    nb = NP // _BN
    return pl.pallas_call(
        _dense1_body,
        grid=(T, nb),
        in_specs=[
            pl.BlockSpec((1, 1, 1, _BN, HD), lambda t, r: (0, t, 0, r, 0)),
            pl.BlockSpec((1, 1, 1, _BN, HD), lambda t, r: (0, t, 1, r, 0)),
            pl.BlockSpec((1, 1, 1, _BN, HD), lambda t, r: (1, t, 0, r, 0)),
            pl.BlockSpec((1, 1, 1, _BN, HD), lambda t, r: (1, t, 1, r, 0)),
            pl.BlockSpec((1, 1, _BN, 8), lambda t, r: (t, 0, r, 0)),
            pl.BlockSpec((1, 1, _BN, 8), lambda t, r: (t, 1, r, 0)),
            pl.BlockSpec((1, _BN, D), lambda t, r: (t, r, 0)),
            pl.BlockSpec((D, D), lambda t, r: (0, 0)),
            pl.BlockSpec((D, D), lambda t, r: (0, 0)),
            pl.BlockSpec((1, D), lambda t, r: (0, 0)),
        ],
        out_specs=[
            pl.BlockSpec((1, _BN, HD), lambda t, r: (t, r, 0)),
            pl.BlockSpec((1, _BN, HD), lambda t, r: (t, r, 0)),
        ],
        out_shape=[
            jax.ShapeDtypeStruct((T, NP, HD), jnp.float32),
            jax.ShapeDtypeStruct((T, NP, HD), jnp.float32),
        ],
    )(aggp, aggp, aggp, aggp, degp, degp, xp, wl1t, wr1t, b1r)


def _pool_body(a00, a01, a10, a11, d0, d1, ha, hb, wl2a, wl2b, wr2a, wr2b,
               b2, z_ref):
    r = pl.program_id(1)
    deg = jnp.maximum(d0[0, 0, :, 0:1] + d1[0, 0, :, 0:1], 1.0)
    agg_a = (a00[0, 0, 0] + a01[0, 0, 0]) / deg
    agg_b = (a10[0, 0, 0] + a11[0, 0, 0]) / deg
    out2 = (jnp.dot(agg_a, wl2a[...], preferred_element_type=jnp.float32)
            + jnp.dot(agg_b, wl2b[...], preferred_element_type=jnp.float32)
            + jnp.dot(ha[0], wr2a[...], preferred_element_type=jnp.float32)
            + jnp.dot(hb[0], wr2b[...], preferred_element_type=jnp.float32)
            + b2[...])
    rows = lax.broadcasted_iota(jnp.int32, (_BN, 8), 0) + r * _BN
    out2 = jnp.where(rows < N, out2, -jnp.inf)
    zv = jnp.max(out2, axis=0, keepdims=True)
    cols = lax.broadcasted_iota(jnp.int32, (1, 8), 1)
    zv = jnp.where(cols < C, zv, 0.0)

    @pl.when(r == 0)
    def _():
        z_ref[0] = zv

    @pl.when(r > 0)
    def _():
        z_ref[0] = jnp.maximum(z_ref[0], zv)


def _pool(agg2p, degp, ha, hb, wl2a, wl2b, wr2a, wr2b, b2r):
    nb = NP // _BN
    return pl.pallas_call(
        _pool_body,
        grid=(T, nb),
        in_specs=[
            pl.BlockSpec((1, 1, 1, _BN, HD), lambda t, r: (0, t, 0, r, 0)),
            pl.BlockSpec((1, 1, 1, _BN, HD), lambda t, r: (0, t, 1, r, 0)),
            pl.BlockSpec((1, 1, 1, _BN, HD), lambda t, r: (1, t, 0, r, 0)),
            pl.BlockSpec((1, 1, 1, _BN, HD), lambda t, r: (1, t, 1, r, 0)),
            pl.BlockSpec((1, 1, _BN, 8), lambda t, r: (t, 0, r, 0)),
            pl.BlockSpec((1, 1, _BN, 8), lambda t, r: (t, 1, r, 0)),
            pl.BlockSpec((1, _BN, HD), lambda t, r: (t, r, 0)),
            pl.BlockSpec((1, _BN, HD), lambda t, r: (t, r, 0)),
            pl.BlockSpec((HD, 8), lambda t, r: (0, 0)),
            pl.BlockSpec((HD, 8), lambda t, r: (0, 0)),
            pl.BlockSpec((HD, 8), lambda t, r: (0, 0)),
            pl.BlockSpec((HD, 8), lambda t, r: (0, 0)),
            pl.BlockSpec((1, 8), lambda t, r: (0, 0)),
        ],
        out_specs=pl.BlockSpec((1, 1, 8), lambda t, r: (t, 0, 0)),
        out_shape=jax.ShapeDtypeStruct((T, 1, 8), jnp.float32),
    )(agg2p, agg2p, agg2p, agg2p, degp, degp, ha, hb, wl2a, wl2b,
      wr2a, wr2b, b2r)


def _head_body(z_ref, wih_ref, bih_ref, bhh_ref, ct_ref, rk_ref, q_ref,
               misc_ref, h1_ref):
    z = z_ref[...]
    gi = []
    for k in range(3):
        gi.append(jnp.dot(z, wih_ref[k], preferred_element_type=jnp.float32)
                  + bih_ref[k])
    r = jax.nn.sigmoid(gi[0] + bhh_ref[0])
    zt = jax.nn.sigmoid(gi[1] + bhh_ref[1])
    n = jnp.tanh(gi[2] + r * bhh_ref[2])
    h1 = (1.0 - zt) * n
    h1_ref[...] = h1
    s = lax.dot_general(z, h1, (((1,), (1,)), ((), ())),
                        preferred_element_type=jnp.float32)
    scol = jnp.dot(s, ct_ref[...], preferred_element_type=jnp.float32,
                   precision=_PH)
    q = q_ref[...]
    cols = []
    for k in range(len(_OFFS)):
        vk = jnp.dot(rk_ref[k], scol, preferred_element_type=jnp.float32,
                     precision=_PH)
        cols.append(jnp.sum(vk * q, axis=1, keepdims=True))
    v = jnp.concatenate(cols, axis=1)
    colv = lax.broadcasted_iota(jnp.int32, (_CNT, 8), 1)
    m = jnp.max(v, axis=1, keepdims=True)
    lse = jnp.log(jnp.sum(jnp.exp(v - m), axis=1, keepdims=True)) + m
    vpos = jnp.sum(jnp.where(colv == 0, v, 0.0), axis=1, keepdims=True)
    nce = jnp.sum(vpos - lse) / (-1.0 * _CNT)
    maxneg = jnp.max(jnp.where(colv >= 1, v, -jnp.inf), axis=1, keepdims=True)
    acc = jnp.sum((vpos >= maxneg).astype(jnp.float32)) / _CNT
    ri = lax.broadcasted_iota(jnp.int32, (8, 128), 0)
    ci = lax.broadcasted_iota(jnp.int32, (8, 128), 1)
    blk = jnp.where((ri == 0) & (ci == 0), nce, 0.0)
    blk = jnp.where((ri == 0) & (ci == 1), acc, blk)
    misc_ref[...] = blk


def _head(zp, wih3, bih3, bhh3, ct, rk, q):
    return pl.pallas_call(
        _head_body,
        out_shape=[
            jax.ShapeDtypeStruct((8, 128), jnp.float32),
            jax.ShapeDtypeStruct((_ZROWS, 8), jnp.float32),
        ],
    )(zp, wih3, bih3, bhh3, ct, rk, q)



def _head_consts():
    ct = np.zeros((_ZROWS, _NTS), np.float32)
    q = np.zeros((_CNT, _NTS), np.float32)
    rk = np.zeros((len(_OFFS), _CNT, _ZROWS), np.float32)
    for qi in range(_NTS):
        ts = _TS0 + qi
        ct[ts, qi] = 1.0
        for i in range(1, _NI + 1):
            p = qi * _NI + (i - 1)
            q[p, qi] = 1.0
            for k, off in enumerate(_OFFS):
                rk[k, p, ts + i + off] = 1.0
    return jnp.asarray(ct), jnp.asarray(rk), jnp.asarray(q)



@jax.jit
def kernel(x, edge_index, batch, Wl1, Wr1, b1, Wl2, Wr2, b2,
           W_ih, W_hh, b_ih, b_hh):
    f32 = jnp.float32
    xp = jnp.pad(x, ((0, 0), (0, NP - N), (0, 0)))
    xa = xp[:, :, :HD].reshape(T * NP, HD)
    xb = xp[:, :, HD:].reshape(T * NP, HD)
    src = edge_index[:, 0, :]
    dst = edge_index[:, 1, :]
    toff = (jnp.arange(T, dtype=jnp.int32) * NP)[:, None, None]
    src3 = src.reshape(T, NW, EW) + toff
    fsrc = jnp.broadcast_to(toff + N, (T, NW, EWP - EW))
    srco = jnp.concatenate([src3, fsrc], axis=2).reshape(T, NW, NCH, CH)
    dst3 = dst.reshape(T, NW, EW)
    fdst = jnp.full((T, NW, EWP - EW), N, jnp.int32)
    dstr = jnp.concatenate([dst3, fdst], axis=2).reshape(T, NW, NCH, CH)

    zrows = jnp.zeros((STRIPE, HD), f32)
    zrows8 = jnp.zeros((STRIPE, 8), f32)
    ones = jnp.ones((CH, 8), f32)

    aggp, degp = _segsum(xa, xb, srco, dstr, zrows, zrows8, ones, True)

    wl1t = Wl1.T
    wr1t = Wr1.T
    b1r = b1.reshape(1, D)

    ha, hb = _dense1(aggp, degp, xp, wl1t, wr1t, b1r)

    (agg2p,) = _segsum(ha.reshape(T * NP, HD), hb.reshape(T * NP, HD),
                       srco, dstr, zrows, zrows8, ones, False)

    wl2a = jnp.zeros((HD, 8), f32).at[:, :C].set(Wl2.T[:HD])
    wl2b = jnp.zeros((HD, 8), f32).at[:, :C].set(Wl2.T[HD:])
    wr2a = jnp.zeros((HD, 8), f32).at[:, :C].set(Wr2.T[:HD])
    wr2b = jnp.zeros((HD, 8), f32).at[:, :C].set(Wr2.T[HD:])
    b2r = jnp.zeros((1, 8), f32).at[0, :C].set(b2)

    z = _pool(agg2p, degp, ha, hb, wl2a, wl2b, wr2a, wr2b, b2r)
    zp = jnp.pad(z.reshape(T, 8), ((0, _ZROWS - T), (0, 0)))

    wih3 = jnp.zeros((3, 8, 8), f32)
    for k in range(3):
        wih3 = wih3.at[k, :C, :C].set(W_ih[C * k:C * (k + 1), :].T)
    bih3 = jnp.zeros((3, 1, 8), f32).at[:, 0, :C].set(b_ih.reshape(3, C))
    bhh3 = jnp.zeros((3, 1, 8), f32).at[:, 0, :C].set(b_hh.reshape(3, C))
    ct, rk, q = _head_consts()

    misc, h1 = _head(zp, wih3, bih3, bhh3, ct, rk, q)
    nce = misc[0, 0].reshape(1)
    acc = misc[0, 1]
    hidden = h1[:_TS0 + _NTS, :C][None]
    return nce, acc, hidden

# --- scband reference (transcript-rebuilt; emitter-appended) ---
"""Pipeline reference for scband-my-model-75076028334799 (READ-ONLY COPY).

The authoritative reference and input builder live on the scoring server;
editing this copy changes nothing except your own understanding.
"""

import jax, jax.numpy as jnp
import numpy as np

T, N, E, D, H, C = 36, 10000, 320000, 128, 128, 6


def setup_inputs(seed: int = 0) -> dict:
    key = jax.random.key(seed)
    ks = jax.random.split(key, 16)
    s = 0.05
    inp = {}
    inp["x"] = jax.random.normal(ks[0], (T, N, D), jnp.float32)
    inp["edge_index"] = jax.random.randint(ks[1], (T, 2, E), 0, N, dtype=jnp.int32)
    inp["batch"] = jnp.zeros((N,), jnp.int32)
    inp["Wl1"] = jax.random.normal(ks[2], (H, D), jnp.float32) * s
    inp["Wr1"] = jax.random.normal(ks[3], (H, D), jnp.float32) * s
    inp["b1"] = jnp.zeros((H,), jnp.float32)
    inp["Wl2"] = jax.random.normal(ks[4], (C, H), jnp.float32) * s
    inp["Wr2"] = jax.random.normal(ks[5], (C, H), jnp.float32) * s
    inp["b2"] = jnp.zeros((C,), jnp.float32)
    inp["W_ih"] = jax.random.normal(ks[6], (3 * C, C), jnp.float32) * s
    inp["W_hh"] = jax.random.normal(ks[7], (3 * C, C), jnp.float32) * s
    inp["b_ih"] = jnp.zeros((3 * C,), jnp.float32)
    inp["b_hh"] = jnp.zeros((3 * C,), jnp.float32)
    return inp


def _sage(xt, ei, Wl, Wr, b):
    # PyG SAGEConv with mean aggregation: W_l @ mean_j(x_j) + W_r @ x_i + b
    src, dst = ei[0], ei[1]
    msg = jnp.take(xt, src, axis=0)
    agg = jax.ops.segment_sum(msg, dst, num_segments=N)
    deg = jax.ops.segment_sum(jnp.ones((ei.shape[1],), xt.dtype), dst, num_segments=N)
    agg = agg / jnp.clip(deg, 1.0, None)[:, None]
    return agg @ Wl.T + xt @ Wr.T + b


def _gru_cell(xin, h, W_ih, W_hh, b_ih, b_hh):
    gi = xin @ W_ih.T + b_ih
    gh = h @ W_hh.T + b_hh
    i_r, i_z, i_n = jnp.split(gi, 3, axis=-1)
    h_r, h_z, h_n = jnp.split(gh, 3, axis=-1)
    r = jax.nn.sigmoid(i_r + h_r)
    zt = jax.nn.sigmoid(i_z + h_z)
    n = jnp.tanh(i_n + r * h_n)
    return (1.0 - zt) * n + zt * h


def reference(x, edge_index, batch, Wl1, Wr1, b1, Wl2, Wr2, b2, W_ih, W_hh, b_ih, b_hh):
    pooled = []
    for t in range(T):
        h = jax.nn.relu(_sage(x[t], edge_index[t], Wl1, Wr1, b1))
        # dropout skipped (eval mode)
        h = _sage(h, edge_index[t], Wl2, Wr2, b2)
        g = jax.ops.segment_max(h, batch, num_segments=1)  # global_max_pool, single graph
        pooled.append(g)
    z = jnp.stack(pooled)            # [T, 1, C]
    z = jnp.transpose(z, (1, 0, 2))  # [1, T, C]
    timestamp, n_samples, feat_dim = 12, 8, 6
    neg_dist = T // 6
    nce = jnp.zeros((1,), jnp.float32)
    correct = jnp.array(0, jnp.int32)
    cnt = 0
    hidden = None
    for t_sample in range(T // 6, (T * 5) // 6 - 20):
        cnt += 1
        rows = []
        for i in range(1, timestamp + 1):
            samp = [z[0, t_sample + i]]
            for j in range(1, n_samples):
                samp.append(z[0, t_sample + i + neg_dist + j])
            rows.append(jnp.stack(samp))
        enc = jnp.stack(rows)  # [12, 8, 6]
        # torch GRU (batch_first=False) sees [1, t+1, C]: seq_len=1, batch=t+1, h0=0
        forward_seq = z[0, :t_sample + 1]
        h0 = jnp.zeros((t_sample + 1, feat_dim), jnp.float32)
        h1 = _gru_cell(forward_seq, h0, W_ih, W_hh, b_ih, b_hh)
        hidden = h1[None]              # [1, t+1, C]
        c_t = h1[t_sample][None]       # [1, C]
        for i in range(timestamp):
            total = enc[i] @ c_t.T     # [8, 1]
            correct = correct + jnp.sum(jnp.argmax(jax.nn.softmax(total, axis=0), axis=0) == 0)
            nce = nce + jax.nn.log_softmax(total, axis=0)[0]
    nce = nce / (-1.0 * cnt * timestamp)
    acc = correct.astype(jnp.float32) / (cnt * timestamp)
    return nce, acc, hidden

if __name__ == "__main__":
    import jax
    _d = setup_inputs()
    print(jax.jit(kernel)(*tuple(_d.values())))

</pallas_src>

<mosaic_0001>
#map = affine_map<(d0, d1) -> (0, 0)>
#map1 = affine_map<(d0, d1) -> (0, 0, 0, 0)>
#map2 = affine_map<(d0, d1) -> (0, 0, 0, 0, 0)>
module attributes {stable_mosaic.version = 14 : i64} {
  func.func @body(%arg0: i32, %arg1: i32, %arg2: memref<368640x64xf32, #tpu.memory_space<hbm>>, %arg3: memref<368640x64xf32, #tpu.memory_space<hbm>>, %arg4: memref<36x32x126x80xi32, #tpu.memory_space<hbm>>, %arg5: memref<36x32x126x80xi32, #tpu.memory_space<hbm>>, %arg6: memref<640x64xf32, #tpu.memory_space<hbm>>, %arg7: memref<640x8xf32, #tpu.memory_space<hbm>>, %arg8: memref<80x8xf32, #tpu.memory_space<hbm>>, %arg9: memref<2x36x2x10240x64xf32, #tpu.memory_space<hbm>>, %arg10: memref<36x2x10240x8xf32, #tpu.memory_space<hbm>>, %arg11: memref<126x80xi32, #tpu.memory_space<vmem>>, %arg12: memref<126x80xi32, #tpu.memory_space<vmem>>, %arg13: memref<3x80x64xf32, #tpu.memory_space<vmem>>, %arg14: memref<80x8xf32, #tpu.memory_space<vmem>>, %arg15: memref<640x64xf32, #tpu.memory_space<vmem>>, %arg16: memref<640x8xf32, #tpu.memory_space<vmem>>, %arg17: memref<!tpu.dma_semaphore, #tpu.memory_space<semaphore_mem>>, %arg18: memref<!tpu.dma_semaphore, #tpu.memory_space<semaphore_mem>>, %arg19: memref<!tpu.dma_semaphore, #tpu.memory_space<semaphore_mem>>, %arg20: memref<!tpu.dma_semaphore, #tpu.memory_space<semaphore_mem>>, %arg21: memref<!tpu.dma_semaphore, #tpu.memory_space<semaphore_mem>>, %arg22: memref<!tpu.dma_semaphore, #tpu.memory_space<semaphore_mem>>, %arg23: memref<!tpu.dma_semaphore, #tpu.memory_space<semaphore_mem>>, %arg24: memref<!tpu.dma_semaphore, #tpu.memory_space<semaphore_mem>>, %arg25: memref<!tpu.dma_semaphore, #tpu.memory_space<semaphore_mem>>, %arg26: memref<10240x64xf32, #tpu.memory_space<vmem_shared>>, %arg27: memref<10240x8xf32, #tpu.memory_space<vmem_shared>>) attributes {dimension_semantics = [#tpu.dimension_semantics<core_parallel>, #tpu.dimension_semantics<subcore_parallel>], iteration_bounds = array<i64: 2, 16>, scalar_prefetch = 0 : i64, scratch_operands = 17 : i64, tpu.core_type = #tpu.core_type<sc_vector_subcore>, window_params = [{transform_indices = #map}, {transform_indices = #map}, {transform_indices = #map1}, {transform_indices = #map1}, {transform_indices = #map}, {transform_indices = #map}, {transform_indices = #map}, {transform_indices = #map2}, {transform_indices = #map1}]} {
    %mul3A = arith.constant 2 : i32
    %mul3A_0 = arith.muli %arg1, %mul3A : i32
    %add3A = arith.addi %mul3A_0, %arg0 : i32
    "tpu.region"() ({
      %run_scoped3A = tpu.sem_alloc : memref<!tpu.dma_semaphore, #tpu.memory_space<semaphore_mem>>
      tpu.enqueue_dma source(%arg8 : memref<80x8xf32, #tpu.memory_space<hbm>>) target(%arg14 : memref<80x8xf32, #tpu.memory_space<vmem>>) target_semaphore(%run_scoped3A : memref<!tpu.dma_semaphore, #tpu.memory_space<semaphore_mem>>)
      tpu.wait_dma2 semaphore(%run_scoped3A : memref<!tpu.dma_semaphore, #tpu.memory_space<semaphore_mem>>) src(%arg8 : memref<80x8xf32, #tpu.memory_space<hbm>>) dst(%arg14 : memref<80x8xf32, #tpu.memory_space<vmem>>)
      tpu.yield
    }) : () -> ()
    "tpu.region"() ({
      %run_scoped3A = tpu.sem_alloc : memref<!tpu.dma_semaphore, #tpu.memory_space<semaphore_mem>>
      tpu.enqueue_dma source(%arg6 : memref<640x64xf32, #tpu.memory_space<hbm>>) target(%arg15 : memref<640x64xf32, #tpu.memory_space<vmem>>) target_semaphore(%run_scoped3A : memref<!tpu.dma_semaphore, #tpu.memory_space<semaphore_mem>>)
      tpu.wait_dma2 semaphore(%run_scoped3A : memref<!tpu.dma_semaphore, #tpu.memory_space<semaphore_mem>>) src(%arg6 : memref<640x64xf32, #tpu.memory_space<hbm>>) dst(%arg15 : memref<640x64xf32, #tpu.memory_space<vmem>>)
      tpu.yield
    }) : () -> ()
    "tpu.region"() ({
      %run_scoped3A = tpu.sem_alloc : memref<!tpu.dma_semaphore, #tpu.memory_space<semaphore_mem>>
      tpu.enqueue_dma source(%arg7 : memref<640x8xf32, #tpu.memory_space<hbm>>) target(%arg16 : memref<640x8xf32, #tpu.memory_space<vmem>>) target_semaphore(%run_scoped3A : memref<!tpu.dma_semaphore, #tpu.memory_space<semaphore_mem>>)
      tpu.wait_dma2 semaphore(%run_scoped3A : memref<!tpu.dma_semaphore, #tpu.memory_space<semaphore_mem>>) src(%arg7 : memref<640x8xf32, #tpu.memory_space<hbm>>) dst(%arg16 : memref<640x8xf32, #tpu.memory_space<vmem>>)
      tpu.yield
    }) : () -> ()
    %scan3A = arith.constant 0 : i32
    %scan3A_1 = arith.constant 0 : i32
    %scan3A_2 = arith.constant 36 : i32
    %scan3A_3 = arith.addi %scan3A_1, %scan3A_2 : i32
    %scan3A_4 = arith.constant 1 : i32
    scf.for %scan3A_6 = %scan3A_1 to %scan3A_3 step %scan3A_4  : i32 {
      "tpu.region"() ({
        %run_scoped3A_43 = tpu.sem_alloc : memref<!tpu.dma_semaphore, #tpu.memory_space<semaphore_mem>>
        %dma_start3A = arith.constant 0 : i32
        %dma_start3A_44 = arith.constant 0 : i32
        %dma_start3A_45 = tpu.memref_slice %arg4[%scan3A_6, %add3A, %dma_start3A, %dma_start3A_44] : memref<36x32x126x80xi32, #tpu.memory_space<hbm>> -> memref<1x1x126x80xi32, #tpu.memory_space<hbm>>
        %dma_start3A_46 = tpu.memref_squeeze %dma_start3A_45 : memref<1x1x126x80xi32, #tpu.memory_space<hbm>> -> memref<126x80xi32, #tpu.memory_space<hbm>>
        %dma_start3A_47 = arith.constant 0 : i32
        %dma_start3A_48 = arith.constant 0 : i32
        %dma_start3A_49 = tpu.memref_slice %arg4[%scan3A_6, %add3A, %dma_start3A_47, %dma_start3A_48] : memref<36x32x126x80xi32, #tpu.memory_space<hbm>> -> memref<1x1x126x80xi32, #tpu.memory_space<hbm>>
        %dma_start3A_50 = tpu.memref_squeeze %dma_start3A_49 : memref<1x1x126x80xi32, #tpu.memory_space<hbm>> -> memref<126x80xi32, #tpu.memory_space<hbm>>
        tpu.enqueue_dma source(%dma_start3A_50 : memref<126x80xi32, #tpu.memory_space<hbm>>) target(%arg11 : memref<126x80xi32, #tpu.memory_space<vmem>>) target_semaphore(%run_scoped3A_43 : memref<!tpu.dma_semaphore, #tpu.memory_space<semaphore_mem>>)
        %dma_wait3A = arith.constant 0 : i32
        %dma_wait3A_51 = arith.constant 0 : i32
        %dma_wait3A_52 = tpu.memref_slice %arg4[%scan3A_6, %add3A, %dma_wait3A, %dma_wait3A_51] : memref<36x32x126x80xi32, #tpu.memory_space<hbm>> -> memref<1x1x126x80xi32, #tpu.memory_space<hbm>>
        %dma_wait3A_53 = tpu.memref_squeeze %dma_wait3A_52 : memref<1x1x126x80xi32, #tpu.memory_space<hbm>> -> memref<126x80xi32, #tpu.memory_space<hbm>>
        %dma_wait3A_54 = arith.constant 0 : i32
        %dma_wait3A_55 = arith.constant 0 : i32
        %dma_wait3A_56 = tpu.memref_slice %arg4[%scan3A_6, %add3A, %dma_wait3A_54, %dma_wait3A_55] : memref<36x32x126x80xi32, #tpu.memory_space<hbm>> -> memref<1x1x126x80xi32, #tpu.memory_space<hbm>>
        %dma_wait3A_57 = tpu.memref_squeeze %dma_wait3A_56 : memref<1x1x126x80xi32, #tpu.memory_space<hbm>> -> memref<126x80xi32, #tpu.memory_space<hbm>>
        tpu.wait_dma2 semaphore(%run_scoped3A_43 : memref<!tpu.dma_semaphore, #tpu.memory_space<semaphore_mem>>) src(%dma_wait3A_57 : memref<126x80xi32, #tpu.memory_space<hbm>>) dst(%arg11 : memref<126x80xi32, #tpu.memory_space<vmem>>)
        tpu.yield
      }) : () -> ()
      "tpu.region"() ({
        %run_scoped3A_43 = tpu.sem_alloc : memref<!tpu.dma_semaphore, #tpu.memory_space<semaphore_mem>>
        %dma_start3A = arith.constant 0 : i32
        %dma_start3A_44 = arith.constant 0 : i32
        %dma_start3A_45 = tpu.memref_slice %arg5[%scan3A_6, %add3A, %dma_start3A, %dma_start3A_44] : memref<36x32x126x80xi32, #tpu.memory_space<hbm>> -> memref<1x1x126x80xi32, #tpu.memory_space<hbm>>
        %dma_start3A_46 = tpu.memref_squeeze %dma_start3A_45 : memref<1x1x126x80xi32, #tpu.memory_space<hbm>> -> memref<126x80xi32, #tpu.memory_space<hbm>>
        %dma_start3A_47 = arith.constant 0 : i32
        %dma_start3A_48 = arith.constant 0 : i32
        %dma_start3A_49 = tpu.memref_slice %arg5[%scan3A_6, %add3A, %dma_start3A_47, %dma_start3A_48] : memref<36x32x126x80xi32, #tpu.memory_space<hbm>> -> memref<1x1x126x80xi32, #tpu.memory_space<hbm>>
        %dma_start3A_50 = tpu.memref_squeeze %dma_start3A_49 : memref<1x1x126x80xi32, #tpu.memory_space<hbm>> -> memref<126x80xi32, #tpu.memory_space<hbm>>
        tpu.enqueue_dma source(%dma_start3A_50 : memref<126x80xi32, #tpu.memory_space<hbm>>) target(%arg12 : memref<126x80xi32, #tpu.memory_space<vmem>>) target_semaphore(%run_scoped3A_43 : memref<!tpu.dma_semaphore, #tpu.memory_space<semaphore_mem>>)
        %dma_wait3A = arith.constant 0 : i32
        %dma_wait3A_51 = arith.constant 0 : i32
        %dma_wait3A_52 = tpu.memref_slice %arg5[%scan3A_6, %add3A, %dma_wait3A, %dma_wait3A_51] : memref<36x32x126x80xi32, #tpu.memory_space<hbm>> -> memref<1x1x126x80xi32, #tpu.memory_space<hbm>>
        %dma_wait3A_53 = tpu.memref_squeeze %dma_wait3A_52 : memref<1x1x126x80xi32, #tpu.memory_space<hbm>> -> memref<126x80xi32, #tpu.memory_space<hbm>>
        %dma_wait3A_54 = arith.constant 0 : i32
        %dma_wait3A_55 = arith.constant 0 : i32
        %dma_wait3A_56 = tpu.memref_slice %arg5[%scan3A_6, %add3A, %dma_wait3A_54, %dma_wait3A_55] : memref<36x32x126x80xi32, #tpu.memory_space<hbm>> -> memref<1x1x126x80xi32, #tpu.memory_space<hbm>>
        %dma_wait3A_57 = tpu.memref_squeeze %dma_wait3A_56 : memref<1x1x126x80xi32, #tpu.memory_space<hbm>> -> memref<126x80xi32, #tpu.memory_space<hbm>>
        tpu.wait_dma2 semaphore(%run_scoped3A_43 : memref<!tpu.dma_semaphore, #tpu.memory_space<semaphore_mem>>) src(%dma_wait3A_57 : memref<126x80xi32, #tpu.memory_space<hbm>>) dst(%arg12 : memref<126x80xi32, #tpu.memory_space<vmem>>)
        tpu.yield
      }) : () -> ()
      %mul3A_7 = arith.constant 640 : i32
      %mul3A_8 = arith.muli %arg1, %mul3A_7 : i32
      "tpu.region"() ({
        %run_scoped3A_43 = tpu.sem_alloc : memref<!tpu.dma_semaphore, #tpu.memory_space<semaphore_mem>>
        %dma_start3A = arith.constant 0 : i32
        %dma_start3A_44 = tpu.memref_slice %arg26[%mul3A_8, %dma_start3A] : memref<10240x64xf32, #tpu.memory_space<vmem_shared>> -> memref<640x64xf32, #tpu.memory_space<vmem_shared>>
        %dma_start3A_45 = arith.constant 0 : i32
        %dma_start3A_46 = tpu.memref_slice %arg26[%mul3A_8, %dma_start3A_45] : memref<10240x64xf32, #tpu.memory_space<vmem_shared>> -> memref<640x64xf32, #tpu.memory_space<vmem_shared>>
        tpu.enqueue_dma source(%arg15 : memref<640x64xf32, #tpu.memory_space<vmem>>) target(%dma_start3A_46 : memref<640x64xf32, #tpu.memory_space<vmem_shared>>) target_semaphore(%run_scoped3A_43 : memref<!tpu.dma_semaphore, #tpu.memory_space<semaphore_mem>>)
        %dma_wait3A = arith.constant 0 : i32
        %dma_wait3A_47 = tpu.memref_slice %arg26[%mul3A_8, %dma_wait3A] : memref<10240x64xf32, #tpu.memory_space<vmem_shared>> -> memref<640x64xf32, #tpu.memory_space<vmem_shared>>
        %dma_wait3A_48 = arith.constant 0 : i32
        %dma_wait3A_49 = tpu.memref_slice %arg26[%mul3A_8, %dma_wait3A_48] : memref<10240x64xf32, #tpu.memory_space<vmem_shared>> -> memref<640x64xf32, #tpu.memory_space<vmem_shared>>
        tpu.wait_dma2 semaphore(%run_scoped3A_43 : memref<!tpu.dma_semaphore, #tpu.memory_space<semaphore_mem>>) src(%arg15 : memref<640x64xf32, #tpu.memory_space<vmem>>) dst(%dma_wait3A_49 : memref<640x64xf32, #tpu.memory_space<vmem_shared>>)
        tpu.yield
      }) : () -> ()
      %mul3A_9 = arith.constant 640 : i32
      %mul3A_10 = arith.muli %arg1, %mul3A_9 : i32
      "tpu.region"() ({
        %run_scoped3A_43 = tpu.sem_alloc : memref<!tpu.dma_semaphore, #tpu.memory_space<semaphore_mem>>
        %dma_start3A = arith.constant 0 : i32
        %dma_start3A_44 = tpu.memref_slice %arg27[%mul3A_10, %dma_start3A] : memref<10240x8xf32, #tpu.memory_space<vmem_shared>> -> memref<640x8xf32, #tpu.memory_space<vmem_shared>>
        %dma_start3A_45 = arith.constant 0 : i32
        %dma_start3A_46 = tpu.memref_slice %arg27[%mul3A_10, %dma_start3A_45] : memref<10240x8xf32, #tpu.memory_space<vmem_shared>> -> memref<640x8xf32, #tpu.memory_space<vmem_shared>>
        tpu.enqueue_dma source(%arg16 : memref<640x8xf32, #tpu.memory_space<vmem>>) target(%dma_start3A_46 : memref<640x8xf32, #tpu.memory_space<vmem_shared>>) target_semaphore(%run_scoped3A_43 : memref<!tpu.dma_semaphore, #tpu.memory_space<semaphore_mem>>)
        %dma_wait3A = arith.constant 0 : i32
        %dma_wait3A_47 = tpu.memref_slice %arg27[%mul3A_10, %dma_wait3A] : memref<10240x8xf32, #tpu.memory_space<vmem_shared>> -> memref<640x8xf32, #tpu.memory_space<vmem_shared>>
        %dma_wait3A_48 = arith.constant 0 : i32
        %dma_wait3A_49 = tpu.memref_slice %arg27[%mul3A_10, %dma_wait3A_48] : memref<10240x8xf32, #tpu.memory_space<vmem_shared>> -> memref<640x8xf32, #tpu.memory_space<vmem_shared>>
        tpu.wait_dma2 semaphore(%run_scoped3A_43 : memref<!tpu.dma_semaphore, #tpu.memory_space<semaphore_mem>>) src(%arg16 : memref<640x8xf32, #tpu.memory_space<vmem>>) dst(%dma_wait3A_49 : memref<640x8xf32, #tpu.memory_space<vmem_shared>>)
        tpu.yield
      }) : () -> ()
      %barrier3A = arith.constant 0 : index
      tpu.barrier barrier_id(%barrier3A)
      %scan3A_11 = arith.constant 0 : i32
      %scan3A_12 = arith.constant 0 : i32
      %scan3A_13 = arith.constant 42 : i32
      %scan3A_14 = arith.addi %scan3A_12, %scan3A_13 : i32
      %scan3A_15 = arith.constant 1 : i32
      scf.for %scan3A_43 = %scan3A_12 to %scan3A_14 step %scan3A_15  : i32 {
        %mul3A_44 = arith.constant 3 : i32
        %mul3A_45 = arith.muli %mul3A_44, %scan3A_43 : i32
        %add3A_46 = arith.constant 0 : i32
        %add3A_47 = arith.addi %mul3A_45, %add3A_46 : i32
        %dma_start3A = arith.constant 0 : i32
        %dma_start3A_48 = arith.constant 0 : i32
        %dma_start3A_49 = arith.constant 0 : i32
        %dma_start3A_50 = tpu.memref_slice %arg13[%dma_start3A, %dma_start3A_48, %dma_start3A_49] : memref<3x80x64xf32, #tpu.memory_space<vmem>> -> memref<1x80x64xf32, #tpu.memory_space<vmem>>
        %dma_start3A_51 = tpu.memref_squeeze %dma_start3A_50 : memref<1x80x64xf32, #tpu.memory_space<vmem>> -> memref<80x64xf32, #tpu.memory_space<vmem>>
        %dma_start3A_52 = arith.constant 0 : i32
        %dma_start3A_53 = tpu.memref_slice %arg11[%add3A_47, %dma_start3A_52] : memref<126x80xi32, #tpu.memory_space<vmem>> -> memref<1x80xi32, #tpu.memory_space<vmem>>
        %dma_start3A_54 = tpu.memref_squeeze %dma_start3A_53 : memref<1x80xi32, #tpu.memory_space<vmem>> -> memref<80xi32, #tpu.memory_space<vmem>>
        %dma_start3A_55 = arith.constant 0 : i32
        %dma_start3A_56 = arith.constant 0 : i32
        %dma_start3A_57 = tpu.memref_slice %arg2[%dma_start3A_55, %dma_start3A_56] : memref<368640x64xf32, #tpu.memory_space<hbm>> -> memref<368640x64xf32, #tpu.memory_space<hbm>>
        tpu.enqueue_indirect_dma source(%dma_start3A_57 : memref<368640x64xf32, #tpu.memory_space<hbm>>) target(%dma_start3A_51 : memref<80x64xf32, #tpu.memory_space<vmem>>) offsets(%dma_start3A_54 : memref<80xi32, #tpu.memory_space<vmem>>) semaphore(%arg17 : memref<!tpu.dma_semaphore, #tpu.memory_space<semaphore_mem>>)
        %add3A_58 = arith.constant 1 : i32
        %add3A_59 = arith.addi %mul3A_45, %add3A_58 : i32
        %dma_start3A_60 = arith.constant 1 : i32
        %dma_start3A_61 = arith.constant 0 : i32
        %dma_start3A_62 = arith.constant 0 : i32
        %dma_start3A_63 = tpu.memref_slice %arg13[%dma_start3A_60, %dma_start3A_61, %dma_start3A_62] : memref<3x80x64xf32, #tpu.memory_space<vmem>> -> memref<1x80x64xf32, #tpu.memory_space<vmem>>
        %dma_start3A_64 = tpu.memref_squeeze %dma_start3A_63 : memref<1x80x64xf32, #tpu.memory_space<vmem>> -> memref<80x64xf32, #tpu.memory_space<vmem>>
        %dma_start3A_65 = arith.constant 0 : i32
        %dma_start3A_66 = tpu.memref_slice %arg11[%add3A_59, %dma_start3A_65] : memref<126x80xi32, #tpu.memory_space<vmem>> -> memref<1x80xi32, #tpu.memory_space<vmem>>
        %dma_start3A_67 = tpu.memref_squeeze %dma_start3A_66 : memref<1x80xi32, #tpu.memory_space<vmem>> -> memref<80xi32, #tpu.memory_space<vmem>>
        %dma_start3A_68 = arith.constant 0 : i32
        %dma_start3A_69 = arith.constant 0 : i32
        %dma_start3A_70 = tpu.memref_slice %arg2[%dma_start3A_68, %dma_start3A_69] : memref<368640x64xf32, #tpu.memory_space<hbm>> -> memref<368640x64xf32, #tpu.memory_space<hbm>>
        tpu.enqueue_indirect_dma source(%dma_start3A_70 : memref<368640x64xf32, #tpu.memory_space<hbm>>) target(%dma_start3A_64 : memref<80x64xf32, #tpu.memory_space<vmem>>) offsets(%dma_start3A_67 : memref<80xi32, #tpu.memory_space<vmem>>) semaphore(%arg18 : memref<!tpu.dma_semaphore, #tpu.memory_space<semaphore_mem>>)
        %add3A_71 = arith.constant 2 : i32
        %add3A_72 = arith.addi %mul3A_45, %add3A_71 : i32
        %dma_start3A_73 = arith.constant 2 : i32
        %dma_start3A_74 = arith.constant 0 : i32
        %dma_start3A_75 = arith.constant 0 : i32
        %dma_start3A_76 = tpu.memref_slice %arg13[%dma_start3A_73, %dma_start3A_74, %dma_start3A_75] : memref<3x80x64xf32, #tpu.memory_space<vmem>> -> memref<1x80x64xf32, #tpu.memory_space<vmem>>
        %dma_start3A_77 = tpu.memref_squeeze %dma_start3A_76 : memref<1x80x64xf32, #tpu.memory_space<vmem>> -> memref<80x64xf32, #tpu.memory_space<vmem>>
        %dma_start3A_78 = arith.constant 0 : i32
        %dma_start3A_79 = tpu.memref_slice %arg11[%add3A_72, %dma_start3A_78] : memref<126x80xi32, #tpu.memory_space<vmem>> -> memref<1x80xi32, #tpu.memory_space<vmem>>
        %dma_start3A_80 = tpu.memref_squeeze %dma_start3A_79 : memref<1x80xi32, #tpu.memory_space<vmem>> -> memref<80xi32, #tpu.memory_space<vmem>>
        %dma_start3A_81 = arith.constant 0 : i32
        %dma_start3A_82 = arith.constant 0 : i32
        %dma_start3A_83 = tpu.memref_slice %arg2[%dma_start3A_81, %dma_start3A_82] : memref<368640x64xf32, #tpu.memory_space<hbm>> -> memref<368640x64xf32, #tpu.memory_space<hbm>>
        tpu.enqueue_indirect_dma source(%dma_start3A_83 : memref<368640x64xf32, #tpu.memory_space<hbm>>) target(%dma_start3A_77 : memref<80x64xf32, #tpu.memory_space<vmem>>) offsets(%dma_start3A_80 : memref<80xi32, #tpu.memory_space<vmem>>) semaphore(%arg19 : memref<!tpu.dma_semaphore, #tpu.memory_space<semaphore_mem>>)
        %dma_wait3A = arith.constant 0 : i32
        %dma_wait3A_84 = arith.constant 0 : i32
        %dma_wait3A_85 = arith.constant 0 : i32
        %dma_wait3A_86 = tpu.memref_slice %arg13[%dma_wait3A, %dma_wait3A_84, %dma_wait3A_85] : memref<3x80x64xf32, #tpu.memory_space<vmem>> -> memref<1x80x64xf32, #tpu.memory_space<vmem>>
        %dma_wait3A_87 = tpu.memref_squeeze %dma_wait3A_86 : memref<1x80x64xf32, #tpu.memory_space<vmem>> -> memref<80x64xf32, #tpu.memory_space<vmem>>
        %dma_wait3A_88 = arith.constant 0 : i32
        %dma_wait3A_89 = tpu.memref_slice %arg11[%add3A_47, %dma_wait3A_88] : memref<126x80xi32, #tpu.memory_space<vmem>> -> memref<1x80xi32, #tpu.memory_space<vmem>>
        %dma_wait3A_90 = tpu.memref_squeeze %dma_wait3A_89 : memref<1x80xi32, #tpu.memory_space<vmem>> -> memref<80xi32, #tpu.memory_space<vmem>>
        %dma_wait3A_91 = arith.constant 0 : i32
        %dma_wait3A_92 = arith.constant 0 : i32
        %dma_wait3A_93 = tpu.memref_slice %arg2[%dma_wait3A_91, %dma_wait3A_92] : memref<368640x64xf32, #tpu.memory_space<hbm>> -> memref<368640x64xf32, #tpu.memory_space<hbm>>
        tpu.wait_indirect_dma semaphore(%arg17 : memref<!tpu.dma_semaphore, #tpu.memory_space<semaphore_mem>>) src(%dma_wait3A_93 : memref<368640x64xf32, #tpu.memory_space<hbm>>) dst(%dma_wait3A_87 : memref<80x64xf32, #tpu.memory_space<vmem>>)
        %add3A_94 = arith.constant 0 : i32
        %add3A_95 = arith.addi %mul3A_45, %add3A_94 : i32
        %dma_start3A_96 = arith.constant 0 : i32
        %dma_start3A_97 = arith.constant 0 : i32
        %dma_start3A_98 = arith.constant 0 : i32
        %dma_start3A_99 = tpu.memref_slice %arg13[%dma_start3A_96, %dma_start3A_97, %dma_start3A_98] : memref<3x80x64xf32, #tpu.memory_space<vmem>> -> memref<1x80x64xf32, #tpu.memory_space<vmem>>
        %dma_start3A_100 = tpu.memref_squeeze %dma_start3A_99 : memref<1x80x64xf32, #tpu.memory_space<vmem>> -> memref<80x64xf32, #tpu.memory_space<vmem>>
        %dma_start3A_101 = arith.constant 0 : i32
        %dma_start3A_102 = tpu.memref_slice %arg12[%add3A_95, %dma_start3A_101] : memref<126x80xi32, #tpu.memory_space<vmem>> -> memref<1x80xi32, #tpu.memory_space<vmem>>
        %dma_start3A_103 = tpu.memref_squeeze %dma_start3A_102 : memref<1x80xi32, #tpu.memory_space<vmem>> -> memref<80xi32, #tpu.memory_space<vmem>>
        %dma_start3A_104 = arith.constant 0 : i32
        %dma_start3A_105 = arith.constant 0 : i32
        %dma_start3A_106 = tpu.memref_slice %arg26[%dma_start3A_104, %dma_start3A_105] : memref<10240x64xf32, #tpu.memory_space<vmem_shared>> -> memref<10240x64xf32, #tpu.memory_space<vmem_shared>>
        tpu.enqueue_indirect_dma source(%dma_start3A_100 : memref<80x64xf32, #tpu.memory_space<vmem>>) target(%dma_start3A_106 : memref<10240x64xf32, #tpu.memory_space<vmem_shared>>) offsets(%dma_start3A_103 : memref<80xi32, #tpu.memory_space<vmem>>) semaphore(%arg20 : memref<!tpu.dma_semaphore, #tpu.memory_space<semaphore_mem>>) {add = true}
        %add3A_107 = arith.constant 0 : i32
        %add3A_108 = arith.addi %mul3A_45, %add3A_107 : i32
        %dma_start3A_109 = arith.constant 0 : i32
        %dma_start3A_110 = tpu.memref_slice %arg12[%add3A_108, %dma_start3A_109] : memref<126x80xi32, #tpu.memory_space<vmem>> -> memref<1x80xi32, #tpu.memory_space<vmem>>
        %dma_start3A_111 = tpu.memref_squeeze %dma_start3A_110 : memref<1x80xi32, #tpu.memory_space<vmem>> -> memref<80xi32, #tpu.memory_space<vmem>>
        %dma_start3A_112 = arith.constant 0 : i32
        %dma_start3A_113 = arith.constant 0 : i32
        %dma_start3A_114 = tpu.memref_slice %arg27[%dma_start3A_112, %dma_start3A_113] : memref<10240x8xf32, #tpu.memory_space<vmem_shared>> -> memref<10240x8xf32, #tpu.memory_space<vmem_shared>>
        tpu.enqueue_indirect_dma source(%arg14 : memref<80x8xf32, #tpu.memory_space<vmem>>) target(%dma_start3A_114 : memref<10240x8xf32, #tpu.memory_space<vmem_shared>>) offsets(%dma_start3A_111 : memref<80xi32, #tpu.memory_space<vmem>>) semaphore(%arg23 : memref<!tpu.dma_semaphore, #tpu.memory_space<semaphore_mem>>) {add = true}
        %dma_wait3A_115 = arith.constant 1 : i32
        %dma_wait3A_116 = arith.constant 0 : i32
        %dma_wait3A_117 = arith.constant 0 : i32
        %dma_wait3A_118 = tpu.memref_slice %arg13[%dma_wait3A_115, %dma_wait3A_116, %dma_wait3A_117] : memref<3x80x64xf32, #tpu.memory_space<vmem>> -> memref<1x80x64xf32, #tpu.memory_space<vmem>>
        %dma_wait3A_119 = tpu.memref_squeeze %dma_wait3A_118 : memref<1x80x64xf32, #tpu.memory_space<vmem>> -> memref<80x64xf32, #tpu.memory_space<vmem>>
        %dma_wait3A_120 = arith.constant 0 : i32
        %dma_wait3A_121 = tpu.memref_slice %arg11[%add3A_59, %dma_wait3A_120] : memref<126x80xi32, #tpu.memory_space<vmem>> -> memref<1x80xi32, #tpu.memory_space<vmem>>
        %dma_wait3A_122 = tpu.memref_squeeze %dma_wait3A_121 : memref<1x80xi32, #tpu.memory_space<vmem>> -> memref<80xi32, #tpu.memory_space<vmem>>
        %dma_wait3A_123 = arith.constant 0 : i32
        %dma_wait3A_124 = arith.constant 0 : i32
        %dma_wait3A_125 = tpu.memref_slice %arg2[%dma_wait3A_123, %dma_wait3A_124] : memref<368640x64xf32, #tpu.memory_space<hbm>> -> memref<368640x64xf32, #tpu.memory_space<hbm>>
        tpu.wait_indirect_dma semaphore(%arg18 : memref<!tpu.dma_semaphore, #tpu.memory_space<semaphore_mem>>) src(%dma_wait3A_125 : memref<368640x64xf32, #tpu.memory_space<hbm>>) dst(%dma_wait3A_119 : memref<80x64xf32, #tpu.memory_space<vmem>>)
        %add3A_126 = arith.constant 1 : i32
        %add3A_127 = arith.addi %mul3A_45, %add3A_126 : i32
        %dma_start3A_128 = arith.constant 1 : i32
        %dma_start3A_129 = arith.constant 0 : i32
        %dma_start3A_130 = arith.constant 0 : i32
        %dma_start3A_131 = tpu.memref_slice %arg13[%dma_start3A_128, %dma_start3A_129, %dma_start3A_130] : memref<3x80x64xf32, #tpu.memory_space<vmem>> -> memref<1x80x64xf32, #tpu.memory_space<vmem>>
        %dma_start3A_132 = tpu.memref_squeeze %dma_start3A_131 : memref<1x80x64xf32, #tpu.memory_space<vmem>> -> memref<80x64xf32, #tpu.memory_space<vmem>>
        %dma_start3A_133 = arith.constant 0 : i32
        %dma_start3A_134 = tpu.memref_slice %arg12[%add3A_127, %dma_start3A_133] : memref<126x80xi32, #tpu.memory_space<vmem>> -> memref<1x80xi32, #tpu.memory_space<vmem>>
        %dma_start3A_135 = tpu.memref_squeeze %dma_start3A_134 : memref<1x80xi32, #tpu.memory_space<vmem>> -> memref<80xi32, #tpu.memory_space<vmem>>
        %dma_start3A_136 = arith.constant 0 : i32
        %dma_start3A_137 = arith.constant 0 : i32
        %dma_start3A_138 = tpu.memref_slice %arg26[%dma_start3A_136, %dma_start3A_137] : memref<10240x64xf32, #tpu.memory_space<vmem_shared>> -> memref<10240x64xf32, #tpu.memory_space<vmem_shared>>
        tpu.enqueue_indirect_dma source(%dma_start3A_132 : memref<80x64xf32, #tpu.memory_space<vmem>>) target(%dma_start3A_138 : memref<10240x64xf32, #tpu.memory_space<vmem_shared>>) offsets(%dma_start3A_135 : memref<80xi32, #tpu.memory_space<vmem>>) semaphore(%arg21 : memref<!tpu.dma_semaphore, #tpu.memory_space<semaphore_mem>>) {add = true}
        %add3A_139 = arith.constant 1 : i32
        %add3A_140 = arith.addi %mul3A_45, %add3A_139 : i32
        %dma_start3A_141 = arith.constant 0 : i32
        %dma_start3A_142 = tpu.memref_slice %arg12[%add3A_140, %dma_start3A_141] : memref<126x80xi32, #tpu.memory_space<vmem>> -> memref<1x80xi32, #tpu.memory_space<vmem>>
        %dma_start3A_143 = tpu.memref_squeeze %dma_start3A_142 : memref<1x80xi32, #tpu.memory_space<vmem>> -> memref<80xi32, #tpu.memory_space<vmem>>
        %dma_start3A_144 = arith.constant 0 : i32
        %dma_start3A_145 = arith.constant 0 : i32
        %dma_start3A_146 = tpu.memref_slice %arg27[%dma_start3A_144, %dma_start3A_145] : memref<10240x8xf32, #tpu.memory_space<vmem_shared>> -> memref<10240x8xf32, #tpu.memory_space<vmem_shared>>
        tpu.enqueue_indirect_dma source(%arg14 : memref<80x8xf32, #tpu.memory_space<vmem>>) target(%dma_start3A_146 : memref<10240x8xf32, #tpu.memory_space<vmem_shared>>) offsets(%dma_start3A_143 : memref<80xi32, #tpu.memory_space<vmem>>) semaphore(%arg24 : memref<!tpu.dma_semaphore, #tpu.memory_space<semaphore_mem>>) {add = true}
        %dma_wait3A_147 = arith.constant 2 : i32
        %dma_wait3A_148 = arith.constant 0 : i32
        %dma_wait3A_149 = arith.constant 0 : i32
        %dma_wait3A_150 = tpu.memref_slice %arg13[%dma_wait3A_147, %dma_wait3A_148, %dma_wait3A_149] : memref<3x80x64xf32, #tpu.memory_space<vmem>> -> memref<1x80x64xf32, #tpu.memory_space<vmem>>
        %dma_wait3A_151 = tpu.memref_squeeze %dma_wait3A_150 : memref<1x80x64xf32, #tpu.memory_space<vmem>> -> memref<80x64xf32, #tpu.memory_space<vmem>>
        %dma_wait3A_152 = arith.constant 0 : i32
        %dma_wait3A_153 = tpu.memref_slice %arg11[%add3A_72, %dma_wait3A_152] : memref<126x80xi32, #tpu.memory_space<vmem>> -> memref<1x80xi32, #tpu.memory_space<vmem>>
        %dma_wait3A_154 = tpu.memref_squeeze %dma_wait3A_153 : memref<1x80xi32, #tpu.memory_space<vmem>> -> memref<80xi32, #tpu.memory_space<vmem>>
        %dma_wait3A_155 = arith.constant 0 : i32
        %dma_wait3A_156 = arith.constant 0 : i32
        %dma_wait3A_157 = tpu.memref_slice %arg2[%dma_wait3A_155, %dma_wait3A_156] : memref<368640x64xf32, #tpu.memory_space<hbm>> -> memref<368640x64xf32, #tpu.memory_space<hbm>>
        tpu.wait_indirect_dma semaphore(%arg19 : memref<!tpu.dma_semaphore, #tpu.memory_space<semaphore_mem>>) src(%dma_wait3A_157 : memref<368640x64xf32, #tpu.memory_space<hbm>>) dst(%dma_wait3A_151 : memref<80x64xf32, #tpu.memory_space<vmem>>)
        %add3A_158 = arith.constant 2 : i32
        %add3A_159 = arith.addi %mul3A_45, %add3A_158 : i32
        %dma_start3A_160 = arith.constant 2 : i32
        %dma_start3A_161 = arith.constant 0 : i32
        %dma_start3A_162 = arith.constant 0 : i32
        %dma_start3A_163 = tpu.memref_slice %arg13[%dma_start3A_160, %dma_start3A_161, %dma_start3A_162] : memref<3x80x64xf32, #tpu.memory_space<vmem>> -> memref<1x80x64xf32, #tpu.memory_space<vmem>>
        %dma_start3A_164 = tpu.memref_squeeze %dma_start3A_163 : memref<1x80x64xf32, #tpu.memory_space<vmem>> -> memref<80x64xf32, #tpu.memory_space<vmem>>
        %dma_start3A_165 = arith.constant 0 : i32
        %dma_start3A_166 = tpu.memref_slice %arg12[%add3A_159, %dma_start3A_165] : memref<126x80xi32, #tpu.memory_space<vmem>> -> memref<1x80xi32, #tpu.memory_space<vmem>>
        %dma_start3A_167 = tpu.memref_squeeze %dma_start3A_166 : memref<1x80xi32, #tpu.memory_space<vmem>> -> memref<80xi32, #tpu.memory_space<vmem>>
        %dma_start3A_168 = arith.constant 0 : i32
        %dma_start3A_169 = arith.constant 0 : i32
        %dma_start3A_170 = tpu.memref_slice %arg26[%dma_start3A_168, %dma_start3A_169] : memref<10240x64xf32, #tpu.memory_space<vmem_shared>> -> memref<10240x64xf32, #tpu.memory_space<vmem_shared>>
        tpu.enqueue_indirect_dma source(%dma_start3A_164 : memref<80x64xf32, #tpu.memory_space<vmem>>) target(%dma_start3A_170 : memref<10240x64xf32, #tpu.memory_space<vmem_shared>>) offsets(%dma_start3A_167 : memref<80xi32, #tpu.memory_space<vmem>>) semaphore(%arg22 : memref<!tpu.dma_semaphore, #tpu.memory_space<semaphore_mem>>) {add = true}
        %add3A_171 = arith.constant 2 : i32
        %add3A_172 = arith.addi %mul3A_45, %add3A_171 : i32
        %dma_start3A_173 = arith.constant 0 : i32
        %dma_start3A_174 = tpu.memref_slice %arg12[%add3A_172, %dma_start3A_173] : memref<126x80xi32, #tpu.memory_space<vmem>> -> memref<1x80xi32, #tpu.memory_space<vmem>>
        %dma_start3A_175 = tpu.memref_squeeze %dma_start3A_174 : memref<1x80xi32, #tpu.memory_space<vmem>> -> memref<80xi32, #tpu.memory_space<vmem>>
        %dma_start3A_176 = arith.constant 0 : i32
        %dma_start3A_177 = arith.constant 0 : i32
        %dma_start3A_178 = tpu.memref_slice %arg27[%dma_start3A_176, %dma_start3A_177] : memref<10240x8xf32, #tpu.memory_space<vmem_shared>> -> memref<10240x8xf32, #tpu.memory_space<vmem_shared>>
        tpu.enqueue_indirect_dma source(%arg14 : memref<80x8xf32, #tpu.memory_space<vmem>>) target(%dma_start3A_178 : memref<10240x8xf32, #tpu.memory_space<vmem_shared>>) offsets(%dma_start3A_175 : memref<80xi32, #tpu.memory_space<vmem>>) semaphore(%arg25 : memref<!tpu.dma_semaphore, #tpu.memory_space<semaphore_mem>>) {add = true}
        %dma_wait3A_179 = arith.constant 0 : i32
        %dma_wait3A_180 = arith.constant 0 : i32
        %dma_wait3A_181 = arith.constant 0 : i32
        %dma_wait3A_182 = tpu.memref_slice %arg13[%dma_wait3A_179, %dma_wait3A_180, %dma_wait3A_181] : memref<3x80x64xf32, #tpu.memory_space<vmem>> -> memref<1x80x64xf32, #tpu.memory_space<vmem>>
        %dma_wait3A_183 = tpu.memref_squeeze %dma_wait3A_182 : memref<1x80x64xf32, #tpu.memory_space<vmem>> -> memref<80x64xf32, #tpu.memory_space<vmem>>
        %dma_wait3A_184 = arith.constant 0 : i32
        %dma_wait3A_185 = tpu.memref_slice %arg12[%add3A_95, %dma_wait3A_184] : memref<126x80xi32, #tpu.memory_space<vmem>> -> memref<1x80xi32, #tpu.memory_space<vmem>>
        %dma_wait3A_186 = tpu.memref_squeeze %dma_wait3A_185 : memref<1x80xi32, #tpu.memory_space<vmem>> -> memref<80xi32, #tpu.memory_space<vmem>>
        %dma_wait3A_187 = arith.constant 0 : i32
        %dma_wait3A_188 = arith.constant 0 : i32
        %dma_wait3A_189 = tpu.memref_slice %arg26[%dma_wait3A_187, %dma_wait3A_188] : memref<10240x64xf32, #tpu.memory_space<vmem_shared>> -> memref<10240x64xf32, #tpu.memory_space<vmem_shared>>
        tpu.wait_indirect_dma semaphore(%arg20 : memref<!tpu.dma_semaphore, #tpu.memory_space<semaphore_mem>>) src(%dma_wait3A_183 : memref<80x64xf32, #tpu.memory_space<vmem>>) dst(%dma_wait3A_189 : memref<10240x64xf32, #tpu.memory_space<vmem_shared>>)
        %dma_wait3A_190 = arith.constant 0 : i32
        %dma_wait3A_191 = tpu.memref_slice %arg12[%add3A_108, %dma_wait3A_190] : memref<126x80xi32, #tpu.memory_space<vmem>> -> memref<1x80xi32, #tpu.memory_space<vmem>>
        %dma_wait3A_192 = tpu.memref_squeeze %dma_wait3A_191 : memref<1x80xi32, #tpu.memory_space<vmem>> -> memref<80xi32, #tpu.memory_space<vmem>>
        %dma_wait3A_193 = arith.constant 0 : i32
        %dma_wait3A_194 = arith.constant 0 : i32
        %dma_wait3A_195 = tpu.memref_slice %arg27[%dma_wait3A_193, %dma_wait3A_194] : memref<10240x8xf32, #tpu.memory_space<vmem_shared>> -> memref<10240x8xf32, #tpu.memory_space<vmem_shared>>
        tpu.wait_indirect_dma semaphore(%arg23 : memref<!tpu.dma_semaphore, #tpu.memory_space<semaphore_mem>>) src(%arg14 : memref<80x8xf32, #tpu.memory_space<vmem>>) dst(%dma_wait3A_195 : memref<10240x8xf32, #tpu.memory_space<vmem_shared>>)
        %dma_wait3A_196 = arith.constant 1 : i32
        %dma_wait3A_197 = arith.constant 0 : i32
        %dma_wait3A_198 = arith.constant 0 : i32
        %dma_wait3A_199 = tpu.memref_slice %arg13[%dma_wait3A_196, %dma_wait3A_197, %dma_wait3A_198] : memref<3x80x64xf32, #tpu.memory_space<vmem>> -> memref<1x80x64xf32, #tpu.memory_space<vmem>>
        %dma_wait3A_200 = tpu.memref_squeeze %dma_wait3A_199 : memref<1x80x64xf32, #tpu.memory_space<vmem>> -> memref<80x64xf32, #tpu.memory_space<vmem>>
        %dma_wait3A_201 = arith.constant 0 : i32
        %dma_wait3A_202 = tpu.memref_slice %arg12[%add3A_127, %dma_wait3A_201] : memref<126x80xi32, #tpu.memory_space<vmem>> -> memref<1x80xi32, #tpu.memory_space<vmem>>
        %dma_wait3A_203 = tpu.memref_squeeze %dma_wait3A_202 : memref<1x80xi32, #tpu.memory_space<vmem>> -> memref<80xi32, #tpu.memory_space<vmem>>
        %dma_wait3A_204 = arith.constant 0 : i32
        %dma_wait3A_205 = arith.constant 0 : i32
        %dma_wait3A_206 = tpu.memref_slice %arg26[%dma_wait3A_204, %dma_wait3A_205] : memref<10240x64xf32, #tpu.memory_space<vmem_shared>> -> memref<10240x64xf32, #tpu.memory_space<vmem_shared>>
        tpu.wait_indirect_dma semaphore(%arg21 : memref<!tpu.dma_semaphore, #tpu.memory_space<semaphore_mem>>) src(%dma_wait3A_200 : memref<80x64xf32, #tpu.memory_space<vmem>>) dst(%dma_wait3A_206 : memref<10240x64xf32, #tpu.memory_space<vmem_shared>>)
        %dma_wait3A_207 = arith.constant 0 : i32
        %dma_wait3A_208 = tpu.memref_slice %arg12[%add3A_140, %dma_wait3A_207] : memref<126x80xi32, #tpu.memory_space<vmem>> -> memref<1x80xi32, #tpu.memory_space<vmem>>
        %dma_wait3A_209 = tpu.memref_squeeze %dma_wait3A_208 : memref<1x80xi32, #tpu.memory_space<vmem>> -> memref<80xi32, #tpu.memory_space<vmem>>
        %dma_wait3A_210 = arith.constant 0 : i32
        %dma_wait3A_211 = arith.constant 0 : i32
        %dma_wait3A_212 = tpu.memref_slice %arg27[%dma_wait3A_210, %dma_wait3A_211] : memref<10240x8xf32, #tpu.memory_space<vmem_shared>> -> memref<10240x8xf32, #tpu.memory_space<vmem_shared>>
        tpu.wait_indirect_dma semaphore(%arg24 : memref<!tpu.dma_semaphore, #tpu.memory_space<semaphore_mem>>) src(%arg14 : memref<80x8xf32, #tpu.memory_space<vmem>>) dst(%dma_wait3A_212 : memref<10240x8xf32, #tpu.memory_space<vmem_shared>>)
        %dma_wait3A_213 = arith.constant 2 : i32
        %dma_wait3A_214 = arith.constant 0 : i32
        %dma_wait3A_215 = arith.constant 0 : i32
        %dma_wait3A_216 = tpu.memref_slice %arg13[%dma_wait3A_213, %dma_wait3A_214, %dma_wait3A_215] : memref<3x80x64xf32, #tpu.memory_space<vmem>> -> memref<1x80x64xf32, #tpu.memory_space<vmem>>
        %dma_wait3A_217 = tpu.memref_squeeze %dma_wait3A_216 : memref<1x80x64xf32, #tpu.memory_space<vmem>> -> memref<80x64xf32, #tpu.memory_space<vmem>>
        %dma_wait3A_218 = arith.constant 0 : i32
        %dma_wait3A_219 = tpu.memref_slice %arg12[%add3A_159, %dma_wait3A_218] : memref<126x80xi32, #tpu.memory_space<vmem>> -> memref<1x80xi32, #tpu.memory_space<vmem>>
        %dma_wait3A_220 = tpu.memref_squeeze %dma_wait3A_219 : memref<1x80xi32, #tpu.memory_space<vmem>> -> memref<80xi32, #tpu.memory_space<vmem>>
        %dma_wait3A_221 = arith.constant 0 : i32
        %dma_wait3A_222 = arith.constant 0 : i32
        %dma_wait3A_223 = tpu.memref_slice %arg26[%dma_wait3A_221, %dma_wait3A_222] : memref<10240x64xf32, #tpu.memory_space<vmem_shared>> -> memref<10240x64xf32, #tpu.memory_space<vmem_shared>>
        tpu.wait_indirect_dma semaphore(%arg22 : memref<!tpu.dma_semaphore, #tpu.memory_space<semaphore_mem>>) src(%dma_wait3A_217 : memref<80x64xf32, #tpu.memory_space<vmem>>) dst(%dma_wait3A_223 : memref<10240x64xf32, #tpu.memory_space<vmem_shared>>)
        %dma_wait3A_224 = arith.constant 0 : i32
        %dma_wait3A_225 = tpu.memref_slice %arg12[%add3A_172, %dma_wait3A_224] : memref<126x80xi32, #tpu.memory_space<vmem>> -> memref<1x80xi32, #tpu.memory_space<vmem>>
        %dma_wait3A_226 = tpu.memref_squeeze %dma_wait3A_225 : memref<1x80xi32, #tpu.memory_space<vmem>> -> memref<80xi32, #tpu.memory_space<vmem>>
        %dma_wait3A_227 = arith.constant 0 : i32
        %dma_wait3A_228 = arith.constant 0 : i32
        %dma_wait3A_229 = tpu.memref_slice %arg27[%dma_wait3A_227, %dma_wait3A_228] : memref<10240x8xf32, #tpu.memory_space<vmem_shared>> -> memref<10240x8xf32, #tpu.memory_space<vmem_shared>>
        tpu.wait_indirect_dma semaphore(%arg25 : memref<!tpu.dma_semaphore, #tpu.memory_space<semaphore_mem>>) src(%arg14 : memref<80x8xf32, #tpu.memory_space<vmem>>) dst(%dma_wait3A_229 : memref<10240x8xf32, #tpu.memory_space<vmem_shared>>)
      }
      %scan3A_16 = arith.constant 42 : i32
      %barrier3A_17 = arith.constant 0 : index
      tpu.barrier barrier_id(%barrier3A_17)
      %mul3A_18 = arith.constant 640 : i32
      %mul3A_19 = arith.muli %arg1, %mul3A_18 : i32
      %mul3A_20 = arith.constant 640 : i32
      %mul3A_21 = arith.muli %arg1, %mul3A_20 : i32
      %run_scoped3A = arith.constant 0 : i32
      "tpu.region"() ({
        %run_scoped3A_43 = tpu.sem_alloc : memref<!tpu.dma_semaphore, #tpu.memory_space<semaphore_mem>>
        %dma_start3A = arith.constant 0 : i32
        %dma_start3A_44 = tpu.memref_slice %arg9[%run_scoped3A, %scan3A_6, %arg0, %mul3A_21, %dma_start3A] : memref<2x36x2x10240x64xf32, #tpu.memory_space<hbm>> -> memref<1x1x1x640x64xf32, #tpu.memory_space<hbm>>
        %dma_start3A_45 = tpu.memref_squeeze %dma_start3A_44 : memref<1x1x1x640x64xf32, #tpu.memory_space<hbm>> -> memref<640x64xf32, #tpu.memory_space<hbm>>
        %dma_start3A_46 = arith.constant 0 : i32
        %dma_start3A_47 = tpu.memref_slice %arg26[%mul3A_19, %dma_start3A_46] : memref<10240x64xf32, #tpu.memory_space<vmem_shared>> -> memref<640x64xf32, #tpu.memory_space<vmem_shared>>
        tpu.enqueue_dma source(%dma_start3A_47 : memref<640x64xf32, #tpu.memory_space<vmem_shared>>) target(%dma_start3A_45 : memref<640x64xf32, #tpu.memory_space<hbm>>) target_semaphore(%run_scoped3A_43 : memref<!tpu.dma_semaphore, #tpu.memory_space<semaphore_mem>>)
        %dma_wait3A = arith.constant 0 : i32
        %dma_wait3A_48 = tpu.memref_slice %arg9[%run_scoped3A, %scan3A_6, %arg0, %mul3A_21, %dma_wait3A] : memref<2x36x2x10240x64xf32, #tpu.memory_space<hbm>> -> memref<1x1x1x640x64xf32, #tpu.memory_space<hbm>>
        %dma_wait3A_49 = tpu.memref_squeeze %dma_wait3A_48 : memref<1x1x1x640x64xf32, #tpu.memory_space<hbm>> -> memref<640x64xf32, #tpu.memory_space<hbm>>
        %dma_wait3A_50 = arith.constant 0 : i32
        %dma_wait3A_51 = tpu.memref_slice %arg26[%mul3A_19, %dma_wait3A_50] : memref<10240x64xf32, #tpu.memory_space<vmem_shared>> -> memref<640x64xf32, #tpu.memory_space<vmem_shared>>
        tpu.wait_dma2 semaphore(%run_scoped3A_43 : memref<!tpu.dma_semaphore, #tpu.memory_space<semaphore_mem>>) src(%dma_wait3A_51 : memref<640x64xf32, #tpu.memory_space<vmem_shared>>) dst(%dma_wait3A_49 : memref<640x64xf32, #tpu.memory_space<hbm>>)
        tpu.yield
      }) : () -> ()
      %mul3A_22 = arith.constant 640 : i32
      %mul3A_23 = arith.muli %arg1, %mul3A_22 : i32
      %mul3A_24 = arith.constant 640 : i32
      %mul3A_25 = arith.muli %arg1, %mul3A_24 : i32
      "tpu.region"() ({
        %run_scoped3A_43 = tpu.sem_alloc : memref<!tpu.dma_semaphore, #tpu.memory_space<semaphore_mem>>
        %dma_start3A = arith.constant 0 : i32
        %dma_start3A_44 = tpu.memref_slice %arg10[%scan3A_6, %arg0, %mul3A_25, %dma_start3A] : memref<36x2x10240x8xf32, #tpu.memory_space<hbm>> -> memref<1x1x640x8xf32, #tpu.memory_space<hbm>>
        %dma_start3A_45 = tpu.memref_squeeze %dma_start3A_44 : memref<1x1x640x8xf32, #tpu.memory_space<hbm>> -> memref<640x8xf32, #tpu.memory_space<hbm>>
        %dma_start3A_46 = arith.constant 0 : i32
        %dma_start3A_47 = tpu.memref_slice %arg27[%mul3A_23, %dma_start3A_46] : memref<10240x8xf32, #tpu.memory_space<vmem_shared>> -> memref<640x8xf32, #tpu.memory_space<vmem_shared>>
        tpu.enqueue_dma source(%dma_start3A_47 : memref<640x8xf32, #tpu.memory_space<vmem_shared>>) target(%dma_start3A_45 : memref<640x8xf32, #tpu.memory_space<hbm>>) target_semaphore(%run_scoped3A_43 : memref<!tpu.dma_semaphore, #tpu.memory_space<semaphore_mem>>)
        %dma_wait3A = arith.constant 0 : i32
        %dma_wait3A_48 = tpu.memref_slice %arg10[%scan3A_6, %arg0, %mul3A_25, %dma_wait3A] : memref<36x2x10240x8xf32, #tpu.memory_space<hbm>> -> memref<1x1x640x8xf32, #tpu.memory_space<hbm>>
        %dma_wait3A_49 = tpu.memref_squeeze %dma_wait3A_48 : memref<1x1x640x8xf32, #tpu.memory_space<hbm>> -> memref<640x8xf32, #tpu.memory_space<hbm>>
        %dma_wait3A_50 = arith.constant 0 : i32
        %dma_wait3A_51 = tpu.memref_slice %arg27[%mul3A_23, %dma_wait3A_50] : memref<10240x8xf32, #tpu.memory_space<vmem_shared>> -> memref<640x8xf32, #tpu.memory_space<vmem_shared>>
        tpu.wait_dma2 semaphore(%run_scoped3A_43 : memref<!tpu.dma_semaphore, #tpu.memory_space<semaphore_mem>>) src(%dma_wait3A_51 : memref<640x8xf32, #tpu.memory_space<vmem_shared>>) dst(%dma_wait3A_49 : memref<640x8xf32, #tpu.memory_space<hbm>>)
        tpu.yield
      }) : () -> ()
      %barrier3A_26 = arith.constant 0 : index
      tpu.barrier barrier_id(%barrier3A_26)
      %mul3A_27 = arith.constant 640 : i32
      %mul3A_28 = arith.muli %arg1, %mul3A_27 : i32
      "tpu.region"() ({
        %run_scoped3A_43 = tpu.sem_alloc : memref<!tpu.dma_semaphore, #tpu.memory_space<semaphore_mem>>
        %dma_start3A = arith.constant 0 : i32
        %dma_start3A_44 = tpu.memref_slice %arg26[%mul3A_28, %dma_start3A] : memref<10240x64xf32, #tpu.memory_space<vmem_shared>> -> memref<640x64xf32, #tpu.memory_space<vmem_shared>>
        %dma_start3A_45 = arith.constant 0 : i32
        %dma_start3A_46 = tpu.memref_slice %arg26[%mul3A_28, %dma_start3A_45] : memref<10240x64xf32, #tpu.memory_space<vmem_shared>> -> memref<640x64xf32, #tpu.memory_space<vmem_shared>>
        tpu.enqueue_dma source(%arg15 : memref<640x64xf32, #tpu.memory_space<vmem>>) target(%dma_start3A_46 : memref<640x64xf32, #tpu.memory_space<vmem_shared>>) target_semaphore(%run_scoped3A_43 : memref<!tpu.dma_semaphore, #tpu.memory_space<semaphore_mem>>)
        %dma_wait3A = arith.constant 0 : i32
        %dma_wait3A_47 = tpu.memref_slice %arg26[%mul3A_28, %dma_wait3A] : memref<10240x64xf32, #tpu.memory_space<vmem_shared>> -> memref<640x64xf32, #tpu.memory_space<vmem_shared>>
        %dma_wait3A_48 = arith.constant 0 : i32
        %dma_wait3A_49 = tpu.memref_slice %arg26[%mul3A_28, %dma_wait3A_48] : memref<10240x64xf32, #tpu.memory_space<vmem_shared>> -> memref<640x64xf32, #tpu.memory_space<vmem_shared>>
        tpu.wait_dma2 semaphore(%run_scoped3A_43 : memref<!tpu.dma_semaphore, #tpu.memory_space<semaphore_mem>>) src(%arg15 : memref<640x64xf32, #tpu.memory_space<vmem>>) dst(%dma_wait3A_49 : memref<640x64xf32, #tpu.memory_space<vmem_shared>>)
        tpu.yield
      }) : () -> ()
      %barrier3A_29 = arith.constant 0 : index
      tpu.barrier barrier_id(%barrier3A_29)
      %scan3A_30 = arith.constant 0 : i32
      %scan3A_31 = arith.constant 0 : i32
      %scan3A_32 = arith.constant 42 : i32
      %scan3A_33 = arith.addi %scan3A_31, %scan3A_32 : i32
      %scan3A_34 = arith.constant 1 : i32
      scf.for %scan3A_43 = %scan3A_31 to %scan3A_33 step %scan3A_34  : i32 {
        %mul3A_44 = arith.constant 3 : i32
        %mul3A_45 = arith.muli %mul3A_44, %scan3A_43 : i32
        %add3A_46 = arith.constant 0 : i32
        %add3A_47 = arith.addi %mul3A_45, %add3A_46 : i32
        %dma_start3A = arith.constant 0 : i32
        %dma_start3A_48 = arith.constant 0 : i32
        %dma_start3A_49 = arith.constant 0 : i32
        %dma_start3A_50 = tpu.memref_slice %arg13[%dma_start3A, %dma_start3A_48, %dma_start3A_49] : memref<3x80x64xf32, #tpu.memory_space<vmem>> -> memref<1x80x64xf32, #tpu.memory_space<vmem>>
        %dma_start3A_51 = tpu.memref_squeeze %dma_start3A_50 : memref<1x80x64xf32, #tpu.memory_space<vmem>> -> memref<80x64xf32, #tpu.memory_space<vmem>>
        %dma_start3A_52 = arith.constant 0 : i32
        %dma_start3A_53 = tpu.memref_slice %arg11[%add3A_47, %dma_start3A_52] : memref<126x80xi32, #tpu.memory_space<vmem>> -> memref<1x80xi32, #tpu.memory_space<vmem>>
        %dma_start3A_54 = tpu.memref_squeeze %dma_start3A_53 : memref<1x80xi32, #tpu.memory_space<vmem>> -> memref<80xi32, #tpu.memory_space<vmem>>
        %dma_start3A_55 = arith.constant 0 : i32
        %dma_start3A_56 = arith.constant 0 : i32
        %dma_start3A_57 = tpu.memref_slice %arg3[%dma_start3A_55, %dma_start3A_56] : memref<368640x64xf32, #tpu.memory_space<hbm>> -> memref<368640x64xf32, #tpu.memory_space<hbm>>
        tpu.enqueue_indirect_dma source(%dma_start3A_57 : memref<368640x64xf32, #tpu.memory_space<hbm>>) target(%dma_start3A_51 : memref<80x64xf32, #tpu.memory_space<vmem>>) offsets(%dma_start3A_54 : memref<80xi32, #tpu.memory_space<vmem>>) semaphore(%arg17 : memref<!tpu.dma_semaphore, #tpu.memory_space<semaphore_mem>>)
        %add3A_58 = arith.constant 1 : i32
        %add3A_59 = arith.addi %mul3A_45, %add3A_58 : i32
        %dma_start3A_60 = arith.constant 1 : i32
        %dma_start3A_61 = arith.constant 0 : i32
        %dma_start3A_62 = arith.constant 0 : i32
        %dma_start3A_63 = tpu.memref_slice %arg13[%dma_start3A_60, %dma_start3A_61, %dma_start3A_62] : memref<3x80x64xf32, #tpu.memory_space<vmem>> -> memref<1x80x64xf32, #tpu.memory_space<vmem>>
        %dma_start3A_64 = tpu.memref_squeeze %dma_start3A_63 : memref<1x80x64xf32, #tpu.memory_space<vmem>> -> memref<80x64xf32, #tpu.memory_space<vmem>>
        %dma_start3A_65 = arith.constant 0 : i32
        %dma_start3A_66 = tpu.memref_slice %arg11[%add3A_59, %dma_start3A_65] : memref<126x80xi32, #tpu.memory_space<vmem>> -> memref<1x80xi32, #tpu.memory_space<vmem>>
        %dma_start3A_67 = tpu.memref_squeeze %dma_start3A_66 : memref<1x80xi32, #tpu.memory_space<vmem>> -> memref<80xi32, #tpu.memory_space<vmem>>
        %dma_start3A_68 = arith.constant 0 : i32
        %dma_start3A_69 = arith.constant 0 : i32
        %dma_start3A_70 = tpu.memref_slice %arg3[%dma_start3A_68, %dma_start3A_69] : memref<368640x64xf32, #tpu.memory_space<hbm>> -> memref<368640x64xf32, #tpu.memory_space<hbm>>
        tpu.enqueue_indirect_dma source(%dma_start3A_70 : memref<368640x64xf32, #tpu.memory_space<hbm>>) target(%dma_start3A_64 : memref<80x64xf32, #tpu.memory_space<vmem>>) offsets(%dma_start3A_67 : memref<80xi32, #tpu.memory_space<vmem>>) semaphore(%arg18 : memref<!tpu.dma_semaphore, #tpu.memory_space<semaphore_mem>>)
        %add3A_71 = arith.constant 2 : i32
        %add3A_72 = arith.addi %mul3A_45, %add3A_71 : i32
        %dma_start3A_73 = arith.constant 2 : i32
        %dma_start3A_74 = arith.constant 0 : i32
        %dma_start3A_75 = arith.constant 0 : i32
        %dma_start3A_76 = tpu.memref_slice %arg13[%dma_start3A_73, %dma_start3A_74, %dma_start3A_75] : memref<3x80x64xf32, #tpu.memory_space<vmem>> -> memref<1x80x64xf32, #tpu.memory_space<vmem>>
        %dma_start3A_77 = tpu.memref_squeeze %dma_start3A_76 : memref<1x80x64xf32, #tpu.memory_space<vmem>> -> memref<80x64xf32, #tpu.memory_space<vmem>>
        %dma_start3A_78 = arith.constant 0 : i32
        %dma_start3A_79 = tpu.memref_slice %arg11[%add3A_72, %dma_start3A_78] : memref<126x80xi32, #tpu.memory_space<vmem>> -> memref<1x80xi32, #tpu.memory_space<vmem>>
        %dma_start3A_80 = tpu.memref_squeeze %dma_start3A_79 : memref<1x80xi32, #tpu.memory_space<vmem>> -> memref<80xi32, #tpu.memory_space<vmem>>
        %dma_start3A_81 = arith.constant 0 : i32
        %dma_start3A_82 = arith.constant 0 : i32
        %dma_start3A_83 = tpu.memref_slice %arg3[%dma_start3A_81, %dma_start3A_82] : memref<368640x64xf32, #tpu.memory_space<hbm>> -> memref<368640x64xf32, #tpu.memory_space<hbm>>
        tpu.enqueue_indirect_dma source(%dma_start3A_83 : memref<368640x64xf32, #tpu.memory_space<hbm>>) target(%dma_start3A_77 : memref<80x64xf32, #tpu.memory_space<vmem>>) offsets(%dma_start3A_80 : memref<80xi32, #tpu.memory_space<vmem>>) semaphore(%arg19 : memref<!tpu.dma_semaphore, #tpu.memory_space<semaphore_mem>>)
        %dma_wait3A = arith.constant 0 : i32
        %dma_wait3A_84 = arith.constant 0 : i32
        %dma_wait3A_85 = arith.constant 0 : i32
        %dma_wait3A_86 = tpu.memref_slice %arg13[%dma_wait3A, %dma_wait3A_84, %dma_wait3A_85] : memref<3x80x64xf32, #tpu.memory_space<vmem>> -> memref<1x80x64xf32, #tpu.memory_space<vmem>>
        %dma_wait3A_87 = tpu.memref_squeeze %dma_wait3A_86 : memref<1x80x64xf32, #tpu.memory_space<vmem>> -> memref<80x64xf32, #tpu.memory_space<vmem>>
        %dma_wait3A_88 = arith.constant 0 : i32
        %dma_wait3A_89 = tpu.memref_slice %arg11[%add3A_47, %dma_wait3A_88] : memref<126x80xi32, #tpu.memory_space<vmem>> -> memref<1x80xi32, #tpu.memory_space<vmem>>
        %dma_wait3A_90 = tpu.memref_squeeze %dma_wait3A_89 : memref<1x80xi32, #tpu.memory_space<vmem>> -> memref<80xi32, #tpu.memory_space<vmem>>
        %dma_wait3A_91 = arith.constant 0 : i32
        %dma_wait3A_92 = arith.constant 0 : i32
        %dma_wait3A_93 = tpu.memref_slice %arg3[%dma_wait3A_91, %dma_wait3A_92] : memref<368640x64xf32, #tpu.memory_space<hbm>> -> memref<368640x64xf32, #tpu.memory_space<hbm>>
        tpu.wait_indirect_dma semaphore(%arg17 : memref<!tpu.dma_semaphore, #tpu.memory_space<semaphore_mem>>) src(%dma_wait3A_93 : memref<368640x64xf32, #tpu.memory_space<hbm>>) dst(%dma_wait3A_87 : memref<80x64xf32, #tpu.memory_space<vmem>>)
        %add3A_94 = arith.constant 0 : i32
        %add3A_95 = arith.addi %mul3A_45, %add3A_94 : i32
        %dma_start3A_96 = arith.constant 0 : i32
        %dma_start3A_97 = arith.constant 0 : i32
        %dma_start3A_98 = arith.constant 0 : i32
        %dma_start3A_99 = tpu.memref_slice %arg13[%dma_start3A_96, %dma_start3A_97, %dma_start3A_98] : memref<3x80x64xf32, #tpu.memory_space<vmem>> -> memref<1x80x64xf32, #tpu.memory_space<vmem>>
        %dma_start3A_100 = tpu.memref_squeeze %dma_start3A_99 : memref<1x80x64xf32, #tpu.memory_space<vmem>> -> memref<80x64xf32, #tpu.memory_space<vmem>>
        %dma_start3A_101 = arith.constant 0 : i32
        %dma_start3A_102 = tpu.memref_slice %arg12[%add3A_95, %dma_start3A_101] : memref<126x80xi32, #tpu.memory_space<vmem>> -> memref<1x80xi32, #tpu.memory_space<vmem>>
        %dma_start3A_103 = tpu.memref_squeeze %dma_start3A_102 : memref<1x80xi32, #tpu.memory_space<vmem>> -> memref<80xi32, #tpu.memory_space<vmem>>
        %dma_start3A_104 = arith.constant 0 : i32
        %dma_start3A_105 = arith.constant 0 : i32
        %dma_start3A_106 = tpu.memref_slice %arg26[%dma_start3A_104, %dma_start3A_105] : memref<10240x64xf32, #tpu.memory_space<vmem_shared>> -> memref<10240x64xf32, #tpu.memory_space<vmem_shared>>
        tpu.enqueue_indirect_dma source(%dma_start3A_100 : memref<80x64xf32, #tpu.memory_space<vmem>>) target(%dma_start3A_106 : memref<10240x64xf32, #tpu.memory_space<vmem_shared>>) offsets(%dma_start3A_103 : memref<80xi32, #tpu.memory_space<vmem>>) semaphore(%arg20 : memref<!tpu.dma_semaphore, #tpu.memory_space<semaphore_mem>>) {add = true}
        %dma_wait3A_107 = arith.constant 1 : i32
        %dma_wait3A_108 = arith.constant 0 : i32
        %dma_wait3A_109 = arith.constant 0 : i32
        %dma_wait3A_110 = tpu.memref_slice %arg13[%dma_wait3A_107, %dma_wait3A_108, %dma_wait3A_109] : memref<3x80x64xf32, #tpu.memory_space<vmem>> -> memref<1x80x64xf32, #tpu.memory_space<vmem>>
        %dma_wait3A_111 = tpu.memref_squeeze %dma_wait3A_110 : memref<1x80x64xf32, #tpu.memory_space<vmem>> -> memref<80x64xf32, #tpu.memory_space<vmem>>
        %dma_wait3A_112 = arith.constant 0 : i32
        %dma_wait3A_113 = tpu.memref_slice %arg11[%add3A_59, %dma_wait3A_112] : memref<126x80xi32, #tpu.memory_space<vmem>> -> memref<1x80xi32, #tpu.memory_space<vmem>>
        %dma_wait3A_114 = tpu.memref_squeeze %dma_wait3A_113 : memref<1x80xi32, #tpu.memory_space<vmem>> -> memref<80xi32, #tpu.memory_space<vmem>>
        %dma_wait3A_115 = arith.constant 0 : i32
        %dma_wait3A_116 = arith.constant 0 : i32
        %dma_wait3A_117 = tpu.memref_slice %arg3[%dma_wait3A_115, %dma_wait3A_116] : memref<368640x64xf32, #tpu.memory_space<hbm>> -> memref<368640x64xf32, #tpu.memory_space<hbm>>
        tpu.wait_indirect_dma semaphore(%arg18 : memref<!tpu.dma_semaphore, #tpu.memory_space<semaphore_mem>>) src(%dma_wait3A_117 : memref<368640x64xf32, #tpu.memory_space<hbm>>) dst(%dma_wait3A_111 : memref<80x64xf32, #tpu.memory_space<vmem>>)
        %add3A_118 = arith.constant 1 : i32
        %add3A_119 = arith.addi %mul3A_45, %add3A_118 : i32
        %dma_start3A_120 = arith.constant 1 : i32
        %dma_start3A_121 = arith.constant 0 : i32
        %dma_start3A_122 = arith.constant 0 : i32
        %dma_start3A_123 = tpu.memref_slice %arg13[%dma_start3A_120, %dma_start3A_121, %dma_start3A_122] : memref<3x80x64xf32, #tpu.memory_space<vmem>> -> memref<1x80x64xf32, #tpu.memory_space<vmem>>
        %dma_start3A_124 = tpu.memref_squeeze %dma_start3A_123 : memref<1x80x64xf32, #tpu.memory_space<vmem>> -> memref<80x64xf32, #tpu.memory_space<vmem>>
        %dma_start3A_125 = arith.constant 0 : i32
        %dma_start3A_126 = tpu.memref_slice %arg12[%add3A_119, %dma_start3A_125] : memref<126x80xi32, #tpu.memory_space<vmem>> -> memref<1x80xi32, #tpu.memory_space<vmem>>
        %dma_start3A_127 = tpu.memref_squeeze %dma_start3A_126 : memref<1x80xi32, #tpu.memory_space<vmem>> -> memref<80xi32, #tpu.memory_space<vmem>>
        %dma_start3A_128 = arith.constant 0 : i32
        %dma_start3A_129 = arith.constant 0 : i32
        %dma_start3A_130 = tpu.memref_slice %arg26[%dma_start3A_128, %dma_start3A_129] : memref<10240x64xf32, #tpu.memory_space<vmem_shared>> -> memref<10240x64xf32, #tpu.memory_space<vmem_shared>>
        tpu.enqueue_indirect_dma source(%dma_start3A_124 : memref<80x64xf32, #tpu.memory_space<vmem>>) target(%dma_start3A_130 : memref<10240x64xf32, #tpu.memory_space<vmem_shared>>) offsets(%dma_start3A_127 : memref<80xi32, #tpu.memory_space<vmem>>) semaphore(%arg21 : memref<!tpu.dma_semaphore, #tpu.memory_space<semaphore_mem>>) {add = true}
        %dma_wait3A_131 = arith.constant 2 : i32
        %dma_wait3A_132 = arith.constant 0 : i32
        %dma_wait3A_133 = arith.constant 0 : i32
        %dma_wait3A_134 = tpu.memref_slice %arg13[%dma_wait3A_131, %dma_wait3A_132, %dma_wait3A_133] : memref<3x80x64xf32, #tpu.memory_space<vmem>> -> memref<1x80x64xf32, #tpu.memory_space<vmem>>
        %dma_wait3A_135 = tpu.memref_squeeze %dma_wait3A_134 : memref<1x80x64xf32, #tpu.memory_space<vmem>> -> memref<80x64xf32, #tpu.memory_space<vmem>>
        %dma_wait3A_136 = arith.constant 0 : i32
        %dma_wait3A_137 = tpu.memref_slice %arg11[%add3A_72, %dma_wait3A_136] : memref<126x80xi32, #tpu.memory_space<vmem>> -> memref<1x80xi32, #tpu.memory_space<vmem>>
        %dma_wait3A_138 = tpu.memref_squeeze %dma_wait3A_137 : memref<1x80xi32, #tpu.memory_space<vmem>> -> memref<80xi32, #tpu.memory_space<vmem>>
        %dma_wait3A_139 = arith.constant 0 : i32
        %dma_wait3A_140 = arith.constant 0 : i32
        %dma_wait3A_141 = tpu.memref_slice %arg3[%dma_wait3A_139, %dma_wait3A_140] : memref<368640x64xf32, #tpu.memory_space<hbm>> -> memref<368640x64xf32, #tpu.memory_space<hbm>>
        tpu.wait_indirect_dma semaphore(%arg19 : memref<!tpu.dma_semaphore, #tpu.memory_space<semaphore_mem>>) src(%dma_wait3A_141 : memref<368640x64xf32, #tpu.memory_space<hbm>>) dst(%dma_wait3A_135 : memref<80x64xf32, #tpu.memory_space<vmem>>)
        %add3A_142 = arith.constant 2 : i32
        %add3A_143 = arith.addi %mul3A_45, %add3A_142 : i32
        %dma_start3A_144 = arith.constant 2 : i32
        %dma_start3A_145 = arith.constant 0 : i32
        %dma_start3A_146 = arith.constant 0 : i32
        %dma_start3A_147 = tpu.memref_slice %arg13[%dma_start3A_144, %dma_start3A_145, %dma_start3A_146] : memref<3x80x64xf32, #tpu.memory_space<vmem>> -> memref<1x80x64xf32, #tpu.memory_space<vmem>>
        %dma_start3A_148 = tpu.memref_squeeze %dma_start3A_147 : memref<1x80x64xf32, #tpu.memory_space<vmem>> -> memref<80x64xf32, #tpu.memory_space<vmem>>
        %dma_start3A_149 = arith.constant 0 : i32
        %dma_start3A_150 = tpu.memref_slice %arg12[%add3A_143, %dma_start3A_149] : memref<126x80xi32, #tpu.memory_space<vmem>> -> memref<1x80xi32, #tpu.memory_space<vmem>>
        %dma_start3A_151 = tpu.memref_squeeze %dma_start3A_150 : memref<1x80xi32, #tpu.memory_space<vmem>> -> memref<80xi32, #tpu.memory_space<vmem>>
        %dma_start3A_152 = arith.constant 0 : i32
        %dma_start3A_153 = arith.constant 0 : i32
        %dma_start3A_154 = tpu.memref_slice %arg26[%dma_start3A_152, %dma_start3A_153] : memref<10240x64xf32, #tpu.memory_space<vmem_shared>> -> memref<10240x64xf32, #tpu.memory_space<vmem_shared>>
        tpu.enqueue_indirect_dma source(%dma_start3A_148 : memref<80x64xf32, #tpu.memory_space<vmem>>) target(%dma_start3A_154 : memref<10240x64xf32, #tpu.memory_space<vmem_shared>>) offsets(%dma_start3A_151 : memref<80xi32, #tpu.memory_space<vmem>>) semaphore(%arg22 : memref<!tpu.dma_semaphore, #tpu.memory_space<semaphore_mem>>) {add = true}
        %dma_wait3A_155 = arith.constant 0 : i32
        %dma_wait3A_156 = arith.constant 0 : i32
        %dma_wait3A_157 = arith.constant 0 : i32
        %dma_wait3A_158 = tpu.memref_slice %arg13[%dma_wait3A_155, %dma_wait3A_156, %dma_wait3A_157] : memref<3x80x64xf32, #tpu.memory_space<vmem>> -> memref<1x80x64xf32, #tpu.memory_space<vmem>>
        %dma_wait3A_159 = tpu.memref_squeeze %dma_wait3A_158 : memref<1x80x64xf32, #tpu.memory_space<vmem>> -> memref<80x64xf32, #tpu.memory_space<vmem>>
        %dma_wait3A_160 = arith.constant 0 : i32
        %dma_wait3A_161 = tpu.memref_slice %arg12[%add3A_95, %dma_wait3A_160] : memref<126x80xi32, #tpu.memory_space<vmem>> -> memref<1x80xi32, #tpu.memory_space<vmem>>
        %dma_wait3A_162 = tpu.memref_squeeze %dma_wait3A_161 : memref<1x80xi32, #tpu.memory_space<vmem>> -> memref<80xi32, #tpu.memory_space<vmem>>
        %dma_wait3A_163 = arith.constant 0 : i32
        %dma_wait3A_164 = arith.constant 0 : i32
        %dma_wait3A_165 = tpu.memref_slice %arg26[%dma_wait3A_163, %dma_wait3A_164] : memref<10240x64xf32, #tpu.memory_space<vmem_shared>> -> memref<10240x64xf32, #tpu.memory_space<vmem_shared>>
        tpu.wait_indirect_dma semaphore(%arg20 : memref<!tpu.dma_semaphore, #tpu.memory_space<semaphore_mem>>) src(%dma_wait3A_159 : memref<80x64xf32, #tpu.memory_space<vmem>>) dst(%dma_wait3A_165 : memref<10240x64xf32, #tpu.memory_space<vmem_shared>>)
        %dma_wait3A_166 = arith.constant 1 : i32
        %dma_wait3A_167 = arith.constant 0 : i32
        %dma_wait3A_168 = arith.constant 0 : i32
        %dma_wait3A_169 = tpu.memref_slice %arg13[%dma_wait3A_166, %dma_wait3A_167, %dma_wait3A_168] : memref<3x80x64xf32, #tpu.memory_space<vmem>> -> memref<1x80x64xf32, #tpu.memory_space<vmem>>
        %dma_wait3A_170 = tpu.memref_squeeze %dma_wait3A_169 : memref<1x80x64xf32, #tpu.memory_space<vmem>> -> memref<80x64xf32, #tpu.memory_space<vmem>>
        %dma_wait3A_171 = arith.constant 0 : i32
        %dma_wait3A_172 = tpu.memref_slice %arg12[%add3A_119, %dma_wait3A_171] : memref<126x80xi32, #tpu.memory_space<vmem>> -> memref<1x80xi32, #tpu.memory_space<vmem>>
        %dma_wait3A_173 = tpu.memref_squeeze %dma_wait3A_172 : memref<1x80xi32, #tpu.memory_space<vmem>> -> memref<80xi32, #tpu.memory_space<vmem>>
        %dma_wait3A_174 = arith.constant 0 : i32
        %dma_wait3A_175 = arith.constant 0 : i32
        %dma_wait3A_176 = tpu.memref_slice %arg26[%dma_wait3A_174, %dma_wait3A_175] : memref<10240x64xf32, #tpu.memory_space<vmem_shared>> -> memref<10240x64xf32, #tpu.memory_space<vmem_shared>>
        tpu.wait_indirect_dma semaphore(%arg21 : memref<!tpu.dma_semaphore, #tpu.memory_space<semaphore_mem>>) src(%dma_wait3A_170 : memref<80x64xf32, #tpu.memory_space<vmem>>) dst(%dma_wait3A_176 : memref<10240x64xf32, #tpu.memory_space<vmem_shared>>)
        %dma_wait3A_177 = arith.constant 2 : i32
        %dma_wait3A_178 = arith.constant 0 : i32
        %dma_wait3A_179 = arith.constant 0 : i32
        %dma_wait3A_180 = tpu.memref_slice %arg13[%dma_wait3A_177, %dma_wait3A_178, %dma_wait3A_179] : memref<3x80x64xf32, #tpu.memory_space<vmem>> -> memref<1x80x64xf32, #tpu.memory_space<vmem>>
        %dma_wait3A_181 = tpu.memref_squeeze %dma_wait3A_180 : memref<1x80x64xf32, #tpu.memory_space<vmem>> -> memref<80x64xf32, #tpu.memory_space<vmem>>
        %dma_wait3A_182 = arith.constant 0 : i32
        %dma_wait3A_183 = tpu.memref_slice %arg12[%add3A_143, %dma_wait3A_182] : memref<126x80xi32, #tpu.memory_space<vmem>> -> memref<1x80xi32, #tpu.memory_space<vmem>>
        %dma_wait3A_184 = tpu.memref_squeeze %dma_wait3A_183 : memref<1x80xi32, #tpu.memory_space<vmem>> -> memref<80xi32, #tpu.memory_space<vmem>>
        %dma_wait3A_185 = arith.constant 0 : i32
        %dma_wait3A_186 = arith.constant 0 : i32
        %dma_wait3A_187 = tpu.memref_slice %arg26[%dma_wait3A_185, %dma_wait3A_186] : memref<10240x64xf32, #tpu.memory_space<vmem_shared>> -> memref<10240x64xf32, #tpu.memory_space<vmem_shared>>
        tpu.wait_indirect_dma semaphore(%arg22 : memref<!tpu.dma_semaphore, #tpu.memory_space<semaphore_mem>>) src(%dma_wait3A_181 : memref<80x64xf32, #tpu.memory_space<vmem>>) dst(%dma_wait3A_187 : memref<10240x64xf32, #tpu.memory_space<vmem_shared>>)
      }
      %scan3A_35 = arith.constant 42 : i32
      %barrier3A_36 = arith.constant 0 : index
      tpu.barrier barrier_id(%barrier3A_36)
      %mul3A_37 = arith.constant 640 : i32
      %mul3A_38 = arith.muli %arg1, %mul3A_37 : i32
      %mul3A_39 = arith.constant 640 : i32
      %mul3A_40 = arith.muli %arg1, %mul3A_39 : i32
      %run_scoped3A_41 = arith.constant 1 : i32
      "tpu.region"() ({
        %run_scoped3A_43 = tpu.sem_alloc : memref<!tpu.dma_semaphore, #tpu.memory_space<semaphore_mem>>
        %dma_start3A = arith.constant 0 : i32
        %dma_start3A_44 = tpu.memref_slice %arg9[%run_scoped3A_41, %scan3A_6, %arg0, %mul3A_40, %dma_start3A] : memref<2x36x2x10240x64xf32, #tpu.memory_space<hbm>> -> memref<1x1x1x640x64xf32, #tpu.memory_space<hbm>>
        %dma_start3A_45 = tpu.memref_squeeze %dma_start3A_44 : memref<1x1x1x640x64xf32, #tpu.memory_space<hbm>> -> memref<640x64xf32, #tpu.memory_space<hbm>>
        %dma_start3A_46 = arith.constant 0 : i32
        %dma_start3A_47 = tpu.memref_slice %arg26[%mul3A_38, %dma_start3A_46] : memref<10240x64xf32, #tpu.memory_space<vmem_shared>> -> memref<640x64xf32, #tpu.memory_space<vmem_shared>>
        tpu.enqueue_dma source(%dma_start3A_47 : memref<640x64xf32, #tpu.memory_space<vmem_shared>>) target(%dma_start3A_45 : memref<640x64xf32, #tpu.memory_space<hbm>>) target_semaphore(%run_scoped3A_43 : memref<!tpu.dma_semaphore, #tpu.memory_space<semaphore_mem>>)
        %dma_wait3A = arith.constant 0 : i32
        %dma_wait3A_48 = tpu.memref_slice %arg9[%run_scoped3A_41, %scan3A_6, %arg0, %mul3A_40, %dma_wait3A] : memref<2x36x2x10240x64xf32, #tpu.memory_space<hbm>> -> memref<1x1x1x640x64xf32, #tpu.memory_space<hbm>>
        %dma_wait3A_49 = tpu.memref_squeeze %dma_wait3A_48 : memref<1x1x1x640x64xf32, #tpu.memory_space<hbm>> -> memref<640x64xf32, #tpu.memory_space<hbm>>
        %dma_wait3A_50 = arith.constant 0 : i32
        %dma_wait3A_51 = tpu.memref_slice %arg26[%mul3A_38, %dma_wait3A_50] : memref<10240x64xf32, #tpu.memory_space<vmem_shared>> -> memref<640x64xf32, #tpu.memory_space<vmem_shared>>
        tpu.wait_dma2 semaphore(%run_scoped3A_43 : memref<!tpu.dma_semaphore, #tpu.memory_space<semaphore_mem>>) src(%dma_wait3A_51 : memref<640x64xf32, #tpu.memory_space<vmem_shared>>) dst(%dma_wait3A_49 : memref<640x64xf32, #tpu.memory_space<hbm>>)
        tpu.yield
      }) : () -> ()
      %barrier3A_42 = arith.constant 0 : index
      tpu.barrier barrier_id(%barrier3A_42)
    }
    %scan3A_5 = arith.constant 36 : i32
    return
  }
}

#map = affine_map<(d0, d1) -> (0, 0)>
#map1 = affine_map<(d0, d1) -> (0, 0, 0, 0)>
#map2 = affine_map<(d0, d1) -> (0, 0, 0, 0, 0)>
module attributes {stable_mosaic.version = 14 : i64} {
  func.func @body(%arg0: i32, %arg1: i32, %arg2: memref<368640x64xf32, #tpu.memory_space<hbm>>, %arg3: memref<368640x64xf32, #tpu.memory_space<hbm>>, %arg4: memref<36x32x126x80xi32, #tpu.memory_space<hbm>>, %arg5: memref<36x32x126x80xi32, #tpu.memory_space<hbm>>, %arg6: memref<640x64xf32, #tpu.memory_space<hbm>>, %arg7: memref<640x8xf32, #tpu.memory_space<hbm>>, %arg8: memref<80x8xf32, #tpu.memory_space<hbm>>, %arg9: memref<2x36x2x10240x64xf32, #tpu.memory_space<hbm>>, %arg10: memref<126x80xi32, #tpu.memory_space<vmem>>, %arg11: memref<126x80xi32, #tpu.memory_space<vmem>>, %arg12: memref<3x80x64xf32, #tpu.memory_space<vmem>>, %arg13: memref<80x8xf32, #tpu.memory_space<vmem>>, %arg14: memref<640x64xf32, #tpu.memory_space<vmem>>, %arg15: memref<640x8xf32, #tpu.memory_space<vmem>>, %arg16: memref<!tpu.dma_semaphore, #tpu.memory_space<semaphore_mem>>, %arg17: memref<!tpu.dma_semaphore, #tpu.memory_space<semaphore_mem>>, %arg18: memref<!tpu.dma_semaphore, #tpu.memory_space<semaphore_mem>>, %arg19: memref<!tpu.dma_semaphore, #tpu.memory_space<semaphore_mem>>, %arg20: memref<!tpu.dma_semaphore, #tpu.memory_space<semaphore_mem>>, %arg21: memref<!tpu.dma_semaphore, #tpu.memory_space<semaphore_mem>>, %arg22: memref<!tpu.dma_semaphore, #tpu.memory_space<semaphore_mem>>, %arg23: memref<!tpu.dma_semaphore, #tpu.memory_space<semaphore_mem>>, %arg24: memref<!tpu.dma_semaphore, #tpu.memory_space<semaphore_mem>>, %arg25: memref<10240x64xf32, #tpu.memory_space<vmem_shared>>) attributes {dimension_semantics = [#tpu.dimension_semantics<core_parallel>, #tpu.dimension_semantics<subcore_parallel>], iteration_bounds = array<i64: 2, 16>, scalar_prefetch = 0 : i64, scratch_operands = 16 : i64, tpu.core_type = #tpu.core_type<sc_vector_subcore>, window_params = [{transform_indices = #map}, {transform_indices = #map}, {transform_indices = #map1}, {transform_indices = #map1}, {transform_indices = #map}, {transform_indices = #map}, {transform_indices = #map}, {transform_indices = #map2}]} {
    %mul3A = arith.constant 2 : i32
    %mul3A_0 = arith.muli %arg1, %mul3A : i32
    %add3A = arith.addi %mul3A_0, %arg0 : i32
    "tpu.region"() ({
      %run_scoped3A = tpu.sem_alloc : memref<!tpu.dma_semaphore, #tpu.memory_space<semaphore_mem>>
      tpu.enqueue_dma source(%arg8 : memref<80x8xf32, #tpu.memory_space<hbm>>) target(%arg13 : memref<80x8xf32, #tpu.memory_space<vmem>>) target_semaphore(%run_scoped3A : memref<!tpu.dma_semaphore, #tpu.memory_space<semaphore_mem>>)
      tpu.wait_dma2 semaphore(%run_scoped3A : memref<!tpu.dma_semaphore, #tpu.memory_space<semaphore_mem>>) src(%arg8 : memref<80x8xf32, #tpu.memory_space<hbm>>) dst(%arg13 : memref<80x8xf32, #tpu.memory_space<vmem>>)
      tpu.yield
    }) : () -> ()
    "tpu.region"() ({
      %run_scoped3A = tpu.sem_alloc : memref<!tpu.dma_semaphore, #tpu.memory_space<semaphore_mem>>
      tpu.enqueue_dma source(%arg6 : memref<640x64xf32, #tpu.memory_space<hbm>>) target(%arg14 : memref<640x64xf32, #tpu.memory_space<vmem>>) target_semaphore(%run_scoped3A : memref<!tpu.dma_semaphore, #tpu.memory_space<semaphore_mem>>)
      tpu.wait_dma2 semaphore(%run_scoped3A : memref<!tpu.dma_semaphore, #tpu.memory_space<semaphore_mem>>) src(%arg6 : memref<640x64xf32, #tpu.memory_space<hbm>>) dst(%arg14 : memref<640x64xf32, #tpu.memory_space<vmem>>)
      tpu.yield
    }) : () -> ()
    "tpu.region"() ({
      %run_scoped3A = tpu.sem_alloc : memref<!tpu.dma_semaphore, #tpu.memory_space<semaphore_mem>>
      tpu.enqueue_dma source(%arg7 : memref<640x8xf32, #tpu.memory_space<hbm>>) target(%arg15 : memref<640x8xf32, #tpu.memory_space<vmem>>) target_semaphore(%run_scoped3A : memref<!tpu.dma_semaphore, #tpu.memory_space<semaphore_mem>>)
      tpu.wait_dma2 semaphore(%run_scoped3A : memref<!tpu.dma_semaphore, #tpu.memory_space<semaphore_mem>>) src(%arg7 : memref<640x8xf32, #tpu.memory_space<hbm>>) dst(%arg15 : memref<640x8xf32, #tpu.memory_space<vmem>>)
      tpu.yield
    }) : () -> ()
    %scan3A = arith.constant 0 : i32
    %scan3A_1 = arith.constant 0 : i32
    %scan3A_2 = arith.constant 36 : i32
    %scan3A_3 = arith.addi %scan3A_1, %scan3A_2 : i32
    %scan3A_4 = arith.constant 1 : i32
    scf.for %scan3A_6 = %scan3A_1 to %scan3A_3 step %scan3A_4  : i32 {
      "tpu.region"() ({
        %run_scoped3A_37 = tpu.sem_alloc : memref<!tpu.dma_semaphore, #tpu.memory_space<semaphore_mem>>
        %dma_start3A = arith.constant 0 : i32
        %dma_start3A_38 = arith.constant 0 : i32
        %dma_start3A_39 = tpu.memref_slice %arg4[%scan3A_6, %add3A, %dma_start3A, %dma_start3A_38] : memref<36x32x126x80xi32, #tpu.memory_space<hbm>> -> memref<1x1x126x80xi32, #tpu.memory_space<hbm>>
        %dma_start3A_40 = tpu.memref_squeeze %dma_start3A_39 : memref<1x1x126x80xi32, #tpu.memory_space<hbm>> -> memref<126x80xi32, #tpu.memory_space<hbm>>
        %dma_start3A_41 = arith.constant 0 : i32
        %dma_start3A_42 = arith.constant 0 : i32
        %dma_start3A_43 = tpu.memref_slice %arg4[%scan3A_6, %add3A, %dma_start3A_41, %dma_start3A_42] : memref<36x32x126x80xi32, #tpu.memory_space<hbm>> -> memref<1x1x126x80xi32, #tpu.memory_space<hbm>>
        %dma_start3A_44 = tpu.memref_squeeze %dma_start3A_43 : memref<1x1x126x80xi32, #tpu.memory_space<hbm>> -> memref<126x80xi32, #tpu.memory_space<hbm>>
        tpu.enqueue_dma source(%dma_start3A_44 : memref<126x80xi32, #tpu.memory_space<hbm>>) target(%arg10 : memref<126x80xi32, #tpu.memory_space<vmem>>) target_semaphore(%run_scoped3A_37 : memref<!tpu.dma_semaphore, #tpu.memory_space<semaphore_mem>>)
        %dma_wait3A = arith.constant 0 : i32
        %dma_wait3A_45 = arith.constant 0 : i32
        %dma_wait3A_46 = tpu.memref_slice %arg4[%scan3A_6, %add3A, %dma_wait3A, %dma_wait3A_45] : memref<36x32x126x80xi32, #tpu.memory_space<hbm>> -> memref<1x1x126x80xi32, #tpu.memory_space<hbm>>
        %dma_wait3A_47 = tpu.memref_squeeze %dma_wait3A_46 : memref<1x1x126x80xi32, #tpu.memory_space<hbm>> -> memref<126x80xi32, #tpu.memory_space<hbm>>
        %dma_wait3A_48 = arith.constant 0 : i32
        %dma_wait3A_49 = arith.constant 0 : i32
        %dma_wait3A_50 = tpu.memref_slice %arg4[%scan3A_6, %add3A, %dma_wait3A_48, %dma_wait3A_49] : memref<36x32x126x80xi32, #tpu.memory_space<hbm>> -> memref<1x1x126x80xi32, #tpu.memory_space<hbm>>
        %dma_wait3A_51 = tpu.memref_squeeze %dma_wait3A_50 : memref<1x1x126x80xi32, #tpu.memory_space<hbm>> -> memref<126x80xi32, #tpu.memory_space<hbm>>
        tpu.wait_dma2 semaphore(%run_scoped3A_37 : memref<!tpu.dma_semaphore, #tpu.memory_space<semaphore_mem>>) src(%dma_wait3A_51 : memref<126x80xi32, #tpu.memory_space<hbm>>) dst(%arg10 : memref<126x80xi32, #tpu.memory_space<vmem>>)
        tpu.yield
      }) : () -> ()
      "tpu.region"() ({
        %run_scoped3A_37 = tpu.sem_alloc : memref<!tpu.dma_semaphore, #tpu.memory_space<semaphore_mem>>
        %dma_start3A = arith.constant 0 : i32
        %dma_start3A_38 = arith.constant 0 : i32
        %dma_start3A_39 = tpu.memref_slice %arg5[%scan3A_6, %add3A, %dma_start3A, %dma_start3A_38] : memref<36x32x126x80xi32, #tpu.memory_space<hbm>> -> memref<1x1x126x80xi32, #tpu.memory_space<hbm>>
        %dma_start3A_40 = tpu.memref_squeeze %dma_start3A_39 : memref<1x1x126x80xi32, #tpu.memory_space<hbm>> -> memref<126x80xi32, #tpu.memory_space<hbm>>
        %dma_start3A_41 = arith.constant 0 : i32
        %dma_start3A_42 = arith.constant 0 : i32
        %dma_start3A_43 = tpu.memref_slice %arg5[%scan3A_6, %add3A, %dma_start3A_41, %dma_start3A_42] : memref<36x32x126x80xi32, #tpu.memory_space<hbm>> -> memref<1x1x126x80xi32, #tpu.memory_space<hbm>>
        %dma_start3A_44 = tpu.memref_squeeze %dma_start3A_43 : memref<1x1x126x80xi32, #tpu.memory_space<hbm>> -> memref<126x80xi32, #tpu.memory_space<hbm>>
        tpu.enqueue_dma source(%dma_start3A_44 : memref<126x80xi32, #tpu.memory_space<hbm>>) target(%arg11 : memref<126x80xi32, #tpu.memory_space<vmem>>) target_semaphore(%run_scoped3A_37 : memref<!tpu.dma_semaphore, #tpu.memory_space<semaphore_mem>>)
        %dma_wait3A = arith.constant 0 : i32
        %dma_wait3A_45 = arith.constant 0 : i32
        %dma_wait3A_46 = tpu.memref_slice %arg5[%scan3A_6, %add3A, %dma_wait3A, %dma_wait3A_45] : memref<36x32x126x80xi32, #tpu.memory_space<hbm>> -> memref<1x1x126x80xi32, #tpu.memory_space<hbm>>
        %dma_wait3A_47 = tpu.memref_squeeze %dma_wait3A_46 : memref<1x1x126x80xi32, #tpu.memory_space<hbm>> -> memref<126x80xi32, #tpu.memory_space<hbm>>
        %dma_wait3A_48 = arith.constant 0 : i32
        %dma_wait3A_49 = arith.constant 0 : i32
        %dma_wait3A_50 = tpu.memref_slice %arg5[%scan3A_6, %add3A, %dma_wait3A_48, %dma_wait3A_49] : memref<36x32x126x80xi32, #tpu.memory_space<hbm>> -> memref<1x1x126x80xi32, #tpu.memory_space<hbm>>
        %dma_wait3A_51 = tpu.memref_squeeze %dma_wait3A_50 : memref<1x1x126x80xi32, #tpu.memory_space<hbm>> -> memref<126x80xi32, #tpu.memory_space<hbm>>
        tpu.wait_dma2 semaphore(%run_scoped3A_37 : memref<!tpu.dma_semaphore, #tpu.memory_space<semaphore_mem>>) src(%dma_wait3A_51 : memref<126x80xi32, #tpu.memory_space<hbm>>) dst(%arg11 : memref<126x80xi32, #tpu.memory_space<vmem>>)
        tpu.yield
      }) : () -> ()
      %mul3A_7 = arith.constant 640 : i32
      %mul3A_8 = arith.muli %arg1, %mul3A_7 : i32
      "tpu.region"() ({
        %run_scoped3A_37 = tpu.sem_alloc : memref<!tpu.dma_semaphore, #tpu.memory_space<semaphore_mem>>
        %dma_start3A = arith.constant 0 : i32
        %dma_start3A_38 = tpu.memref_slice %arg25[%mul3A_8, %dma_start3A] : memref<10240x64xf32, #tpu.memory_space<vmem_shared>> -> memref<640x64xf32, #tpu.memory_space<vmem_shared>>
        %dma_start3A_39 = arith.constant 0 : i32
        %dma_start3A_40 = tpu.memref_slice %arg25[%mul3A_8, %dma_start3A_39] : memref<10240x64xf32, #tpu.memory_space<vmem_shared>> -> memref<640x64xf32, #tpu.memory_space<vmem_shared>>
        tpu.enqueue_dma source(%arg14 : memref<640x64xf32, #tpu.memory_space<vmem>>) target(%dma_start3A_40 : memref<640x64xf32, #tpu.memory_space<vmem_shared>>) target_semaphore(%run_scoped3A_37 : memref<!tpu.dma_semaphore, #tpu.memory_space<semaphore_mem>>)
        %dma_wait3A = arith.constant 0 : i32
        %dma_wait3A_41 = tpu.memref_slice %arg25[%mul3A_8, %dma_wait3A] : memref<10240x64xf32, #tpu.memory_space<vmem_shared>> -> memref<640x64xf32, #tpu.memory_space<vmem_shared>>
        %dma_wait3A_42 = arith.constant 0 : i32
        %dma_wait3A_43 = tpu.memref_slice %arg25[%mul3A_8, %dma_wait3A_42] : memref<10240x64xf32, #tpu.memory_space<vmem_shared>> -> memref<640x64xf32, #tpu.memory_space<vmem_shared>>
        tpu.wait_dma2 semaphore(%run_scoped3A_37 : memref<!tpu.dma_semaphore, #tpu.memory_space<semaphore_mem>>) src(%arg14 : memref<640x64xf32, #tpu.memory_space<vmem>>) dst(%dma_wait3A_43 : memref<640x64xf32, #tpu.memory_space<vmem_shared>>)
        tpu.yield
      }) : () -> ()
      %barrier3A = arith.constant 0 : index
      tpu.barrier barrier_id(%barrier3A)
      %scan3A_9 = arith.constant 0 : i32
      %scan3A_10 = arith.constant 0 : i32
      %scan3A_11 = arith.constant 42 : i32
      %scan3A_12 = arith.addi %scan3A_10, %scan3A_11 : i32
      %scan3A_13 = arith.constant 1 : i32
      scf.for %scan3A_37 = %scan3A_10 to %scan3A_12 step %scan3A_13  : i32 {
        %mul3A_38 = arith.constant 3 : i32
        %mul3A_39 = arith.muli %mul3A_38, %scan3A_37 : i32
        %add3A_40 = arith.constant 0 : i32
        %add3A_41 = arith.addi %mul3A_39, %add3A_40 : i32
        %dma_start3A = arith.constant 0 : i32
        %dma_start3A_42 = arith.constant 0 : i32
        %dma_start3A_43 = arith.constant 0 : i32
        %dma_start3A_44 = tpu.memref_slice %arg12[%dma_start3A, %dma_start3A_42, %dma_start3A_43] : memref<3x80x64xf32, #tpu.memory_space<vmem>> -> memref<1x80x64xf32, #tpu.memory_space<vmem>>
        %dma_start3A_45 = tpu.memref_squeeze %dma_start3A_44 : memref<1x80x64xf32, #tpu.memory_space<vmem>> -> memref<80x64xf32, #tpu.memory_space<vmem>>
        %dma_start3A_46 = arith.constant 0 : i32
        %dma_start3A_47 = tpu.memref_slice %arg10[%add3A_41, %dma_start3A_46] : memref<126x80xi32, #tpu.memory_space<vmem>> -> memref<1x80xi32, #tpu.memory_space<vmem>>
        %dma_start3A_48 = tpu.memref_squeeze %dma_start3A_47 : memref<1x80xi32, #tpu.memory_space<vmem>> -> memref<80xi32, #tpu.memory_space<vmem>>
        %dma_start3A_49 = arith.constant 0 : i32
        %dma_start3A_50 = arith.constant 0 : i32
        %dma_start3A_51 = tpu.memref_slice %arg2[%dma_start3A_49, %dma_start3A_50] : memref<368640x64xf32, #tpu.memory_space<hbm>> -> memref<368640x64xf32, #tpu.memory_space<hbm>>
        tpu.enqueue_indirect_dma source(%dma_start3A_51 : memref<368640x64xf32, #tpu.memory_space<hbm>>) target(%dma_start3A_45 : memref<80x64xf32, #tpu.memory_space<vmem>>) offsets(%dma_start3A_48 : memref<80xi32, #tpu.memory_space<vmem>>) semaphore(%arg16 : memref<!tpu.dma_semaphore, #tpu.memory_space<semaphore_mem>>)
        %add3A_52 = arith.constant 1 : i32
        %add3A_53 = arith.addi %mul3A_39, %add3A_52 : i32
        %dma_start3A_54 = arith.constant 1 : i32
        %dma_start3A_55 = arith.constant 0 : i32
        %dma_start3A_56 = arith.constant 0 : i32
        %dma_start3A_57 = tpu.memref_slice %arg12[%dma_start3A_54, %dma_start3A_55, %dma_start3A_56] : memref<3x80x64xf32, #tpu.memory_space<vmem>> -> memref<1x80x64xf32, #tpu.memory_space<vmem>>
        %dma_start3A_58 = tpu.memref_squeeze %dma_start3A_57 : memref<1x80x64xf32, #tpu.memory_space<vmem>> -> memref<80x64xf32, #tpu.memory_space<vmem>>
        %dma_start3A_59 = arith.constant 0 : i32
        %dma_start3A_60 = tpu.memref_slice %arg10[%add3A_53, %dma_start3A_59] : memref<126x80xi32, #tpu.memory_space<vmem>> -> memref<1x80xi32, #tpu.memory_space<vmem>>
        %dma_start3A_61 = tpu.memref_squeeze %dma_start3A_60 : memref<1x80xi32, #tpu.memory_space<vmem>> -> memref<80xi32, #tpu.memory_space<vmem>>
        %dma_start3A_62 = arith.constant 0 : i32
        %dma_start3A_63 = arith.constant 0 : i32
        %dma_start3A_64 = tpu.memref_slice %arg2[%dma_start3A_62, %dma_start3A_63] : memref<368640x64xf32, #tpu.memory_space<hbm>> -> memref<368640x64xf32, #tpu.memory_space<hbm>>
        tpu.enqueue_indirect_dma source(%dma_start3A_64 : memref<368640x64xf32, #tpu.memory_space<hbm>>) target(%dma_start3A_58 : memref<80x64xf32, #tpu.memory_space<vmem>>) offsets(%dma_start3A_61 : memref<80xi32, #tpu.memory_space<vmem>>) semaphore(%arg17 : memref<!tpu.dma_semaphore, #tpu.memory_space<semaphore_mem>>)
        %add3A_65 = arith.constant 2 : i32
        %add3A_66 = arith.addi %mul3A_39, %add3A_65 : i32
        %dma_start3A_67 = arith.constant 2 : i32
        %dma_start3A_68 = arith.constant 0 : i32
        %dma_start3A_69 = arith.constant 0 : i32
        %dma_start3A_70 = tpu.memref_slice %arg12[%dma_start3A_67, %dma_start3A_68, %dma_start3A_69] : memref<3x80x64xf32, #tpu.memory_space<vmem>> -> memref<1x80x64xf32, #tpu.memory_space<vmem>>
        %dma_start3A_71 = tpu.memref_squeeze %dma_start3A_70 : memref<1x80x64xf32, #tpu.memory_space<vmem>> -> memref<80x64xf32, #tpu.memory_space<vmem>>
        %dma_start3A_72 = arith.constant 0 : i32
        %dma_start3A_73 = tpu.memref_slice %arg10[%add3A_66, %dma_start3A_72] : memref<126x80xi32, #tpu.memory_space<vmem>> -> memref<1x80xi32, #tpu.memory_space<vmem>>
        %dma_start3A_74 = tpu.memref_squeeze %dma_start3A_73 : memref<1x80xi32, #tpu.memory_space<vmem>> -> memref<80xi32, #tpu.memory_space<vmem>>
        %dma_start3A_75 = arith.constant 0 : i32
        %dma_start3A_76 = arith.constant 0 : i32
        %dma_start3A_77 = tpu.memref_slice %arg2[%dma_start3A_75, %dma_start3A_76] : memref<368640x64xf32, #tpu.memory_space<hbm>> -> memref<368640x64xf32, #tpu.memory_space<hbm>>
        tpu.enqueue_indirect_dma source(%dma_start3A_77 : memref<368640x64xf32, #tpu.memory_space<hbm>>) target(%dma_start3A_71 : memref<80x64xf32, #tpu.memory_space<vmem>>) offsets(%dma_start3A_74 : memref<80xi32, #tpu.memory_space<vmem>>) semaphore(%arg18 : memref<!tpu.dma_semaphore, #tpu.memory_space<semaphore_mem>>)
        %dma_wait3A = arith.constant 0 : i32
        %dma_wait3A_78 = arith.constant 0 : i32
        %dma_wait3A_79 = arith.constant 0 : i32
        %dma_wait3A_80 = tpu.memref_slice %arg12[%dma_wait3A, %dma_wait3A_78, %dma_wait3A_79] : memref<3x80x64xf32, #tpu.memory_space<vmem>> -> memref<1x80x64xf32, #tpu.memory_space<vmem>>
        %dma_wait3A_81 = tpu.memref_squeeze %dma_wait3A_80 : memref<1x80x64xf32, #tpu.memory_space<vmem>> -> memref<80x64xf32, #tpu.memory_space<vmem>>
        %dma_wait3A_82 = arith.constant 0 : i32
        %dma_wait3A_83 = tpu.memref_slice %arg10[%add3A_41, %dma_wait3A_82] : memref<126x80xi32, #tpu.memory_space<vmem>> -> memref<1x80xi32, #tpu.memory_space<vmem>>
        %dma_wait3A_84 = tpu.memref_squeeze %dma_wait3A_83 : memref<1x80xi32, #tpu.memory_space<vmem>> -> memref<80xi32, #tpu.memory_space<vmem>>
        %dma_wait3A_85 = arith.constant 0 : i32
        %dma_wait3A_86 = arith.constant 0 : i32
        %dma_wait3A_87 = tpu.memref_slice %arg2[%dma_wait3A_85, %dma_wait3A_86] : memref<368640x64xf32, #tpu.memory_space<hbm>> -> memref<368640x64xf32, #tpu.memory_space<hbm>>
        tpu.wait_indirect_dma semaphore(%arg16 : memref<!tpu.dma_semaphore, #tpu.memory_space<semaphore_mem>>) src(%dma_wait3A_87 : memref<368640x64xf32, #tpu.memory_space<hbm>>) dst(%dma_wait3A_81 : memref<80x64xf32, #tpu.memory_space<vmem>>)
        %add3A_88 = arith.constant 0 : i32
        %add3A_89 = arith.addi %mul3A_39, %add3A_88 : i32
        %dma_start3A_90 = arith.constant 0 : i32
        %dma_start3A_91 = arith.constant 0 : i32
        %dma_start3A_92 = arith.constant 0 : i32
        %dma_start3A_93 = tpu.memref_slice %arg12[%dma_start3A_90, %dma_start3A_91, %dma_start3A_92] : memref<3x80x64xf32, #tpu.memory_space<vmem>> -> memref<1x80x64xf32, #tpu.memory_space<vmem>>
        %dma_start3A_94 = tpu.memref_squeeze %dma_start3A_93 : memref<1x80x64xf32, #tpu.memory_space<vmem>> -> memref<80x64xf32, #tpu.memory_space<vmem>>
        %dma_start3A_95 = arith.constant 0 : i32
        %dma_start3A_96 = tpu.memref_slice %arg11[%add3A_89, %dma_start3A_95] : memref<126x80xi32, #tpu.memory_space<vmem>> -> memref<1x80xi32, #tpu.memory_space<vmem>>
        %dma_start3A_97 = tpu.memref_squeeze %dma_start3A_96 : memref<1x80xi32, #tpu.memory_space<vmem>> -> memref<80xi32, #tpu.memory_space<vmem>>
        %dma_start3A_98 = arith.constant 0 : i32
        %dma_start3A_99 = arith.constant 0 : i32
        %dma_start3A_100 = tpu.memref_slice %arg25[%dma_start3A_98, %dma_start3A_99] : memref<10240x64xf32, #tpu.memory_space<vmem_shared>> -> memref<10240x64xf32, #tpu.memory_space<vmem_shared>>
        tpu.enqueue_indirect_dma source(%dma_start3A_94 : memref<80x64xf32, #tpu.memory_space<vmem>>) target(%dma_start3A_100 : memref<10240x64xf32, #tpu.memory_space<vmem_shared>>) offsets(%dma_start3A_97 : memref<80xi32, #tpu.memory_space<vmem>>) semaphore(%arg19 : memref<!tpu.dma_semaphore, #tpu.memory_space<semaphore_mem>>) {add = true}
        %dma_wait3A_101 = arith.constant 1 : i32
        %dma_wait3A_102 = arith.constant 0 : i32
        %dma_wait3A_103 = arith.constant 0 : i32
        %dma_wait3A_104 = tpu.memref_slice %arg12[%dma_wait3A_101, %dma_wait3A_102, %dma_wait3A_103] : memref<3x80x64xf32, #tpu.memory_space<vmem>> -> memref<1x80x64xf32, #tpu.memory_space<vmem>>
        %dma_wait3A_105 = tpu.memref_squeeze %dma_wait3A_104 : memref<1x80x64xf32, #tpu.memory_space<vmem>> -> memref<80x64xf32, #tpu.memory_space<vmem>>
        %dma_wait3A_106 = arith.constant 0 : i32
        %dma_wait3A_107 = tpu.memref_slice %arg10[%add3A_53, %dma_wait3A_106] : memref<126x80xi32, #tpu.memory_space<vmem>> -> memref<1x80xi32, #tpu.memory_space<vmem>>
        %dma_wait3A_108 = tpu.memref_squeeze %dma_wait3A_107 : memref<1x80xi32, #tpu.memory_space<vmem>> -> memref<80xi32, #tpu.memory_space<vmem>>
        %dma_wait3A_109 = arith.constant 0 : i32
        %dma_wait3A_110 = arith.constant 0 : i32
        %dma_wait3A_111 = tpu.memref_slice %arg2[%dma_wait3A_109, %dma_wait3A_110] : memref<368640x64xf32, #tpu.memory_space<hbm>> -> memref<368640x64xf32, #tpu.memory_space<hbm>>
        tpu.wait_indirect_dma semaphore(%arg17 : memref<!tpu.dma_semaphore, #tpu.memory_space<semaphore_mem>>) src(%dma_wait3A_111 : memref<368640x64xf32, #tpu.memory_space<hbm>>) dst(%dma_wait3A_105 : memref<80x64xf32, #tpu.memory_space<vmem>>)
        %add3A_112 = arith.constant 1 : i32
        %add3A_113 = arith.addi %mul3A_39, %add3A_112 : i32
        %dma_start3A_114 = arith.constant 1 : i32
        %dma_start3A_115 = arith.constant 0 : i32
        %dma_start3A_116 = arith.constant 0 : i32
        %dma_start3A_117 = tpu.memref_slice %arg12[%dma_start3A_114, %dma_start3A_115, %dma_start3A_116] : memref<3x80x64xf32, #tpu.memory_space<vmem>> -> memref<1x80x64xf32, #tpu.memory_space<vmem>>
        %dma_start3A_118 = tpu.memref_squeeze %dma_start3A_117 : memref<1x80x64xf32, #tpu.memory_space<vmem>> -> memref<80x64xf32, #tpu.memory_space<vmem>>
        %dma_start3A_119 = arith.constant 0 : i32
        %dma_start3A_120 = tpu.memref_slice %arg11[%add3A_113, %dma_start3A_119] : memref<126x80xi32, #tpu.memory_space<vmem>> -> memref<1x80xi32, #tpu.memory_space<vmem>>
        %dma_start3A_121 = tpu.memref_squeeze %dma_start3A_120 : memref<1x80xi32, #tpu.memory_space<vmem>> -> memref<80xi32, #tpu.memory_space<vmem>>
        %dma_start3A_122 = arith.constant 0 : i32
        %dma_start3A_123 = arith.constant 0 : i32
        %dma_start3A_124 = tpu.memref_slice %arg25[%dma_start3A_122, %dma_start3A_123] : memref<10240x64xf32, #tpu.memory_space<vmem_shared>> -> memref<10240x64xf32, #tpu.memory_space<vmem_shared>>
        tpu.enqueue_indirect_dma source(%dma_start3A_118 : memref<80x64xf32, #tpu.memory_space<vmem>>) target(%dma_start3A_124 : memref<10240x64xf32, #tpu.memory_space<vmem_shared>>) offsets(%dma_start3A_121 : memref<80xi32, #tpu.memory_space<vmem>>) semaphore(%arg20 : memref<!tpu.dma_semaphore, #tpu.memory_space<semaphore_mem>>) {add = true}
        %dma_wait3A_125 = arith.constant 2 : i32
        %dma_wait3A_126 = arith.constant 0 : i32
        %dma_wait3A_127 = arith.constant 0 : i32
        %dma_wait3A_128 = tpu.memref_slice %arg12[%dma_wait3A_125, %dma_wait3A_126, %dma_wait3A_127] : memref<3x80x64xf32, #tpu.memory_space<vmem>> -> memref<1x80x64xf32, #tpu.memory_space<vmem>>
        %dma_wait3A_129 = tpu.memref_squeeze %dma_wait3A_128 : memref<1x80x64xf32, #tpu.memory_space<vmem>> -> memref<80x64xf32, #tpu.memory_space<vmem>>
        %dma_wait3A_130 = arith.constant 0 : i32
        %dma_wait3A_131 = tpu.memref_slice %arg10[%add3A_66, %dma_wait3A_130] : memref<126x80xi32, #tpu.memory_space<vmem>> -> memref<1x80xi32, #tpu.memory_space<vmem>>
        %dma_wait3A_132 = tpu.memref_squeeze %dma_wait3A_131 : memref<1x80xi32, #tpu.memory_space<vmem>> -> memref<80xi32, #tpu.memory_space<vmem>>
        %dma_wait3A_133 = arith.constant 0 : i32
        %dma_wait3A_134 = arith.constant 0 : i32
        %dma_wait3A_135 = tpu.memref_slice %arg2[%dma_wait3A_133, %dma_wait3A_134] : memref<368640x64xf32, #tpu.memory_space<hbm>> -> memref<368640x64xf32, #tpu.memory_space<hbm>>
        tpu.wait_indirect_dma semaphore(%arg18 : memref<!tpu.dma_semaphore, #tpu.memory_space<semaphore_mem>>) src(%dma_wait3A_135 : memref<368640x64xf32, #tpu.memory_space<hbm>>) dst(%dma_wait3A_129 : memref<80x64xf32, #tpu.memory_space<vmem>>)
        %add3A_136 = arith.constant 2 : i32
        %add3A_137 = arith.addi %mul3A_39, %add3A_136 : i32
        %dma_start3A_138 = arith.constant 2 : i32
        %dma_start3A_139 = arith.constant 0 : i32
        %dma_start3A_140 = arith.constant 0 : i32
        %dma_start3A_141 = tpu.memref_slice %arg12[%dma_start3A_138, %dma_start3A_139, %dma_start3A_140] : memref<3x80x64xf32, #tpu.memory_space<vmem>> -> memref<1x80x64xf32, #tpu.memory_space<vmem>>
        %dma_start3A_142 = tpu.memref_squeeze %dma_start3A_141 : memref<1x80x64xf32, #tpu.memory_space<vmem>> -> memref<80x64xf32, #tpu.memory_space<vmem>>
        %dma_start3A_143 = arith.constant 0 : i32
        %dma_start3A_144 = tpu.memref_slice %arg11[%add3A_137, %dma_start3A_143] : memref<126x80xi32, #tpu.memory_space<vmem>> -> memref<1x80xi32, #tpu.memory_space<vmem>>
        %dma_start3A_145 = tpu.memref_squeeze %dma_start3A_144 : memref<1x80xi32, #tpu.memory_space<vmem>> -> memref<80xi32, #tpu.memory_space<vmem>>
        %dma_start3A_146 = arith.constant 0 : i32
        %dma_start3A_147 = arith.constant 0 : i32
        %dma_start3A_148 = tpu.memref_slice %arg25[%dma_start3A_146, %dma_start3A_147] : memref<10240x64xf32, #tpu.memory_space<vmem_shared>> -> memref<10240x64xf32, #tpu.memory_space<vmem_shared>>
        tpu.enqueue_indirect_dma source(%dma_start3A_142 : memref<80x64xf32, #tpu.memory_space<vmem>>) target(%dma_start3A_148 : memref<10240x64xf32, #tpu.memory_space<vmem_shared>>) offsets(%dma_start3A_145 : memref<80xi32, #tpu.memory_space<vmem>>) semaphore(%arg21 : memref<!tpu.dma_semaphore, #tpu.memory_space<semaphore_mem>>) {add = true}
        %dma_wait3A_149 = arith.constant 0 : i32
        %dma_wait3A_150 = arith.constant 0 : i32
        %dma_wait3A_151 = arith.constant 0 : i32
        %dma_wait3A_152 = tpu.memref_slice %arg12[%dma_wait3A_149, %dma_wait3A_150, %dma_wait3A_151] : memref<3x80x64xf32, #tpu.memory_space<vmem>> -> memref<1x80x64xf32, #tpu.memory_space<vmem>>
        %dma_wait3A_153 = tpu.memref_squeeze %dma_wait3A_152 : memref<1x80x64xf32, #tpu.memory_space<vmem>> -> memref<80x64xf32, #tpu.memory_space<vmem>>
        %dma_wait3A_154 = arith.constant 0 : i32
        %dma_wait3A_155 = tpu.memref_slice %arg11[%add3A_89, %dma_wait3A_154] : memref<126x80xi32, #tpu.memory_space<vmem>> -> memref<1x80xi32, #tpu.memory_space<vmem>>
        %dma_wait3A_156 = tpu.memref_squeeze %dma_wait3A_155 : memref<1x80xi32, #tpu.memory_space<vmem>> -> memref<80xi32, #tpu.memory_space<vmem>>
        %dma_wait3A_157 = arith.constant 0 : i32
        %dma_wait3A_158 = arith.constant 0 : i32
        %dma_wait3A_159 = tpu.memref_slice %arg25[%dma_wait3A_157, %dma_wait3A_158] : memref<10240x64xf32, #tpu.memory_space<vmem_shared>> -> memref<10240x64xf32, #tpu.memory_space<vmem_shared>>
        tpu.wait_indirect_dma semaphore(%arg19 : memref<!tpu.dma_semaphore, #tpu.memory_space<semaphore_mem>>) src(%dma_wait3A_153 : memref<80x64xf32, #tpu.memory_space<vmem>>) dst(%dma_wait3A_159 : memref<10240x64xf32, #tpu.memory_space<vmem_shared>>)
        %dma_wait3A_160 = arith.constant 1 : i32
        %dma_wait3A_161 = arith.constant 0 : i32
        %dma_wait3A_162 = arith.constant 0 : i32
        %dma_wait3A_163 = tpu.memref_slice %arg12[%dma_wait3A_160, %dma_wait3A_161, %dma_wait3A_162] : memref<3x80x64xf32, #tpu.memory_space<vmem>> -> memref<1x80x64xf32, #tpu.memory_space<vmem>>
        %dma_wait3A_164 = tpu.memref_squeeze %dma_wait3A_163 : memref<1x80x64xf32, #tpu.memory_space<vmem>> -> memref<80x64xf32, #tpu.memory_space<vmem>>
        %dma_wait3A_165 = arith.constant 0 : i32
        %dma_wait3A_166 = tpu.memref_slice %arg11[%add3A_113, %dma_wait3A_165] : memref<126x80xi32, #tpu.memory_space<vmem>> -> memref<1x80xi32, #tpu.memory_space<vmem>>
        %dma_wait3A_167 = tpu.memref_squeeze %dma_wait3A_166 : memref<1x80xi32, #tpu.memory_space<vmem>> -> memref<80xi32, #tpu.memory_space<vmem>>
        %dma_wait3A_168 = arith.constant 0 : i32
        %dma_wait3A_169 = arith.constant 0 : i32
        %dma_wait3A_170 = tpu.memref_slice %arg25[%dma_wait3A_168, %dma_wait3A_169] : memref<10240x64xf32, #tpu.memory_space<vmem_shared>> -> memref<10240x64xf32, #tpu.memory_space<vmem_shared>>
        tpu.wait_indirect_dma semaphore(%arg20 : memref<!tpu.dma_semaphore, #tpu.memory_space<semaphore_mem>>) src(%dma_wait3A_164 : memref<80x64xf32, #tpu.memory_space<vmem>>) dst(%dma_wait3A_170 : memref<10240x64xf32, #tpu.memory_space<vmem_shared>>)
        %dma_wait3A_171 = arith.constant 2 : i32
        %dma_wait3A_172 = arith.constant 0 : i32
        %dma_wait3A_173 = arith.constant 0 : i32
        %dma_wait3A_174 = tpu.memref_slice %arg12[%dma_wait3A_171, %dma_wait3A_172, %dma_wait3A_173] : memref<3x80x64xf32, #tpu.memory_space<vmem>> -> memref<1x80x64xf32, #tpu.memory_space<vmem>>
        %dma_wait3A_175 = tpu.memref_squeeze %dma_wait3A_174 : memref<1x80x64xf32, #tpu.memory_space<vmem>> -> memref<80x64xf32, #tpu.memory_space<vmem>>
        %dma_wait3A_176 = arith.constant 0 : i32
        %dma_wait3A_177 = tpu.memref_slice %arg11[%add3A_137, %dma_wait3A_176] : memref<126x80xi32, #tpu.memory_space<vmem>> -> memref<1x80xi32, #tpu.memory_space<vmem>>
        %dma_wait3A_178 = tpu.memref_squeeze %dma_wait3A_177 : memref<1x80xi32, #tpu.memory_space<vmem>> -> memref<80xi32, #tpu.memory_space<vmem>>
        %dma_wait3A_179 = arith.constant 0 : i32
        %dma_wait3A_180 = arith.constant 0 : i32
        %dma_wait3A_181 = tpu.memref_slice %arg25[%dma_wait3A_179, %dma_wait3A_180] : memref<10240x64xf32, #tpu.memory_space<vmem_shared>> -> memref<10240x64xf32, #tpu.memory_space<vmem_shared>>
        tpu.wait_indirect_dma semaphore(%arg21 : memref<!tpu.dma_semaphore, #tpu.memory_space<semaphore_mem>>) src(%dma_wait3A_175 : memref<80x64xf32, #tpu.memory_space<vmem>>) dst(%dma_wait3A_181 : memref<10240x64xf32, #tpu.memory_space<vmem_shared>>)
      }
      %scan3A_14 = arith.constant 42 : i32
      %barrier3A_15 = arith.constant 0 : index
      tpu.barrier barrier_id(%barrier3A_15)
      %mul3A_16 = arith.constant 640 : i32
      %mul3A_17 = arith.muli %arg1, %mul3A_16 : i32
      %mul3A_18 = arith.constant 640 : i32
      %mul3A_19 = arith.muli %arg1, %mul3A_18 : i32
      %run_scoped3A = arith.constant 0 : i32
      "tpu.region"() ({
        %run_scoped3A_37 = tpu.sem_alloc : memref<!tpu.dma_semaphore, #tpu.memory_space<semaphore_mem>>
        %dma_start3A = arith.constant 0 : i32
        %dma_start3A_38 = tpu.memref_slice %arg9[%run_scoped3A, %scan3A_6, %arg0, %mul3A_19, %dma_start3A] : memref<2x36x2x10240x64xf32, #tpu.memory_space<hbm>> -> memref<1x1x1x640x64xf32, #tpu.memory_space<hbm>>
        %dma_start3A_39 = tpu.memref_squeeze %dma_start3A_38 : memref<1x1x1x640x64xf32, #tpu.memory_space<hbm>> -> memref<640x64xf32, #tpu.memory_space<hbm>>
        %dma_start3A_40 = arith.constant 0 : i32
        %dma_start3A_41 = tpu.memref_slice %arg25[%mul3A_17, %dma_start3A_40] : memref<10240x64xf32, #tpu.memory_space<vmem_shared>> -> memref<640x64xf32, #tpu.memory_space<vmem_shared>>
        tpu.enqueue_dma source(%dma_start3A_41 : memref<640x64xf32, #tpu.memory_space<vmem_shared>>) target(%dma_start3A_39 : memref<640x64xf32, #tpu.memory_space<hbm>>) target_semaphore(%run_scoped3A_37 : memref<!tpu.dma_semaphore, #tpu.memory_space<semaphore_mem>>)
        %dma_wait3A = arith.constant 0 : i32
        %dma_wait3A_42 = tpu.memref_slice %arg9[%run_scoped3A, %scan3A_6, %arg0, %mul3A_19, %dma_wait3A] : memref<2x36x2x10240x64xf32, #tpu.memory_space<hbm>> -> memref<1x1x1x640x64xf32, #tpu.memory_space<hbm>>
        %dma_wait3A_43 = tpu.memref_squeeze %dma_wait3A_42 : memref<1x1x1x640x64xf32, #tpu.memory_space<hbm>> -> memref<640x64xf32, #tpu.memory_space<hbm>>
        %dma_wait3A_44 = arith.constant 0 : i32
        %dma_wait3A_45 = tpu.memref_slice %arg25[%mul3A_17, %dma_wait3A_44] : memref<10240x64xf32, #tpu.memory_space<vmem_shared>> -> memref<640x64xf32, #tpu.memory_space<vmem_shared>>
        tpu.wait_dma2 semaphore(%run_scoped3A_37 : memref<!tpu.dma_semaphore, #tpu.memory_space<semaphore_mem>>) src(%dma_wait3A_45 : memref<640x64xf32, #tpu.memory_space<vmem_shared>>) dst(%dma_wait3A_43 : memref<640x64xf32, #tpu.memory_space<hbm>>)
        tpu.yield
      }) : () -> ()
      %barrier3A_20 = arith.constant 0 : index
      tpu.barrier barrier_id(%barrier3A_20)
      %mul3A_21 = arith.constant 640 : i32
      %mul3A_22 = arith.muli %arg1, %mul3A_21 : i32
      "tpu.region"() ({
        %run_scoped3A_37 = tpu.sem_alloc : memref<!tpu.dma_semaphore, #tpu.memory_space<semaphore_mem>>
        %dma_start3A = arith.constant 0 : i32
        %dma_start3A_38 = tpu.memref_slice %arg25[%mul3A_22, %dma_start3A] : memref<10240x64xf32, #tpu.memory_space<vmem_shared>> -> memref<640x64xf32, #tpu.memory_space<vmem_shared>>
        %dma_start3A_39 = arith.constant 0 : i32
        %dma_start3A_40 = tpu.memref_slice %arg25[%mul3A_22, %dma_start3A_39] : memref<10240x64xf32, #tpu.memory_space<vmem_shared>> -> memref<640x64xf32, #tpu.memory_space<vmem_shared>>
        tpu.enqueue_dma source(%arg14 : memref<640x64xf32, #tpu.memory_space<vmem>>) target(%dma_start3A_40 : memref<640x64xf32, #tpu.memory_space<vmem_shared>>) target_semaphore(%run_scoped3A_37 : memref<!tpu.dma_semaphore, #tpu.memory_space<semaphore_mem>>)
        %dma_wait3A = arith.constant 0 : i32
        %dma_wait3A_41 = tpu.memref_slice %arg25[%mul3A_22, %dma_wait3A] : memref<10240x64xf32, #tpu.memory_space<vmem_shared>> -> memref<640x64xf32, #tpu.memory_space<vmem_shared>>
        %dma_wait3A_42 = arith.constant 0 : i32
        %dma_wait3A_43 = tpu.memref_slice %arg25[%mul3A_22, %dma_wait3A_42] : memref<10240x64xf32, #tpu.memory_space<vmem_shared>> -> memref<640x64xf32, #tpu.memory_space<vmem_shared>>
        tpu.wait_dma2 semaphore(%run_scoped3A_37 : memref<!tpu.dma_semaphore, #tpu.memory_space<semaphore_mem>>) src(%arg14 : memref<640x64xf32, #tpu.memory_space<vmem>>) dst(%dma_wait3A_43 : memref<640x64xf32, #tpu.memory_space<vmem_shared>>)
        tpu.yield
      }) : () -> ()
      %barrier3A_23 = arith.constant 0 : index
      tpu.barrier barrier_id(%barrier3A_23)
      %scan3A_24 = arith.constant 0 : i32
      %scan3A_25 = arith.constant 0 : i32
      %scan3A_26 = arith.constant 42 : i32
      %scan3A_27 = arith.addi %scan3A_25, %scan3A_26 : i32
      %scan3A_28 = arith.constant 1 : i32
      scf.for %scan3A_37 = %scan3A_25 to %scan3A_27 step %scan3A_28  : i32 {
        %mul3A_38 = arith.constant 3 : i32
        %mul3A_39 = arith.muli %mul3A_38, %scan3A_37 : i32
        %add3A_40 = arith.constant 0 : i32
        %add3A_41 = arith.addi %mul3A_39, %add3A_40 : i32
        %dma_start3A = arith.constant 0 : i32
        %dma_start3A_42 = arith.constant 0 : i32
        %dma_start3A_43 = arith.constant 0 : i32
        %dma_start3A_44 = tpu.memref_slice %arg12[%dma_start3A, %dma_start3A_42, %dma_start3A_43] : memref<3x80x64xf32, #tpu.memory_space<vmem>> -> memref<1x80x64xf32, #tpu.memory_space<vmem>>
        %dma_start3A_45 = tpu.memref_squeeze %dma_start3A_44 : memref<1x80x64xf32, #tpu.memory_space<vmem>> -> memref<80x64xf32, #tpu.memory_space<vmem>>
        %dma_start3A_46 = arith.constant 0 : i32
        %dma_start3A_47 = tpu.memref_slice %arg10[%add3A_41, %dma_start3A_46] : memref<126x80xi32, #tpu.memory_space<vmem>> -> memref<1x80xi32, #tpu.memory_space<vmem>>
        %dma_start3A_48 = tpu.memref_squeeze %dma_start3A_47 : memref<1x80xi32, #tpu.memory_space<vmem>> -> memref<80xi32, #tpu.memory_space<vmem>>
        %dma_start3A_49 = arith.constant 0 : i32
        %dma_start3A_50 = arith.constant 0 : i32
        %dma_start3A_51 = tpu.memref_slice %arg3[%dma_start3A_49, %dma_start3A_50] : memref<368640x64xf32, #tpu.memory_space<hbm>> -> memref<368640x64xf32, #tpu.memory_space<hbm>>
        tpu.enqueue_indirect_dma source(%dma_start3A_51 : memref<368640x64xf32, #tpu.memory_space<hbm>>) target(%dma_start3A_45 : memref<80x64xf32, #tpu.memory_space<vmem>>) offsets(%dma_start3A_48 : memref<80xi32, #tpu.memory_space<vmem>>) semaphore(%arg16 : memref<!tpu.dma_semaphore, #tpu.memory_space<semaphore_mem>>)
        %add3A_52 = arith.constant 1 : i32
        %add3A_53 = arith.addi %mul3A_39, %add3A_52 : i32
        %dma_start3A_54 = arith.constant 1 : i32
        %dma_start3A_55 = arith.constant 0 : i32
        %dma_start3A_56 = arith.constant 0 : i32
        %dma_start3A_57 = tpu.memref_slice %arg12[%dma_start3A_54, %dma_start3A_55, %dma_start3A_56] : memref<3x80x64xf32, #tpu.memory_space<vmem>> -> memref<1x80x64xf32, #tpu.memory_space<vmem>>
        %dma_start3A_58 = tpu.memref_squeeze %dma_start3A_57 : memref<1x80x64xf32, #tpu.memory_space<vmem>> -> memref<80x64xf32, #tpu.memory_space<vmem>>
        %dma_start3A_59 = arith.constant 0 : i32
        %dma_start3A_60 = tpu.memref_slice %arg10[%add3A_53, %dma_start3A_59] : memref<126x80xi32, #tpu.memory_space<vmem>> -> memref<1x80xi32, #tpu.memory_space<vmem>>
        %dma_start3A_61 = tpu.memref_squeeze %dma_start3A_60 : memref<1x80xi32, #tpu.memory_space<vmem>> -> memref<80xi32, #tpu.memory_space<vmem>>
        %dma_start3A_62 = arith.constant 0 : i32
        %dma_start3A_63 = arith.constant 0 : i32
        %dma_start3A_64 = tpu.memref_slice %arg3[%dma_start3A_62, %dma_start3A_63] : memref<368640x64xf32, #tpu.memory_space<hbm>> -> memref<368640x64xf32, #tpu.memory_space<hbm>>
        tpu.enqueue_indirect_dma source(%dma_start3A_64 : memref<368640x64xf32, #tpu.memory_space<hbm>>) target(%dma_start3A_58 : memref<80x64xf32, #tpu.memory_space<vmem>>) offsets(%dma_start3A_61 : memref<80xi32, #tpu.memory_space<vmem>>) semaphore(%arg17 : memref<!tpu.dma_semaphore, #tpu.memory_space<semaphore_mem>>)
        %add3A_65 = arith.constant 2 : i32
        %add3A_66 = arith.addi %mul3A_39, %add3A_65 : i32
        %dma_start3A_67 = arith.constant 2 : i32
        %dma_start3A_68 = arith.constant 0 : i32
        %dma_start3A_69 = arith.constant 0 : i32
        %dma_start3A_70 = tpu.memref_slice %arg12[%dma_start3A_67, %dma_start3A_68, %dma_start3A_69] : memref<3x80x64xf32, #tpu.memory_space<vmem>> -> memref<1x80x64xf32, #tpu.memory_space<vmem>>
        %dma_start3A_71 = tpu.memref_squeeze %dma_start3A_70 : memref<1x80x64xf32, #tpu.memory_space<vmem>> -> memref<80x64xf32, #tpu.memory_space<vmem>>
        %dma_start3A_72 = arith.constant 0 : i32
        %dma_start3A_73 = tpu.memref_slice %arg10[%add3A_66, %dma_start3A_72] : memref<126x80xi32, #tpu.memory_space<vmem>> -> memref<1x80xi32, #tpu.memory_space<vmem>>
        %dma_start3A_74 = tpu.memref_squeeze %dma_start3A_73 : memref<1x80xi32, #tpu.memory_space<vmem>> -> memref<80xi32, #tpu.memory_space<vmem>>
        %dma_start3A_75 = arith.constant 0 : i32
        %dma_start3A_76 = arith.constant 0 : i32
        %dma_start3A_77 = tpu.memref_slice %arg3[%dma_start3A_75, %dma_start3A_76] : memref<368640x64xf32, #tpu.memory_space<hbm>> -> memref<368640x64xf32, #tpu.memory_space<hbm>>
        tpu.enqueue_indirect_dma source(%dma_start3A_77 : memref<368640x64xf32, #tpu.memory_space<hbm>>) target(%dma_start3A_71 : memref<80x64xf32, #tpu.memory_space<vmem>>) offsets(%dma_start3A_74 : memref<80xi32, #tpu.memory_space<vmem>>) semaphore(%arg18 : memref<!tpu.dma_semaphore, #tpu.memory_space<semaphore_mem>>)
        %dma_wait3A = arith.constant 0 : i32
        %dma_wait3A_78 = arith.constant 0 : i32
        %dma_wait3A_79 = arith.constant 0 : i32
        %dma_wait3A_80 = tpu.memref_slice %arg12[%dma_wait3A, %dma_wait3A_78, %dma_wait3A_79] : memref<3x80x64xf32, #tpu.memory_space<vmem>> -> memref<1x80x64xf32, #tpu.memory_space<vmem>>
        %dma_wait3A_81 = tpu.memref_squeeze %dma_wait3A_80 : memref<1x80x64xf32, #tpu.memory_space<vmem>> -> memref<80x64xf32, #tpu.memory_space<vmem>>
        %dma_wait3A_82 = arith.constant 0 : i32
        %dma_wait3A_83 = tpu.memref_slice %arg10[%add3A_41, %dma_wait3A_82] : memref<126x80xi32, #tpu.memory_space<vmem>> -> memref<1x80xi32, #tpu.memory_space<vmem>>
        %dma_wait3A_84 = tpu.memref_squeeze %dma_wait3A_83 : memref<1x80xi32, #tpu.memory_space<vmem>> -> memref<80xi32, #tpu.memory_space<vmem>>
        %dma_wait3A_85 = arith.constant 0 : i32
        %dma_wait3A_86 = arith.constant 0 : i32
        %dma_wait3A_87 = tpu.memref_slice %arg3[%dma_wait3A_85, %dma_wait3A_86] : memref<368640x64xf32, #tpu.memory_space<hbm>> -> memref<368640x64xf32, #tpu.memory_space<hbm>>
        tpu.wait_indirect_dma semaphore(%arg16 : memref<!tpu.dma_semaphore, #tpu.memory_space<semaphore_mem>>) src(%dma_wait3A_87 : memref<368640x64xf32, #tpu.memory_space<hbm>>) dst(%dma_wait3A_81 : memref<80x64xf32, #tpu.memory_space<vmem>>)
        %add3A_88 = arith.constant 0 : i32
        %add3A_89 = arith.addi %mul3A_39, %add3A_88 : i32
        %dma_start3A_90 = arith.constant 0 : i32
        %dma_start3A_91 = arith.constant 0 : i32
        %dma_start3A_92 = arith.constant 0 : i32
        %dma_start3A_93 = tpu.memref_slice %arg12[%dma_start3A_90, %dma_start3A_91, %dma_start3A_92] : memref<3x80x64xf32, #tpu.memory_space<vmem>> -> memref<1x80x64xf32, #tpu.memory_space<vmem>>
        %dma_start3A_94 = tpu.memref_squeeze %dma_start3A_93 : memref<1x80x64xf32, #tpu.memory_space<vmem>> -> memref<80x64xf32, #tpu.memory_space<vmem>>
        %dma_start3A_95 = arith.constant 0 : i32
        %dma_start3A_96 = tpu.memref_slice %arg11[%add3A_89, %dma_start3A_95] : memref<126x80xi32, #tpu.memory_space<vmem>> -> memref<1x80xi32, #tpu.memory_space<vmem>>
        %dma_start3A_97 = tpu.memref_squeeze %dma_start3A_96 : memref<1x80xi32, #tpu.memory_space<vmem>> -> memref<80xi32, #tpu.memory_space<vmem>>
        %dma_start3A_98 = arith.constant 0 : i32
        %dma_start3A_99 = arith.constant 0 : i32
        %dma_start3A_100 = tpu.memref_slice %arg25[%dma_start3A_98, %dma_start3A_99] : memref<10240x64xf32, #tpu.memory_space<vmem_shared>> -> memref<10240x64xf32, #tpu.memory_space<vmem_shared>>
        tpu.enqueue_indirect_dma source(%dma_start3A_94 : memref<80x64xf32, #tpu.memory_space<vmem>>) target(%dma_start3A_100 : memref<10240x64xf32, #tpu.memory_space<vmem_shared>>) offsets(%dma_start3A_97 : memref<80xi32, #tpu.memory_space<vmem>>) semaphore(%arg19 : memref<!tpu.dma_semaphore, #tpu.memory_space<semaphore_mem>>) {add = true}
        %dma_wait3A_101 = arith.constant 1 : i32
        %dma_wait3A_102 = arith.constant 0 : i32
        %dma_wait3A_103 = arith.constant 0 : i32
        %dma_wait3A_104 = tpu.memref_slice %arg12[%dma_wait3A_101, %dma_wait3A_102, %dma_wait3A_103] : memref<3x80x64xf32, #tpu.memory_space<vmem>> -> memref<1x80x64xf32, #tpu.memory_space<vmem>>
        %dma_wait3A_105 = tpu.memref_squeeze %dma_wait3A_104 : memref<1x80x64xf32, #tpu.memory_space<vmem>> -> memref<80x64xf32, #tpu.memory_space<vmem>>
        %dma_wait3A_106 = arith.constant 0 : i32
        %dma_wait3A_107 = tpu.memref_slice %arg10[%add3A_53, %dma_wait3A_106] : memref<126x80xi32, #tpu.memory_space<vmem>> -> memref<1x80xi32, #tpu.memory_space<vmem>>
        %dma_wait3A_108 = tpu.memref_squeeze %dma_wait3A_107 : memref<1x80xi32, #tpu.memory_space<vmem>> -> memref<80xi32, #tpu.memory_space<vmem>>
        %dma_wait3A_109 = arith.constant 0 : i32
        %dma_wait3A_110 = arith.constant 0 : i32
        %dma_wait3A_111 = tpu.memref_slice %arg3[%dma_wait3A_109, %dma_wait3A_110] : memref<368640x64xf32, #tpu.memory_space<hbm>> -> memref<368640x64xf32, #tpu.memory_space<hbm>>
        tpu.wait_indirect_dma semaphore(%arg17 : memref<!tpu.dma_semaphore, #tpu.memory_space<semaphore_mem>>) src(%dma_wait3A_111 : memref<368640x64xf32, #tpu.memory_space<hbm>>) dst(%dma_wait3A_105 : memref<80x64xf32, #tpu.memory_space<vmem>>)
        %add3A_112 = arith.constant 1 : i32
        %add3A_113 = arith.addi %mul3A_39, %add3A_112 : i32
        %dma_start3A_114 = arith.constant 1 : i32
        %dma_start3A_115 = arith.constant 0 : i32
        %dma_start3A_116 = arith.constant 0 : i32
        %dma_start3A_117 = tpu.memref_slice %arg12[%dma_start3A_114, %dma_start3A_115, %dma_start3A_116] : memref<3x80x64xf32, #tpu.memory_space<vmem>> -> memref<1x80x64xf32, #tpu.memory_space<vmem>>
        %dma_start3A_118 = tpu.memref_squeeze %dma_start3A_117 : memref<1x80x64xf32, #tpu.memory_space<vmem>> -> memref<80x64xf32, #tpu.memory_space<vmem>>
        %dma_start3A_119 = arith.constant 0 : i32
        %dma_start3A_120 = tpu.memref_slice %arg11[%add3A_113, %dma_start3A_119] : memref<126x80xi32, #tpu.memory_space<vmem>> -> memref<1x80xi32, #tpu.memory_space<vmem>>
        %dma_start3A_121 = tpu.memref_squeeze %dma_start3A_120 : memref<1x80xi32, #tpu.memory_space<vmem>> -> memref<80xi32, #tpu.memory_space<vmem>>
        %dma_start3A_122 = arith.constant 0 : i32
        %dma_start3A_123 = arith.constant 0 : i32
        %dma_start3A_124 = tpu.memref_slice %arg25[%dma_start3A_122, %dma_start3A_123] : memref<10240x64xf32, #tpu.memory_space<vmem_shared>> -> memref<10240x64xf32, #tpu.memory_space<vmem_shared>>
        tpu.enqueue_indirect_dma source(%dma_start3A_118 : memref<80x64xf32, #tpu.memory_space<vmem>>) target(%dma_start3A_124 : memref<10240x64xf32, #tpu.memory_space<vmem_shared>>) offsets(%dma_start3A_121 : memref<80xi32, #tpu.memory_space<vmem>>) semaphore(%arg20 : memref<!tpu.dma_semaphore, #tpu.memory_space<semaphore_mem>>) {add = true}
        %dma_wait3A_125 = arith.constant 2 : i32
        %dma_wait3A_126 = arith.constant 0 : i32
        %dma_wait3A_127 = arith.constant 0 : i32
        %dma_wait3A_128 = tpu.memref_slice %arg12[%dma_wait3A_125, %dma_wait3A_126, %dma_wait3A_127] : memref<3x80x64xf32, #tpu.memory_space<vmem>> -> memref<1x80x64xf32, #tpu.memory_space<vmem>>
        %dma_wait3A_129 = tpu.memref_squeeze %dma_wait3A_128 : memref<1x80x64xf32, #tpu.memory_space<vmem>> -> memref<80x64xf32, #tpu.memory_space<vmem>>
        %dma_wait3A_130 = arith.constant 0 : i32
        %dma_wait3A_131 = tpu.memref_slice %arg10[%add3A_66, %dma_wait3A_130] : memref<126x80xi32, #tpu.memory_space<vmem>> -> memref<1x80xi32, #tpu.memory_space<vmem>>
        %dma_wait3A_132 = tpu.memref_squeeze %dma_wait3A_131 : memref<1x80xi32, #tpu.memory_space<vmem>> -> memref<80xi32, #tpu.memory_space<vmem>>
        %dma_wait3A_133 = arith.constant 0 : i32
        %dma_wait3A_134 = arith.constant 0 : i32
        %dma_wait3A_135 = tpu.memref_slice %arg3[%dma_wait3A_133, %dma_wait3A_134] : memref<368640x64xf32, #tpu.memory_space<hbm>> -> memref<368640x64xf32, #tpu.memory_space<hbm>>
        tpu.wait_indirect_dma semaphore(%arg18 : memref<!tpu.dma_semaphore, #tpu.memory_space<semaphore_mem>>) src(%dma_wait3A_135 : memref<368640x64xf32, #tpu.memory_space<hbm>>) dst(%dma_wait3A_129 : memref<80x64xf32, #tpu.memory_space<vmem>>)
        %add3A_136 = arith.constant 2 : i32
        %add3A_137 = arith.addi %mul3A_39, %add3A_136 : i32
        %dma_start3A_138 = arith.constant 2 : i32
        %dma_start3A_139 = arith.constant 0 : i32
        %dma_start3A_140 = arith.constant 0 : i32
        %dma_start3A_141 = tpu.memref_slice %arg12[%dma_start3A_138, %dma_start3A_139, %dma_start3A_140] : memref<3x80x64xf32, #tpu.memory_space<vmem>> -> memref<1x80x64xf32, #tpu.memory_space<vmem>>
        %dma_start3A_142 = tpu.memref_squeeze %dma_start3A_141 : memref<1x80x64xf32, #tpu.memory_space<vmem>> -> memref<80x64xf32, #tpu.memory_space<vmem>>
        %dma_start3A_143 = arith.constant 0 : i32
        %dma_start3A_144 = tpu.memref_slice %arg11[%add3A_137, %dma_start3A_143] : memref<126x80xi32, #tpu.memory_space<vmem>> -> memref<1x80xi32, #tpu.memory_space<vmem>>
        %dma_start3A_145 = tpu.memref_squeeze %dma_start3A_144 : memref<1x80xi32, #tpu.memory_space<vmem>> -> memref<80xi32, #tpu.memory_space<vmem>>
        %dma_start3A_146 = arith.constant 0 : i32
        %dma_start3A_147 = arith.constant 0 : i32
        %dma_start3A_148 = tpu.memref_slice %arg25[%dma_start3A_146, %dma_start3A_147] : memref<10240x64xf32, #tpu.memory_space<vmem_shared>> -> memref<10240x64xf32, #tpu.memory_space<vmem_shared>>
        tpu.enqueue_indirect_dma source(%dma_start3A_142 : memref<80x64xf32, #tpu.memory_space<vmem>>) target(%dma_start3A_148 : memref<10240x64xf32, #tpu.memory_space<vmem_shared>>) offsets(%dma_start3A_145 : memref<80xi32, #tpu.memory_space<vmem>>) semaphore(%arg21 : memref<!tpu.dma_semaphore, #tpu.memory_space<semaphore_mem>>) {add = true}
        %dma_wait3A_149 = arith.constant 0 : i32
        %dma_wait3A_150 = arith.constant 0 : i32
        %dma_wait3A_151 = arith.constant 0 : i32
        %dma_wait3A_152 = tpu.memref_slice %arg12[%dma_wait3A_149, %dma_wait3A_150, %dma_wait3A_151] : memref<3x80x64xf32, #tpu.memory_space<vmem>> -> memref<1x80x64xf32, #tpu.memory_space<vmem>>
        %dma_wait3A_153 = tpu.memref_squeeze %dma_wait3A_152 : memref<1x80x64xf32, #tpu.memory_space<vmem>> -> memref<80x64xf32, #tpu.memory_space<vmem>>
        %dma_wait3A_154 = arith.constant 0 : i32
        %dma_wait3A_155 = tpu.memref_slice %arg11[%add3A_89, %dma_wait3A_154] : memref<126x80xi32, #tpu.memory_space<vmem>> -> memref<1x80xi32, #tpu.memory_space<vmem>>
        %dma_wait3A_156 = tpu.memref_squeeze %dma_wait3A_155 : memref<1x80xi32, #tpu.memory_space<vmem>> -> memref<80xi32, #tpu.memory_space<vmem>>
        %dma_wait3A_157 = arith.constant 0 : i32
        %dma_wait3A_158 = arith.constant 0 : i32
        %dma_wait3A_159 = tpu.memref_slice %arg25[%dma_wait3A_157, %dma_wait3A_158] : memref<10240x64xf32, #tpu.memory_space<vmem_shared>> -> memref<10240x64xf32, #tpu.memory_space<vmem_shared>>
        tpu.wait_indirect_dma semaphore(%arg19 : memref<!tpu.dma_semaphore, #tpu.memory_space<semaphore_mem>>) src(%dma_wait3A_153 : memref<80x64xf32, #tpu.memory_space<vmem>>) dst(%dma_wait3A_159 : memref<10240x64xf32, #tpu.memory_space<vmem_shared>>)
        %dma_wait3A_160 = arith.constant 1 : i32
        %dma_wait3A_161 = arith.constant 0 : i32
        %dma_wait3A_162 = arith.constant 0 : i32
        %dma_wait3A_163 = tpu.memref_slice %arg12[%dma_wait3A_160, %dma_wait3A_161, %dma_wait3A_162] : memref<3x80x64xf32, #tpu.memory_space<vmem>> -> memref<1x80x64xf32, #tpu.memory_space<vmem>>
        %dma_wait3A_164 = tpu.memref_squeeze %dma_wait3A_163 : memref<1x80x64xf32, #tpu.memory_space<vmem>> -> memref<80x64xf32, #tpu.memory_space<vmem>>
        %dma_wait3A_165 = arith.constant 0 : i32
        %dma_wait3A_166 = tpu.memref_slice %arg11[%add3A_113, %dma_wait3A_165] : memref<126x80xi32, #tpu.memory_space<vmem>> -> memref<1x80xi32, #tpu.memory_space<vmem>>
        %dma_wait3A_167 = tpu.memref_squeeze %dma_wait3A_166 : memref<1x80xi32, #tpu.memory_space<vmem>> -> memref<80xi32, #tpu.memory_space<vmem>>
        %dma_wait3A_168 = arith.constant 0 : i32
        %dma_wait3A_169 = arith.constant 0 : i32
        %dma_wait3A_170 = tpu.memref_slice %arg25[%dma_wait3A_168, %dma_wait3A_169] : memref<10240x64xf32, #tpu.memory_space<vmem_shared>> -> memref<10240x64xf32, #tpu.memory_space<vmem_shared>>
        tpu.wait_indirect_dma semaphore(%arg20 : memref<!tpu.dma_semaphore, #tpu.memory_space<semaphore_mem>>) src(%dma_wait3A_164 : memref<80x64xf32, #tpu.memory_space<vmem>>) dst(%dma_wait3A_170 : memref<10240x64xf32, #tpu.memory_space<vmem_shared>>)
        %dma_wait3A_171 = arith.constant 2 : i32
        %dma_wait3A_172 = arith.constant 0 : i32
        %dma_wait3A_173 = arith.constant 0 : i32
        %dma_wait3A_174 = tpu.memref_slice %arg12[%dma_wait3A_171, %dma_wait3A_172, %dma_wait3A_173] : memref<3x80x64xf32, #tpu.memory_space<vmem>> -> memref<1x80x64xf32, #tpu.memory_space<vmem>>
        %dma_wait3A_175 = tpu.memref_squeeze %dma_wait3A_174 : memref<1x80x64xf32, #tpu.memory_space<vmem>> -> memref<80x64xf32, #tpu.memory_space<vmem>>
        %dma_wait3A_176 = arith.constant 0 : i32
        %dma_wait3A_177 = tpu.memref_slice %arg11[%add3A_137, %dma_wait3A_176] : memref<126x80xi32, #tpu.memory_space<vmem>> -> memref<1x80xi32, #tpu.memory_space<vmem>>
        %dma_wait3A_178 = tpu.memref_squeeze %dma_wait3A_177 : memref<1x80xi32, #tpu.memory_space<vmem>> -> memref<80xi32, #tpu.memory_space<vmem>>
        %dma_wait3A_179 = arith.constant 0 : i32
        %dma_wait3A_180 = arith.constant 0 : i32
        %dma_wait3A_181 = tpu.memref_slice %arg25[%dma_wait3A_179, %dma_wait3A_180] : memref<10240x64xf32, #tpu.memory_space<vmem_shared>> -> memref<10240x64xf32, #tpu.memory_space<vmem_shared>>
        tpu.wait_indirect_dma semaphore(%arg21 : memref<!tpu.dma_semaphore, #tpu.memory_space<semaphore_mem>>) src(%dma_wait3A_175 : memref<80x64xf32, #tpu.memory_space<vmem>>) dst(%dma_wait3A_181 : memref<10240x64xf32, #tpu.memory_space<vmem_shared>>)
      }
      %scan3A_29 = arith.constant 42 : i32
      %barrier3A_30 = arith.constant 0 : index
      tpu.barrier barrier_id(%barrier3A_30)
      %mul3A_31 = arith.constant 640 : i32
      %mul3A_32 = arith.muli %arg1, %mul3A_31 : i32
      %mul3A_33 = arith.constant 640 : i32
      %mul3A_34 = arith.muli %arg1, %mul3A_33 : i32
      %run_scoped3A_35 = arith.constant 1 : i32
      "tpu.region"() ({
        %run_scoped3A_37 = tpu.sem_alloc : memref<!tpu.dma_semaphore, #tpu.memory_space<semaphore_mem>>
        %dma_start3A = arith.constant 0 : i32
        %dma_start3A_38 = tpu.memref_slice %arg9[%run_scoped3A_35, %scan3A_6, %arg0, %mul3A_34, %dma_start3A] : memref<2x36x2x10240x64xf32, #tpu.memory_space<hbm>> -> memref<1x1x1x640x64xf32, #tpu.memory_space<hbm>>
        %dma_start3A_39 = tpu.memref_squeeze %dma_start3A_38 : memref<1x1x1x640x64xf32, #tpu.memory_space<hbm>> -> memref<640x64xf32, #tpu.memory_space<hbm>>
        %dma_start3A_40 = arith.constant 0 : i32
        %dma_start3A_41 = tpu.memref_slice %arg25[%mul3A_32, %dma_start3A_40] : memref<10240x64xf32, #tpu.memory_space<vmem_shared>> -> memref<640x64xf32, #tpu.memory_space<vmem_shared>>
        tpu.enqueue_dma source(%dma_start3A_41 : memref<640x64xf32, #tpu.memory_space<vmem_shared>>) target(%dma_start3A_39 : memref<640x64xf32, #tpu.memory_space<hbm>>) target_semaphore(%run_scoped3A_37 : memref<!tpu.dma_semaphore, #tpu.memory_space<semaphore_mem>>)
        %dma_wait3A = arith.constant 0 : i32
        %dma_wait3A_42 = tpu.memref_slice %arg9[%run_scoped3A_35, %scan3A_6, %arg0, %mul3A_34, %dma_wait3A] : memref<2x36x2x10240x64xf32, #tpu.memory_space<hbm>> -> memref<1x1x1x640x64xf32, #tpu.memory_space<hbm>>
        %dma_wait3A_43 = tpu.memref_squeeze %dma_wait3A_42 : memref<1x1x1x640x64xf32, #tpu.memory_space<hbm>> -> memref<640x64xf32, #tpu.memory_space<hbm>>
        %dma_wait3A_44 = arith.constant 0 : i32
        %dma_wait3A_45 = tpu.memref_slice %arg25[%mul3A_32, %dma_wait3A_44] : memref<10240x64xf32, #tpu.memory_space<vmem_shared>> -> memref<640x64xf32, #tpu.memory_space<vmem_shared>>
        tpu.wait_dma2 semaphore(%run_scoped3A_37 : memref<!tpu.dma_semaphore, #tpu.memory_space<semaphore_mem>>) src(%dma_wait3A_45 : memref<640x64xf32, #tpu.memory_space<vmem_shared>>) dst(%dma_wait3A_43 : memref<640x64xf32, #tpu.memory_space<hbm>>)
        tpu.yield
      }) : () -> ()
      %barrier3A_36 = arith.constant 0 : index
      tpu.barrier barrier_id(%barrier3A_36)
    }
    %scan3A_5 = arith.constant 36 : i32
    return
  }
}

module attributes {stable_mosaic.version = 14 : i64} {
  func.func @_dense1_body(%arg0: i32, %arg1: i32, %arg2: memref<1x1x1x2048x64xf32, #tpu.memory_space<vmem>>, %arg3: memref<1x1x1x2048x64xf32, #tpu.memory_space<vmem>>, %arg4: memref<1x1x1x2048x64xf32, #tpu.memory_space<vmem>>, %arg5: memref<1x1x1x2048x64xf32, #tpu.memory_space<vmem>>, %arg6: memref<1x1x2048x8xf32, #tpu.memory_space<vmem>>, %arg7: memref<1x1x2048x8xf32, #tpu.memory_space<vmem>>, %arg8: memref<1x2048x128xf32, #tpu.memory_space<vmem>>, %arg9: memref<128x128xf32, #tpu.memory_space<vmem>>, %arg10: memref<128x128xf32, #tpu.memory_space<vmem>>, %arg11: memref<1x128xf32, #tpu.memory_space<vmem>>, %arg12: memref<1x2048x64xf32, #tpu.memory_space<vmem>>, %arg13: memref<1x2048x64xf32, #tpu.memory_space<vmem>>) attributes {dimension_semantics = [#tpu.dimension_semantics<arbitrary>, #tpu.dimension_semantics<arbitrary>], iteration_bounds = array<i64: 36, 5>, scalar_prefetch = 0 : i64, scratch_operands = 0 : i64, tpu.core_type = #tpu.core_type<tc>, window_params = [{transform_indices = @transform_0, window_bounds = array<i64: 1, 1, 1, 2048, 64>}, {transform_indices = @transform_1, window_bounds = array<i64: 1, 1, 1, 2048, 64>}, {transform_indices = @transform_2, window_bounds = array<i64: 1, 1, 1, 2048, 64>}, {transform_indices = @transform_3, window_bounds = array<i64: 1, 1, 1, 2048, 64>}, {transform_indices = @transform_4, window_bounds = array<i64: 1, 1, 2048, 8>}, {transform_indices = @transform_5, window_bounds = array<i64: 1, 1, 2048, 8>}, {transform_indices = @transform_6, window_bounds = array<i64: 1, 2048, 128>}, {pipeline_mode = #tpu.pipeline_mode<synchronous>, transform_indices = @transform_7, window_bounds = array<i64: 128, 128>}, {pipeline_mode = #tpu.pipeline_mode<synchronous>, transform_indices = @transform_8, window_bounds = array<i64: 128, 128>}, {pipeline_mode = #tpu.pipeline_mode<synchronous>, transform_indices = @transform_9, window_bounds = array<i64: 1, 128>}, {transform_indices = @transform_10, window_bounds = array<i64: 1, 2048, 64>}, {transform_indices = @transform_11, window_bounds = array<i64: 1, 2048, 64>}]} {
    %get3A = arith.constant 0 : index
    %get3A_0 = arith.constant 0 : index
    %get3A_1 = arith.constant 0 : index
    %get3A_2 = arith.constant 0 : index
    %get3A_3 = arith.constant 0 : index
    %get3A_4 = vector.load %arg2[%get3A, %get3A_0, %get3A_1, %get3A_2, %get3A_3] : memref<1x1x1x2048x64xf32, #tpu.memory_space<vmem>>, vector<1x1x1x2048x64xf32>
    %get3A_5 = vector.shape_cast %get3A_4 : vector<1x1x1x2048x64xf32> to vector<2048x64xf32>
    %get3A_6 = arith.constant 0 : index
    %get3A_7 = arith.constant 0 : index
    %get3A_8 = arith.constant 0 : index
    %get3A_9 = arith.constant 0 : index
    %get3A_10 = arith.constant 0 : index
    %get3A_11 = vector.load %arg3[%get3A_6, %get3A_7, %get3A_8, %get3A_9, %get3A_10] : memref<1x1x1x2048x64xf32, #tpu.memory_space<vmem>>, vector<1x1x1x2048x64xf32>
    %get3A_12 = vector.shape_cast %get3A_11 : vector<1x1x1x2048x64xf32> to vector<2048x64xf32>
    %add3A = arith.addf %get3A_5, %get3A_12 : vector<2048x64xf32>
    %get3A_13 = arith.constant 0 : index
    %get3A_14 = arith.constant 0 : index
    %get3A_15 = arith.constant 0 : index
    %get3A_16 = arith.constant 0 : index
    %get3A_17 = arith.constant 0 : index
    %get3A_18 = vector.load %arg4[%get3A_13, %get3A_14, %get3A_15, %get3A_16, %get3A_17] : memref<1x1x1x2048x64xf32, #tpu.memory_space<vmem>>, vector<1x1x1x2048x64xf32>
    %get3A_19 = vector.shape_cast %get3A_18 : vector<1x1x1x2048x64xf32> to vector<2048x64xf32>
    %get3A_20 = arith.constant 0 : index
    %get3A_21 = arith.constant 0 : index
    %get3A_22 = arith.constant 0 : index
    %get3A_23 = arith.constant 0 : index
    %get3A_24 = arith.constant 0 : index
    %get3A_25 = vector.load %arg5[%get3A_20, %get3A_21, %get3A_22, %get3A_23, %get3A_24] : memref<1x1x1x2048x64xf32, #tpu.memory_space<vmem>>, vector<1x1x1x2048x64xf32>
    %get3A_26 = vector.shape_cast %get3A_25 : vector<1x1x1x2048x64xf32> to vector<2048x64xf32>
    %add3A_27 = arith.addf %get3A_19, %get3A_26 : vector<2048x64xf32>
    %concatenate3A = tpu.concatenate %add3A, %add3A_27 in 1 : vector<2048x64xf32>, vector<2048x64xf32> -> vector<2048x128xf32>
    %get3A_28 = arith.constant 0 : index
    %get3A_29 = arith.constant 0 : index
    %get3A_30 = arith.constant 0 : index
    %get3A_31 = arith.constant 0 : index
    %get3A_32 = vector.load %arg6[%get3A_28, %get3A_29, %get3A_30, %get3A_31] : memref<1x1x2048x8xf32, #tpu.memory_space<vmem>>, vector<1x1x2048x1xf32>
    %get3A_33 = vector.shape_cast %get3A_32 : vector<1x1x2048x1xf32> to vector<2048x1xf32>
    %get3A_34 = arith.constant 0 : index
    %get3A_35 = arith.constant 0 : index
    %get3A_36 = arith.constant 0 : index
    %get3A_37 = arith.constant 0 : index
    %get3A_38 = vector.load %arg7[%get3A_34, %get3A_35, %get3A_36, %get3A_37] : memref<1x1x2048x8xf32, #tpu.memory_space<vmem>>, vector<1x1x2048x1xf32>
    %get3A_39 = vector.shape_cast %get3A_38 : vector<1x1x2048x1xf32> to vector<2048x1xf32>
    %add3A_40 = arith.addf %get3A_33, %get3A_39 : vector<2048x1xf32>
    %max3A = arith.constant 1.000000e+00 : f32
    %max3A_41 = vector.broadcast %max3A : f32 to vector<2048x1xf32>
    %max3A_42 = arith.maximumf %add3A_40, %max3A_41 : vector<2048x1xf32>
    %div3A = vector.broadcast %max3A_42 : vector<2048x1xf32> to vector<2048x128xf32>
    %div3A_43 = arith.divf %concatenate3A, %div3A : vector<2048x128xf32>
    %get3A_44 = arith.constant 0 : index
    %get3A_45 = arith.constant 0 : index
    %get3A_46 = vector.load %arg9[%get3A_44, %get3A_45] : memref<128x128xf32, #tpu.memory_space<vmem>>, vector<128x128xf32>
    %dot_general3A = arith.constant dense<0.000000e+00> : vector<2048x128xf32>
    %dot_general3A_47 = tpu.matmul %div3A_43, %get3A_46, %dot_general3A {dimension_numbers = #tpu.dot_dimension_numbers<[1], [0], [0], [1], [0, 0, 1, 1], [], []>, transpose_lhs_hint = false} : vector<2048x128xf32>, vector<128x128xf32>, vector<2048x128xf32> -> vector<2048x128xf32>
    %get3A_48 = arith.constant 0 : index
    %get3A_49 = arith.constant 0 : index
    %get3A_50 = arith.constant 0 : index
    %get3A_51 = vector.load %arg8[%get3A_48, %get3A_49, %get3A_50] : memref<1x2048x128xf32, #tpu.memory_space<vmem>>, vector<1x2048x128xf32>
    %get3A_52 = vector.shape_cast %get3A_51 : vector<1x2048x128xf32> to vector<2048x128xf32>
    %get3A_53 = arith.constant 0 : index
    %get3A_54 = arith.constant 0 : index
    %get3A_55 = vector.load %arg10[%get3A_53, %get3A_54] : memref<128x128xf32, #tpu.memory_space<vmem>>, vector<128x128xf32>
    %dot_general3A_56 = arith.constant dense<0.000000e+00> : vector<2048x128xf32>
    %dot_general3A_57 = tpu.matmul %get3A_52, %get3A_55, %dot_general3A_56 {dimension_numbers = #tpu.dot_dimension_numbers<[1], [0], [0], [1], [0, 0, 1, 1], [], []>, transpose_lhs_hint = false} : vector<2048x128xf32>, vector<128x128xf32>, vector<2048x128xf32> -> vector<2048x128xf32>
    %add3A_58 = arith.addf %dot_general3A_47, %dot_general3A_57 : vector<2048x128xf32>
    %get3A_59 = arith.constant 0 : index
    %get3A_60 = arith.constant 0 : index
    %get3A_61 = vector.load %arg11[%get3A_59, %get3A_60] : memref<1x128xf32, #tpu.memory_space<vmem>>, vector<1x128xf32>
    %add3A_62 = vector.broadcast %get3A_61 : vector<1x128xf32> to vector<2048x128xf32>
    %add3A_63 = arith.addf %add3A_58, %add3A_62 : vector<2048x128xf32>
    %max3A_64 = arith.constant 0.000000e+00 : f32
    %max3A_65 = vector.broadcast %max3A_64 : f32 to vector<2048x128xf32>
    %max3A_66 = arith.maximumf %add3A_63, %max3A_65 : vector<2048x128xf32>
    %slice3A = vector.extract_strided_slice %max3A_66 {offsets = [0, 0], sizes = [2048, 64], strides = [1, 1]} : vector<2048x128xf32> to vector<2048x64xf32>
    %swap3A = arith.constant 0 : index
    %swap3A_67 = arith.constant 0 : index
    %swap3A_68 = arith.constant 0 : index
    %swap3A_69 = vector.load %arg12[%swap3A, %swap3A_67, %swap3A_68] : memref<1x2048x64xf32, #tpu.memory_space<vmem>>, vector<1x2048x64xf32>
    %swap3A_70 = vector.shape_cast %swap3A_69 : vector<1x2048x64xf32> to vector<2048x64xf32>
    %swap3A_71 = vector.shape_cast %slice3A : vector<2048x64xf32> to vector<1x2048x64xf32>
    tpu.vector_store %arg12[%swap3A, %swap3A_67, %swap3A_68], %swap3A_71 {strides = array<i32>} : memref<1x2048x64xf32, #tpu.memory_space<vmem>>, vector<1x2048x64xf32>,
    %slice3A_72 = vector.extract_strided_slice %max3A_66 {offsets = [0, 64], sizes = [2048, 64], strides = [1, 1]} : vector<2048x128xf32> to vector<2048x64xf32>
    %swap3A_73 = arith.constant 0 : index
    %swap3A_74 = arith.constant 0 : index
    %swap3A_75 = arith.constant 0 : index
    %swap3A_76 = vector.load %arg13[%swap3A_73, %swap3A_74, %swap3A_75] : memref<1x2048x64xf32, #tpu.memory_space<vmem>>, vector<1x2048x64xf32>
    %swap3A_77 = vector.shape_cast %swap3A_76 : vector<1x2048x64xf32> to vector<2048x64xf32>
    %swap3A_78 = vector.shape_cast %slice3A_72 : vector<2048x64xf32> to vector<1x2048x64xf32>
    tpu.vector_store %arg13[%swap3A_73, %swap3A_74, %swap3A_75], %swap3A_78 {strides = array<i32>} : memref<1x2048x64xf32, #tpu.memory_space<vmem>>, vector<1x2048x64xf32>,
    return
  }
  func.func @transform_0(%arg0: i32, %arg1: i32) -> (i32, i32, i32, i32, i32) {
    %c0_i32 = arith.constant 0 : i32
    %c0_i32_0 = arith.constant 0 : i32
    %c0_i32_1 = arith.constant 0 : i32
    %c0_i32_2 = arith.constant 0 : i32
    return %c0_i32, %arg0, %c0_i32_0, %arg1, %c0_i32_1 : i32, i32, i32, i32, i32
  }
  func.func @transform_1(%arg0: i32, %arg1: i32) -> (i32, i32, i32, i32, i32) {
    %c0_i32 = arith.constant 0 : i32
    %c1_i32 = arith.constant 1 : i32
    %c0_i32_0 = arith.constant 0 : i32
    %c0_i32_1 = arith.constant 0 : i32
    return %c0_i32, %arg0, %c1_i32, %arg1, %c0_i32_0 : i32, i32, i32, i32, i32
  }
  func.func @transform_2(%arg0: i32, %arg1: i32) -> (i32, i32, i32, i32, i32) {
    %c1_i32 = arith.constant 1 : i32
    %c0_i32 = arith.constant 0 : i32
    %c0_i32_0 = arith.constant 0 : i32
    %c0_i32_1 = arith.constant 0 : i32
    return %c1_i32, %arg0, %c0_i32, %arg1, %c0_i32_0 : i32, i32, i32, i32, i32
  }
  func.func @transform_3(%arg0: i32, %arg1: i32) -> (i32, i32, i32, i32, i32) {
    %c1_i32 = arith.constant 1 : i32
    %c1_i32_0 = arith.constant 1 : i32
    %c0_i32 = arith.constant 0 : i32
    %c0_i32_1 = arith.constant 0 : i32
    return %c1_i32, %arg0, %c1_i32_0, %arg1, %c0_i32 : i32, i32, i32, i32, i32
  }
  func.func @transform_4(%arg0: i32, %arg1: i32) -> (i32, i32, i32, i32) {
    %c0_i32 = arith.constant 0 : i32
    %c0_i32_0 = arith.constant 0 : i32
    %c0_i32_1 = arith.constant 0 : i32
    return %arg0, %c0_i32, %arg1, %c0_i32_0 : i32, i32, i32, i32
  }
  func.func @transform_5(%arg0: i32, %arg1: i32) -> (i32, i32, i32, i32) {
    %c1_i32 = arith.constant 1 : i32
    %c0_i32 = arith.constant 0 : i32
    %c0_i32_0 = arith.constant 0 : i32
    return %arg0, %c1_i32, %arg1, %c0_i32 : i32, i32, i32, i32
  }
  func.func @transform_6(%arg0: i32, %arg1: i32) -> (i32, i32, i32) {
    %c0_i32 = arith.constant 0 : i32
    %c0_i32_0 = arith.constant 0 : i32
    return %arg0, %arg1, %c0_i32 : i32, i32, i32
  }
  func.func @transform_7(%arg0: i32, %arg1: i32) -> (i32, i32) {
    %c0_i32 = arith.constant 0 : i32
    %c0_i32_0 = arith.constant 0 : i32
    %c0_i32_1 = arith.constant 0 : i32
    return %c0_i32, %c0_i32_0 : i32, i32
  }
  func.func @transform_8(%arg0: i32, %arg1: i32) -> (i32, i32) {
    %c0_i32 = arith.constant 0 : i32
    %c0_i32_0 = arith.constant 0 : i32
    %c0_i32_1 = arith.constant 0 : i32
    return %c0_i32, %c0_i32_0 : i32, i32
  }
  func.func @transform_9(%arg0: i32, %arg1: i32) -> (i32, i32) {
    %c0_i32 = arith.constant 0 : i32
    %c0_i32_0 = arith.constant 0 : i32
    %c0_i32_1 = arith.constant 0 : i32
    return %c0_i32, %c0_i32_0 : i32, i32
  }
  func.func @transform_10(%arg0: i32, %arg1: i32) -> (i32, i32, i32) {
    %c0_i32 = arith.constant 0 : i32
    %c0_i32_0 = arith.constant 0 : i32
    return %arg0, %arg1, %c0_i32 : i32, i32, i32
  }
  func.func @transform_11(%arg0: i32, %arg1: i32) -> (i32, i32, i32) {
    %c0_i32 = arith.constant 0 : i32
    %c0_i32_0 = arith.constant 0 : i32
    return %arg0, %arg1, %c0_i32 : i32, i32, i32
  }
}

module attributes {stable_mosaic.version = 14 : i64} {
  func.func @_pool_body(%arg0: i32, %arg1: i32, %arg2: memref<1x1x1x2048x64xf32, #tpu.memory_space<vmem>>, %arg3: memref<1x1x1x2048x64xf32, #tpu.memory_space<vmem>>, %arg4: memref<1x1x1x2048x64xf32, #tpu.memory_space<vmem>>, %arg5: memref<1x1x1x2048x64xf32, #tpu.memory_space<vmem>>, %arg6: memref<1x1x2048x8xf32, #tpu.memory_space<vmem>>, %arg7: memref<1x1x2048x8xf32, #tpu.memory_space<vmem>>, %arg8: memref<1x2048x64xf32, #tpu.memory_space<vmem>>, %arg9: memref<1x2048x64xf32, #tpu.memory_space<vmem>>, %arg10: memref<64x8xf32, #tpu.memory_space<vmem>>, %arg11: memref<64x8xf32, #tpu.memory_space<vmem>>, %arg12: memref<64x8xf32, #tpu.memory_space<vmem>>, %arg13: memref<64x8xf32, #tpu.memory_space<vmem>>, %arg14: memref<1x8xf32, #tpu.memory_space<vmem>>, %arg15: memref<1x1x8xf32, #tpu.memory_space<vmem>>) attributes {dimension_semantics = [#tpu.dimension_semantics<arbitrary>, #tpu.dimension_semantics<arbitrary>], iteration_bounds = array<i64: 36, 5>, scalar_prefetch = 0 : i64, scratch_operands = 0 : i64, tpu.core_type = #tpu.core_type<tc>, window_params = [{transform_indices = @transform_0, window_bounds = array<i64: 1, 1, 1, 2048, 64>}, {transform_indices = @transform_1, window_bounds = array<i64: 1, 1, 1, 2048, 64>}, {transform_indices = @transform_2, window_bounds = array<i64: 1, 1, 1, 2048, 64>}, {transform_indices = @transform_3, window_bounds = array<i64: 1, 1, 1, 2048, 64>}, {transform_indices = @transform_4, window_bounds = array<i64: 1, 1, 2048, 8>}, {transform_indices = @transform_5, window_bounds = array<i64: 1, 1, 2048, 8>}, {transform_indices = @transform_6, window_bounds = array<i64: 1, 2048, 64>}, {transform_indices = @transform_7, window_bounds = array<i64: 1, 2048, 64>}, {pipeline_mode = #tpu.pipeline_mode<synchronous>, transform_indices = @transform_8, window_bounds = array<i64: 64, 8>}, {pipeline_mode = #tpu.pipeline_mode<synchronous>, transform_indices = @transform_9, window_bounds = array<i64: 64, 8>}, {pipeline_mode = #tpu.pipeline_mode<synchronous>, transform_indices = @transform_10, window_bounds = array<i64: 64, 8>}, {pipeline_mode = #tpu.pipeline_mode<synchronous>, transform_indices = @transform_11, window_bounds = array<i64: 64, 8>}, {pipeline_mode = #tpu.pipeline_mode<synchronous>, transform_indices = @transform_12, window_bounds = array<i64: 1, 8>}, {transform_indices = @transform_13, window_bounds = array<i64: 1, 1, 8>}]} {
    %get3A = arith.constant 0 : index
    %get3A_0 = arith.constant 0 : index
    %get3A_1 = arith.constant 0 : index
    %get3A_2 = arith.constant 0 : index
    %get3A_3 = vector.load %arg6[%get3A, %get3A_0, %get3A_1, %get3A_2] : memref<1x1x2048x8xf32, #tpu.memory_space<vmem>>, vector<1x1x2048x1xf32>
    %get3A_4 = vector.shape_cast %get3A_3 : vector<1x1x2048x1xf32> to vector<2048x1xf32>
    %get3A_5 = arith.constant 0 : index
    %get3A_6 = arith.constant 0 : index
    %get3A_7 = arith.constant 0 : index
    %get3A_8 = arith.constant 0 : index
    %get3A_9 = vector.load %arg7[%get3A_5, %get3A_6, %get3A_7, %get3A_8] : memref<1x1x2048x8xf32, #tpu.memory_space<vmem>>, vector<1x1x2048x1xf32>
    %get3A_10 = vector.shape_cast %get3A_9 : vector<1x1x2048x1xf32> to vector<2048x1xf32>
    %add3A = arith.addf %get3A_4, %get3A_10 : vector<2048x1xf32>
    %max3A = arith.constant 1.000000e+00 : f32
    %max3A_11 = vector.broadcast %max3A : f32 to vector<2048x1xf32>
    %max3A_12 = arith.maximumf %add3A, %max3A_11 : vector<2048x1xf32>
    %get3A_13 = arith.constant 0 : index
    %get3A_14 = arith.constant 0 : index
    %get3A_15 = arith.constant 0 : index
    %get3A_16 = arith.constant 0 : index
    %get3A_17 = arith.constant 0 : index
    %get3A_18 = vector.load %arg2[%get3A_13, %get3A_14, %get3A_15, %get3A_16, %get3A_17] : memref<1x1x1x2048x64xf32, #tpu.memory_space<vmem>>, vector<1x1x1x2048x64xf32>
    %get3A_19 = vector.shape_cast %get3A_18 : vector<1x1x1x2048x64xf32> to vector<2048x64xf32>
    %get3A_20 = arith.constant 0 : index
    %get3A_21 = arith.constant 0 : index
    %get3A_22 = arith.constant 0 : index
    %get3A_23 = arith.constant 0 : index
    %get3A_24 = arith.constant 0 : index
    %get3A_25 = vector.load %arg3[%get3A_20, %get3A_21, %get3A_22, %get3A_23, %get3A_24] : memref<1x1x1x2048x64xf32, #tpu.memory_space<vmem>>, vector<1x1x1x2048x64xf32>
    %get3A_26 = vector.shape_cast %get3A_25 : vector<1x1x1x2048x64xf32> to vector<2048x64xf32>
    %add3A_27 = arith.addf %get3A_19, %get3A_26 : vector<2048x64xf32>
    %div3A = vector.broadcast %max3A_12 : vector<2048x1xf32> to vector<2048x64xf32>
    %div3A_28 = arith.divf %add3A_27, %div3A : vector<2048x64xf32>
    %get3A_29 = arith.constant 0 : index
    %get3A_30 = arith.constant 0 : index
    %get3A_31 = arith.constant 0 : index
    %get3A_32 = arith.constant 0 : index
    %get3A_33 = arith.constant 0 : index
    %get3A_34 = vector.load %arg4[%get3A_29, %get3A_30, %get3A_31, %get3A_32, %get3A_33] : memref<1x1x1x2048x64xf32, #tpu.memory_space<vmem>>, vector<1x1x1x2048x64xf32>
    %get3A_35 = vector.shape_cast %get3A_34 : vector<1x1x1x2048x64xf32> to vector<2048x64xf32>
    %get3A_36 = arith.constant 0 : index
    %get3A_37 = arith.constant 0 : index
    %get3A_38 = arith.constant 0 : index
    %get3A_39 = arith.constant 0 : index
    %get3A_40 = arith.constant 0 : index
    %get3A_41 = vector.load %arg5[%get3A_36, %get3A_37, %get3A_38, %get3A_39, %get3A_40] : memref<1x1x1x2048x64xf32, #tpu.memory_space<vmem>>, vector<1x1x1x2048x64xf32>
    %get3A_42 = vector.shape_cast %get3A_41 : vector<1x1x1x2048x64xf32> to vector<2048x64xf32>
    %add3A_43 = arith.addf %get3A_35, %get3A_42 : vector<2048x64xf32>
    %div3A_44 = vector.broadcast %max3A_12 : vector<2048x1xf32> to vector<2048x64xf32>
    %div3A_45 = arith.divf %add3A_43, %div3A_44 : vector<2048x64xf32>
    %get3A_46 = arith.constant 0 : index
    %get3A_47 = arith.constant 0 : index
    %get3A_48 = vector.load %arg10[%get3A_46, %get3A_47] : memref<64x8xf32, #tpu.memory_space<vmem>>, vector<64x8xf32>
    %dot_general3A = arith.constant dense<0.000000e+00> : vector<2048x8xf32>
    %dot_general3A_49 = tpu.matmul %div3A_28, %get3A_48, %dot_general3A {dimension_numbers = #tpu.dot_dimension_numbers<[1], [0], [0], [1], [0, 0, 1, 1], [], []>, transpose_lhs_hint = false} : vector<2048x64xf32>, vector<64x8xf32>, vector<2048x8xf32> -> vector<2048x8xf32>
    %get3A_50 = arith.constant 0 : index
    %get3A_51 = arith.constant 0 : index
    %get3A_52 = vector.load %arg11[%get3A_50, %get3A_51] : memref<64x8xf32, #tpu.memory_space<vmem>>, vector<64x8xf32>
    %dot_general3A_53 = arith.constant dense<0.000000e+00> : vector<2048x8xf32>
    %dot_general3A_54 = tpu.matmul %div3A_45, %get3A_52, %dot_general3A_53 {dimension_numbers = #tpu.dot_dimension_numbers<[1], [0], [0], [1], [0, 0, 1, 1], [], []>, transpose_lhs_hint = false} : vector<2048x64xf32>, vector<64x8xf32>, vector<2048x8xf32> -> vector<2048x8xf32>
    %add3A_55 = arith.addf %dot_general3A_49, %dot_general3A_54 : vector<2048x8xf32>
    %get3A_56 = arith.constant 0 : index
    %get3A_57 = arith.constant 0 : index
    %get3A_58 = arith.constant 0 : index
    %get3A_59 = vector.load %arg8[%get3A_56, %get3A_57, %get3A_58] : memref<1x2048x64xf32, #tpu.memory_space<vmem>>, vector<1x2048x64xf32>
    %get3A_60 = vector.shape_cast %get3A_59 : vector<1x2048x64xf32> to vector<2048x64xf32>
    %get3A_61 = arith.constant 0 : index
    %get3A_62 = arith.constant 0 : index
    %get3A_63 = vector.load %arg12[%get3A_61, %get3A_62] : memref<64x8xf32, #tpu.memory_space<vmem>>, vector<64x8xf32>
    %dot_general3A_64 = arith.constant dense<0.000000e+00> : vector<2048x8xf32>
    %dot_general3A_65 = tpu.matmul %get3A_60, %get3A_63, %dot_general3A_64 {dimension_numbers = #tpu.dot_dimension_numbers<[1], [0], [0], [1], [0, 0, 1, 1], [], []>, transpose_lhs_hint = false} : vector<2048x64xf32>, vector<64x8xf32>, vector<2048x8xf32> -> vector<2048x8xf32>
    %add3A_66 = arith.addf %add3A_55, %dot_general3A_65 : vector<2048x8xf32>
    %get3A_67 = arith.constant 0 : index
    %get3A_68 = arith.constant 0 : index
    %get3A_69 = arith.constant 0 : index
    %get3A_70 = vector.load %arg9[%get3A_67, %get3A_68, %get3A_69] : memref<1x2048x64xf32, #tpu.memory_space<vmem>>, vector<1x2048x64xf32>
    %get3A_71 = vector.shape_cast %get3A_70 : vector<1x2048x64xf32> to vector<2048x64xf32>
    %get3A_72 = arith.constant 0 : index
    %get3A_73 = arith.constant 0 : index
    %get3A_74 = vector.load %arg13[%get3A_72, %get3A_73] : memref<64x8xf32, #tpu.memory_space<vmem>>, vector<64x8xf32>
    %dot_general3A_75 = arith.constant dense<0.000000e+00> : vector<2048x8xf32>
    %dot_general3A_76 = tpu.matmul %get3A_71, %get3A_74, %dot_general3A_75 {dimension_numbers = #tpu.dot_dimension_numbers<[1], [0], [0], [1], [0, 0, 1, 1], [], []>, transpose_lhs_hint = false} : vector<2048x64xf32>, vector<64x8xf32>, vector<2048x8xf32> -> vector<2048x8xf32>
    %add3A_77 = arith.addf %add3A_66, %dot_general3A_76 : vector<2048x8xf32>
    %get3A_78 = arith.constant 0 : index
    %get3A_79 = arith.constant 0 : index
    %get3A_80 = vector.load %arg14[%get3A_78, %get3A_79] : memref<1x8xf32, #tpu.memory_space<vmem>>, vector<1x8xf32>
    %add3A_81 = vector.broadcast %get3A_80 : vector<1x8xf32> to vector<2048x8xf32>
    %add3A_82 = arith.addf %add3A_77, %add3A_81 : vector<2048x8xf32>
    %iota3A = tpu.iota {dimensions = array<i32: 0>} : vector<2048x8xi32>
    %mul3A = arith.constant 2048 : i32
    %mul3A_83 = arith.muli %arg1, %mul3A : i32
    %add3A_84 = vector.broadcast %mul3A_83 : i32 to vector<2048x8xi32>
    %add3A_85 = arith.addi %iota3A, %add3A_84 : vector<2048x8xi32>
    %lt3A = arith.constant 10000 : i32
    %lt3A_86 = vector.broadcast %lt3A : i32 to vector<2048x8xi32>
    %lt3A_87 = arith.cmpi slt, %add3A_85, %lt3A_86 : vector<2048x8xi32>
    %jit3A = arith.constant 0xFF800000 : f32
    %broadcast_in_dim3A = vector.broadcast %jit3A : f32 to vector<2048x8xf32>
    %select_n3A = arith.select %lt3A_87, %add3A_82, %broadcast_in_dim3A : vector<2048x8xi1>, vector<2048x8xf32>
    %reduce_max3A = arith.constant dense<0xFF800000> : vector<8xf32>
    %reduce_max3A_88 = vector.multi_reduction <maximumf>, %select_n3A, %reduce_max3A [0] : vector<2048x8xf32> to vector<8xf32>
    %broadcast_in_dim3A_89 = vector.shape_cast %reduce_max3A_88 : vector<8xf32> to vector<1x8xf32>
    %iota3A_90 = tpu.iota {dimensions = array<i32: 1>} : vector<1x8xi32>
    %lt3A_91 = arith.constant 6 : i32
    %lt3A_92 = vector.broadcast %lt3A_91 : i32 to vector<1x8xi32>
    %lt3A_93 = arith.cmpi slt, %iota3A_90, %lt3A_92 : vector<1x8xi32>
    %jit3A_94 = arith.constant 0.000000e+00 : f32
    %broadcast_in_dim3A_95 = vector.broadcast %jit3A_94 : f32 to vector<1x8xf32>
    %select_n3A_96 = arith.select %lt3A_93, %broadcast_in_dim3A_89, %broadcast_in_dim3A_95 : vector<1x8xi1>, vector<1x8xf32>
    %eq3A = arith.constant 0 : i32
    %eq3A_97 = arith.cmpi eq, %arg1, %eq3A : i32
    %convert_element_type3A = arith.extui %eq3A_97 : i1 to i32
    %cond3A = arith.constant 0 : i32
    %cond3A_98 = arith.cmpi ne, %convert_element_type3A, %cond3A : i32
    scf.if %cond3A_98 {
      %swap3A = arith.constant 0 : index
      %swap3A_103 = arith.constant 0 : index
      %swap3A_104 = arith.constant 0 : index
      %swap3A_105 = vector.load %arg15[%swap3A, %swap3A_103, %swap3A_104] : memref<1x1x8xf32, #tpu.memory_space<vmem>>, vector<1x1x8xf32>
      %swap3A_106 = vector.shape_cast %swap3A_105 : vector<1x1x8xf32> to vector<1x8xf32>
      %swap3A_107 = vector.shape_cast %select_n3A_96 : vector<1x8xf32> to vector<1x1x8xf32>
      tpu.vector_store %arg15[%swap3A, %swap3A_103, %swap3A_104], %swap3A_107 {strides = array<i32>} : memref<1x1x8xf32, #tpu.memory_space<vmem>>, vector<1x1x8xf32>,
    } else {
    }
    %gt3A = arith.constant 0 : i32
    %gt3A_99 = arith.cmpi sgt, %arg1, %gt3A : i32
    %convert_element_type3A_100 = arith.extui %gt3A_99 : i1 to i32
    %cond3A_101 = arith.constant 0 : i32
    %cond3A_102 = arith.cmpi ne, %convert_element_type3A_100, %cond3A_101 : i32
    scf.if %cond3A_102 {
      %get3A_103 = arith.constant 0 : index
      %get3A_104 = arith.constant 0 : index
      %get3A_105 = arith.constant 0 : index
      %get3A_106 = vector.load %arg15[%get3A_103, %get3A_104, %get3A_105] : memref<1x1x8xf32, #tpu.memory_space<vmem>>, vector<1x1x8xf32>
      %get3A_107 = vector.shape_cast %get3A_106 : vector<1x1x8xf32> to vector<1x8xf32>
      %max3A_108 = arith.maximumf %get3A_107, %select_n3A_96 : vector<1x8xf32>
      %swap3A = arith.constant 0 : index
      %swap3A_109 = arith.constant 0 : index
      %swap3A_110 = arith.constant 0 : index
      %swap3A_111 = vector.load %arg15[%swap3A, %swap3A_109, %swap3A_110] : memref<1x1x8xf32, #tpu.memory_space<vmem>>, vector<1x1x8xf32>
      %swap3A_112 = vector.shape_cast %swap3A_111 : vector<1x1x8xf32> to vector<1x8xf32>
      %swap3A_113 = vector.shape_cast %max3A_108 : vector<1x8xf32> to vector<1x1x8xf32>
      tpu.vector_store %arg15[%swap3A, %swap3A_109, %swap3A_110], %swap3A_113 {strides = array<i32>} : memref<1x1x8xf32, #tpu.memory_space<vmem>>, vector<1x1x8xf32>,
    } else {
    }
    return
  }
  func.func @transform_0(%arg0: i32, %arg1: i32) -> (i32, i32, i32, i32, i32) {
    %c0_i32 = arith.constant 0 : i32
    %c0_i32_0 = arith.constant 0 : i32
    %c0_i32_1 = arith.constant 0 : i32
    %c0_i32_2 = arith.constant 0 : i32
    return %c0_i32, %arg0, %c0_i32_0, %arg1, %c0_i32_1 : i32, i32, i32, i32, i32
  }
  func.func @transform_1(%arg0: i32, %arg1: i32) -> (i32, i32, i32, i32, i32) {
    %c0_i32 = arith.constant 0 : i32
    %c1_i32 = arith.constant 1 : i32
    %c0_i32_0 = arith.constant 0 : i32
    %c0_i32_1 = arith.constant 0 : i32
    return %c0_i32, %arg0, %c1_i32, %arg1, %c0_i32_0 : i32, i32, i32, i32, i32
  }
  func.func @transform_2(%arg0: i32, %arg1: i32) -> (i32, i32, i32, i32, i32) {
    %c1_i32 = arith.constant 1 : i32
    %c0_i32 = arith.constant 0 : i32
    %c0_i32_0 = arith.constant 0 : i32
    %c0_i32_1 = arith.constant 0 : i32
    return %c1_i32, %arg0, %c0_i32, %arg1, %c0_i32_0 : i32, i32, i32, i32, i32
  }
  func.func @transform_3(%arg0: i32, %arg1: i32) -> (i32, i32, i32, i32, i32) {
    %c1_i32 = arith.constant 1 : i32
    %c1_i32_0 = arith.constant 1 : i32
    %c0_i32 = arith.constant 0 : i32
    %c0_i32_1 = arith.constant 0 : i32
    return %c1_i32, %arg0, %c1_i32_0, %arg1, %c0_i32 : i32, i32, i32, i32, i32
  }
  func.func @transform_4(%arg0: i32, %arg1: i32) -> (i32, i32, i32, i32) {
    %c0_i32 = arith.constant 0 : i32
    %c0_i32_0 = arith.constant 0 : i32
    %c0_i32_1 = arith.constant 0 : i32
    return %arg0, %c0_i32, %arg1, %c0_i32_0 : i32, i32, i32, i32
  }
  func.func @transform_5(%arg0: i32, %arg1: i32) -> (i32, i32, i32, i32) {
    %c1_i32 = arith.constant 1 : i32
    %c0_i32 = arith.constant 0 : i32
    %c0_i32_0 = arith.constant 0 : i32
    return %arg0, %c1_i32, %arg1, %c0_i32 : i32, i32, i32, i32
  }
  func.func @transform_6(%arg0: i32, %arg1: i32) -> (i32, i32, i32) {
    %c0_i32 = arith.constant 0 : i32
    %c0_i32_0 = arith.constant 0 : i32
    return %arg0, %arg1, %c0_i32 : i32, i32, i32
  }
  func.func @transform_7(%arg0: i32, %arg1: i32) -> (i32, i32, i32) {
    %c0_i32 = arith.constant 0 : i32
    %c0_i32_0 = arith.constant 0 : i32
    return %arg0, %arg1, %c0_i32 : i32, i32, i32
  }
  func.func @transform_8(%arg0: i32, %arg1: i32) -> (i32, i32) {
    %c0_i32 = arith.constant 0 : i32
    %c0_i32_0 = arith.constant 0 : i32
    %c0_i32_1 = arith.constant 0 : i32
    return %c0_i32, %c0_i32_0 : i32, i32
  }
  func.func @transform_9(%arg0: i32, %arg1: i32) -> (i32, i32) {
    %c0_i32 = arith.constant 0 : i32
    %c0_i32_0 = arith.constant 0 : i32
    %c0_i32_1 = arith.constant 0 : i32
    return %c0_i32, %c0_i32_0 : i32, i32
  }
  func.func @transform_10(%arg0: i32, %arg1: i32) -> (i32, i32) {
    %c0_i32 = arith.constant 0 : i32
    %c0_i32_0 = arith.constant 0 : i32
    %c0_i32_1 = arith.constant 0 : i32
    return %c0_i32, %c0_i32_0 : i32, i32
  }
  func.func @transform_11(%arg0: i32, %arg1: i32) -> (i32, i32) {
    %c0_i32 = arith.constant 0 : i32
    %c0_i32_0 = arith.constant 0 : i32
    %c0_i32_1 = arith.constant 0 : i32
    return %c0_i32, %c0_i32_0 : i32, i32
  }
  func.func @transform_12(%arg0: i32, %arg1: i32) -> (i32, i32) {
    %c0_i32 = arith.constant 0 : i32
    %c0_i32_0 = arith.constant 0 : i32
    %c0_i32_1 = arith.constant 0 : i32
    return %c0_i32, %c0_i32_0 : i32, i32
  }
  func.func @transform_13(%arg0: i32, %arg1: i32) -> (i32, i32, i32) {
    %c0_i32 = arith.constant 0 : i32
    %c0_i32_0 = arith.constant 0 : i32
    %c0_i32_1 = arith.constant 0 : i32
    return %arg0, %c0_i32, %c0_i32_0 : i32, i32, i32
  }
}

module attributes {stable_mosaic.version = 14 : i64} {
  func.func @_head_body(%arg0: memref<40x8xf32, #tpu.memory_space<vmem>>, %arg1: memref<3x8x8xf32, #tpu.memory_space<vmem>>, %arg2: memref<3x1x8xf32, #tpu.memory_space<vmem>>, %arg3: memref<3x1x8xf32, #tpu.memory_space<vmem>>, %arg4: memref<40x4xf32, #tpu.memory_space<vmem>>, %arg5: memref<8x48x40xf32, #tpu.memory_space<vmem>>, %arg6: memref<48x4xf32, #tpu.memory_space<vmem>>, %arg7: memref<8x128xf32, #tpu.memory_space<vmem>>, %arg8: memref<40x8xf32, #tpu.memory_space<vmem>>) attributes {dimension_semantics = [], scalar_prefetch = 0 : i64, scratch_operands = 0 : i64, tpu.core_type = #tpu.core_type<tc>} {
    %get3A = arith.constant 0 : index
    %get3A_0 = arith.constant 0 : index
    %get3A_1 = vector.load %arg0[%get3A, %get3A_0] : memref<40x8xf32, #tpu.memory_space<vmem>>, vector<40x8xf32>
    %get3A_2 = arith.constant 0 : index
    %get3A_3 = arith.constant 0 : index
    %get3A_4 = arith.constant 0 : index
    %get3A_5 = vector.load %arg1[%get3A_2, %get3A_3, %get3A_4] : memref<3x8x8xf32, #tpu.memory_space<vmem>>, vector<1x8x8xf32>
    %get3A_6 = vector.shape_cast %get3A_5 : vector<1x8x8xf32> to vector<8x8xf32>
    %dot_general3A = arith.constant dense<0.000000e+00> : vector<40x8xf32>
    %dot_general3A_7 = tpu.matmul %get3A_1, %get3A_6, %dot_general3A {dimension_numbers = #tpu.dot_dimension_numbers<[1], [0], [0], [1], [0, 0, 1, 1], [], []>, transpose_lhs_hint = false} : vector<40x8xf32>, vector<8x8xf32>, vector<40x8xf32> -> vector<40x8xf32>
    %get3A_8 = arith.constant 0 : index
    %get3A_9 = arith.constant 0 : index
    %get3A_10 = arith.constant 0 : index
    %get3A_11 = vector.load %arg2[%get3A_8, %get3A_9, %get3A_10] : memref<3x1x8xf32, #tpu.memory_space<vmem>>, vector<1x1x8xf32>
    %get3A_12 = vector.shape_cast %get3A_11 : vector<1x1x8xf32> to vector<1x8xf32>
    %add3A = vector.broadcast %get3A_12 : vector<1x8xf32> to vector<40x8xf32>
    %add3A_13 = arith.addf %dot_general3A_7, %add3A : vector<40x8xf32>
    %get3A_14 = arith.constant 1 : index
    %get3A_15 = arith.constant 0 : index
    %get3A_16 = arith.constant 0 : index
    %get3A_17 = vector.load %arg1[%get3A_14, %get3A_15, %get3A_16] : memref<3x8x8xf32, #tpu.memory_space<vmem>>, vector<1x8x8xf32>
    %get3A_18 = vector.shape_cast %get3A_17 : vector<1x8x8xf32> to vector<8x8xf32>
    %dot_general3A_19 = arith.constant dense<0.000000e+00> : vector<40x8xf32>
    %dot_general3A_20 = tpu.matmul %get3A_1, %get3A_18, %dot_general3A_19 {dimension_numbers = #tpu.dot_dimension_numbers<[1], [0], [0], [1], [0, 0, 1, 1], [], []>, transpose_lhs_hint = false} : vector<40x8xf32>, vector<8x8xf32>, vector<40x8xf32> -> vector<40x8xf32>
    %get3A_21 = arith.constant 1 : index
    %get3A_22 = arith.constant 0 : index
    %get3A_23 = arith.constant 0 : index
    %get3A_24 = vector.load %arg2[%get3A_21, %get3A_22, %get3A_23] : memref<3x1x8xf32, #tpu.memory_space<vmem>>, vector<1x1x8xf32>
    %get3A_25 = vector.shape_cast %get3A_24 : vector<1x1x8xf32> to vector<1x8xf32>
    %add3A_26 = vector.broadcast %get3A_25 : vector<1x8xf32> to vector<40x8xf32>
    %add3A_27 = arith.addf %dot_general3A_20, %add3A_26 : vector<40x8xf32>
    %get3A_28 = arith.constant 2 : index
    %get3A_29 = arith.constant 0 : index
    %get3A_30 = arith.constant 0 : index
    %get3A_31 = vector.load %arg1[%get3A_28, %get3A_29, %get3A_30] : memref<3x8x8xf32, #tpu.memory_space<vmem>>, vector<1x8x8xf32>
    %get3A_32 = vector.shape_cast %get3A_31 : vector<1x8x8xf32> to vector<8x8xf32>
    %dot_general3A_33 = arith.constant dense<0.000000e+00> : vector<40x8xf32>
    %dot_general3A_34 = tpu.matmul %get3A_1, %get3A_32, %dot_general3A_33 {dimension_numbers = #tpu.dot_dimension_numbers<[1], [0], [0], [1], [0, 0, 1, 1], [], []>, transpose_lhs_hint = false} : vector<40x8xf32>, vector<8x8xf32>, vector<40x8xf32> -> vector<40x8xf32>
    %get3A_35 = arith.constant 2 : index
    %get3A_36 = arith.constant 0 : index
    %get3A_37 = arith.constant 0 : index
    %get3A_38 = vector.load %arg2[%get3A_35, %get3A_36, %get3A_37] : memref<3x1x8xf32, #tpu.memory_space<vmem>>, vector<1x1x8xf32>
    %get3A_39 = vector.shape_cast %get3A_38 : vector<1x1x8xf32> to vector<1x8xf32>
    %add3A_40 = vector.broadcast %get3A_39 : vector<1x8xf32> to vector<40x8xf32>
    %add3A_41 = arith.addf %dot_general3A_34, %add3A_40 : vector<40x8xf32>
    %get3A_42 = arith.constant 0 : index
    %get3A_43 = arith.constant 0 : index
    %get3A_44 = arith.constant 0 : index
    %get3A_45 = vector.load %arg3[%get3A_42, %get3A_43, %get3A_44] : memref<3x1x8xf32, #tpu.memory_space<vmem>>, vector<1x1x8xf32>
    %get3A_46 = vector.shape_cast %get3A_45 : vector<1x1x8xf32> to vector<1x8xf32>
    %add3A_47 = vector.broadcast %get3A_46 : vector<1x8xf32> to vector<40x8xf32>
    %add3A_48 = arith.addf %add3A_13, %add3A_47 : vector<40x8xf32>
    %logistic3A = arith.negf %add3A_48 : vector<40x8xf32>
    %logistic3A_49 = math.exp %logistic3A : vector<40x8xf32>
    %logistic3A_50 = arith.constant 1.000000e+00 : f32
    %logistic3A_51 = vector.broadcast %logistic3A_50 : f32 to vector<40x8xf32>
    %logistic3A_52 = arith.addf %logistic3A_51, %logistic3A_49 : vector<40x8xf32>
    %logistic3A_53 = arith.divf %logistic3A_51, %logistic3A_52 : vector<40x8xf32>
    %get3A_54 = arith.constant 1 : index
    %get3A_55 = arith.constant 0 : index
    %get3A_56 = arith.constant 0 : index
    %get3A_57 = vector.load %arg3[%get3A_54, %get3A_55, %get3A_56] : memref<3x1x8xf32, #tpu.memory_space<vmem>>, vector<1x1x8xf32>
    %get3A_58 = vector.shape_cast %get3A_57 : vector<1x1x8xf32> to vector<1x8xf32>
    %add3A_59 = vector.broadcast %get3A_58 : vector<1x8xf32> to vector<40x8xf32>
    %add3A_60 = arith.addf %add3A_27, %add3A_59 : vector<40x8xf32>
    %logistic3A_61 = arith.negf %add3A_60 : vector<40x8xf32>
    %logistic3A_62 = math.exp %logistic3A_61 : vector<40x8xf32>
    %logistic3A_63 = arith.constant 1.000000e+00 : f32
    %logistic3A_64 = vector.broadcast %logistic3A_63 : f32 to vector<40x8xf32>
    %logistic3A_65 = arith.addf %logistic3A_64, %logistic3A_62 : vector<40x8xf32>
    %logistic3A_66 = arith.divf %logistic3A_64, %logistic3A_65 : vector<40x8xf32>
    %get3A_67 = arith.constant 2 : index
    %get3A_68 = arith.constant 0 : index
    %get3A_69 = arith.constant 0 : index
    %get3A_70 = vector.load %arg3[%get3A_67, %get3A_68, %get3A_69] : memref<3x1x8xf32, #tpu.memory_space<vmem>>, vector<1x1x8xf32>
    %get3A_71 = vector.shape_cast %get3A_70 : vector<1x1x8xf32> to vector<1x8xf32>
    %mul3A = vector.broadcast %get3A_71 : vector<1x8xf32> to vector<40x8xf32>
    %mul3A_72 = arith.mulf %logistic3A_53, %mul3A : vector<40x8xf32>
    %add3A_73 = arith.addf %add3A_41, %mul3A_72 : vector<40x8xf32>
    %tanh3A = math.tanh %add3A_73 : vector<40x8xf32>
    %sub3A = arith.constant 1.000000e+00 : f32
    %sub3A_74 = vector.broadcast %sub3A : f32 to vector<40x8xf32>
    %sub3A_75 = arith.subf %sub3A_74, %logistic3A_66 : vector<40x8xf32>
    %mul3A_76 = arith.mulf %sub3A_75, %tanh3A : vector<40x8xf32>
    %swap3A = arith.constant 0 : index
    %swap3A_77 = arith.constant 0 : index
    %swap3A_78 = vector.load %arg8[%swap3A, %swap3A_77] : memref<40x8xf32, #tpu.memory_space<vmem>>, vector<40x8xf32>
    tpu.vector_store %arg8[%swap3A, %swap3A_77], %mul3A_76 {strides = array<i32>} : memref<40x8xf32, #tpu.memory_space<vmem>>, vector<40x8xf32>,
    %dot_general3A_79 = arith.constant dense<0.000000e+00> : vector<40x40xf32>
    %dot_general3A_80 = tpu.matmul %get3A_1, %mul3A_76, %dot_general3A_79 {dimension_numbers = #tpu.dot_dimension_numbers<[1], [1], [0], [0], [0, 0, 1, 0], [], []>, transpose_lhs_hint = false} : vector<40x8xf32>, vector<40x8xf32>, vector<40x40xf32> -> vector<40x40xf32>
    %get3A_81 = arith.constant 0 : index
    %get3A_82 = arith.constant 0 : index
    %get3A_83 = vector.load %arg4[%get3A_81, %get3A_82] : memref<40x4xf32, #tpu.memory_space<vmem>>, vector<40x4xf32>
    %dot_general3A_84 = arith.constant dense<0.000000e+00> : vector<40x4xf32>
    %dot_general3A_85 = tpu.matmul %dot_general3A_80, %get3A_83, %dot_general3A_84 {dimension_numbers = #tpu.dot_dimension_numbers<[1], [0], [0], [1], [0, 0, 1, 1], [], []>, precision = #tpu.contract_precision<fp32>, transpose_lhs_hint = false} : vector<40x40xf32>, vector<40x4xf32>, vector<40x4xf32> -> vector<40x4xf32>
    %get3A_86 = arith.constant 0 : index
    %get3A_87 = arith.constant 0 : index
    %get3A_88 = vector.load %arg6[%get3A_86, %get3A_87] : memref<48x4xf32, #tpu.memory_space<vmem>>, vector<48x4xf32>
    %get3A_89 = arith.constant 0 : index
    %get3A_90 = arith.constant 0 : index
    %get3A_91 = arith.constant 0 : index
    %get3A_92 = vector.load %arg5[%get3A_89, %get3A_90, %get3A_91] : memref<8x48x40xf32, #tpu.memory_space<vmem>>, vector<1x48x40xf32>
    %get3A_93 = vector.shape_cast %get3A_92 : vector<1x48x40xf32> to vector<48x40xf32>
    %dot_general3A_94 = arith.constant dense<0.000000e+00> : vector<48x4xf32>
    %dot_general3A_95 = tpu.matmul %get3A_93, %dot_general3A_85, %dot_general3A_94 {dimension_numbers = #tpu.dot_dimension_numbers<[1], [0], [0], [1], [0, 0, 1, 1], [], []>, precision = #tpu.contract_precision<fp32>, transpose_lhs_hint = false} : vector<48x40xf32>, vector<40x4xf32>, vector<48x4xf32> -> vector<48x4xf32>
    %mul3A_96 = arith.mulf %dot_general3A_95, %get3A_88 : vector<48x4xf32>
    %reduce_sum3A = arith.constant dense<0.000000e+00> : vector<48xf32>
    %reduce_sum3A_97 = vector.multi_reduction <add>, %mul3A_96, %reduce_sum3A [1] : vector<48x4xf32> to vector<48xf32>
    %broadcast_in_dim3A = vector.shape_cast %reduce_sum3A_97 : vector<48xf32> to vector<48x1xf32>
    %get3A_98 = arith.constant 1 : index
    %get3A_99 = arith.constant 0 : index
    %get3A_100 = arith.constant 0 : index
    %get3A_101 = vector.load %arg5[%get3A_98, %get3A_99, %get3A_100] : memref<8x48x40xf32, #tpu.memory_space<vmem>>, vector<1x48x40xf32>
    %get3A_102 = vector.shape_cast %get3A_101 : vector<1x48x40xf32> to vector<48x40xf32>
    %dot_general3A_103 = arith.constant dense<0.000000e+00> : vector<48x4xf32>
    %dot_general3A_104 = tpu.matmul %get3A_102, %dot_general3A_85, %dot_general3A_103 {dimension_numbers = #tpu.dot_dimension_numbers<[1], [0], [0], [1], [0, 0, 1, 1], [], []>, precision = #tpu.contract_precision<fp32>, transpose_lhs_hint = false} : vector<48x40xf32>, vector<40x4xf32>, vector<48x4xf32> -> vector<48x4xf32>
    %mul3A_105 = arith.mulf %dot_general3A_104, %get3A_88 : vector<48x4xf32>
    %reduce_sum3A_106 = arith.constant dense<0.000000e+00> : vector<48xf32>
    %reduce_sum3A_107 = vector.multi_reduction <add>, %mul3A_105, %reduce_sum3A_106 [1] : vector<48x4xf32> to vector<48xf32>
    %broadcast_in_dim3A_108 = vector.shape_cast %reduce_sum3A_107 : vector<48xf32> to vector<48x1xf32>
    %get3A_109 = arith.constant 2 : index
    %get3A_110 = arith.constant 0 : index
    %get3A_111 = arith.constant 0 : index
    %get3A_112 = vector.load %arg5[%get3A_109, %get3A_110, %get3A_111] : memref<8x48x40xf32, #tpu.memory_space<vmem>>, vector<1x48x40xf32>
    %get3A_113 = vector.shape_cast %get3A_112 : vector<1x48x40xf32> to vector<48x40xf32>
    %dot_general3A_114 = arith.constant dense<0.000000e+00> : vector<48x4xf32>
    %dot_general3A_115 = tpu.matmul %get3A_113, %dot_general3A_85, %dot_general3A_114 {dimension_numbers = #tpu.dot_dimension_numbers<[1], [0], [0], [1], [0, 0, 1, 1], [], []>, precision = #tpu.contract_precision<fp32>, transpose_lhs_hint = false} : vector<48x40xf32>, vector<40x4xf32>, vector<48x4xf32> -> vector<48x4xf32>
    %mul3A_116 = arith.mulf %dot_general3A_115, %get3A_88 : vector<48x4xf32>
    %reduce_sum3A_117 = arith.constant dense<0.000000e+00> : vector<48xf32>
    %reduce_sum3A_118 = vector.multi_reduction <add>, %mul3A_116, %reduce_sum3A_117 [1] : vector<48x4xf32> to vector<48xf32>
    %broadcast_in_dim3A_119 = vector.shape_cast %reduce_sum3A_118 : vector<48xf32> to vector<48x1xf32>
    %get3A_120 = arith.constant 3 : index
    %get3A_121 = arith.constant 0 : index
    %get3A_122 = arith.constant 0 : index
    %get3A_123 = vector.load %arg5[%get3A_120, %get3A_121, %get3A_122] : memref<8x48x40xf32, #tpu.memory_space<vmem>>, vector<1x48x40xf32>
    %get3A_124 = vector.shape_cast %get3A_123 : vector<1x48x40xf32> to vector<48x40xf32>
    %dot_general3A_125 = arith.constant dense<0.000000e+00> : vector<48x4xf32>
    %dot_general3A_126 = tpu.matmul %get3A_124, %dot_general3A_85, %dot_general3A_125 {dimension_numbers = #tpu.dot_dimension_numbers<[1], [0], [0], [1], [0, 0, 1, 1], [], []>, precision = #tpu.contract_precision<fp32>, transpose_lhs_hint = false} : vector<48x40xf32>, vector<40x4xf32>, vector<48x4xf32> -> vector<48x4xf32>
    %mul3A_127 = arith.mulf %dot_general3A_126, %get3A_88 : vector<48x4xf32>
    %reduce_sum3A_128 = arith.constant dense<0.000000e+00> : vector<48xf32>
    %reduce_sum3A_129 = vector.multi_reduction <add>, %mul3A_127, %reduce_sum3A_128 [1] : vector<48x4xf32> to vector<48xf32>
    %broadcast_in_dim3A_130 = vector.shape_cast %reduce_sum3A_129 : vector<48xf32> to vector<48x1xf32>
    %get3A_131 = arith.constant 4 : index
    %get3A_132 = arith.constant 0 : index
    %get3A_133 = arith.constant 0 : index
    %get3A_134 = vector.load %arg5[%get3A_131, %get3A_132, %get3A_133] : memref<8x48x40xf32, #tpu.memory_space<vmem>>, vector<1x48x40xf32>
    %get3A_135 = vector.shape_cast %get3A_134 : vector<1x48x40xf32> to vector<48x40xf32>
    %dot_general3A_136 = arith.constant dense<0.000000e+00> : vector<48x4xf32>
    %dot_general3A_137 = tpu.matmul %get3A_135, %dot_general3A_85, %dot_general3A_136 {dimension_numbers = #tpu.dot_dimension_numbers<[1], [0], [0], [1], [0, 0, 1, 1], [], []>, precision = #tpu.contract_precision<fp32>, transpose_lhs_hint = false} : vector<48x40xf32>, vector<40x4xf32>, vector<48x4xf32> -> vector<48x4xf32>
    %mul3A_138 = arith.mulf %dot_general3A_137, %get3A_88 : vector<48x4xf32>
    %reduce_sum3A_139 = arith.constant dense<0.000000e+00> : vector<48xf32>
    %reduce_sum3A_140 = vector.multi_reduction <add>, %mul3A_138, %reduce_sum3A_139 [1] : vector<48x4xf32> to vector<48xf32>
    %broadcast_in_dim3A_141 = vector.shape_cast %reduce_sum3A_140 : vector<48xf32> to vector<48x1xf32>
    %get3A_142 = arith.constant 5 : index
    %get3A_143 = arith.constant 0 : index
    %get3A_144 = arith.constant 0 : index
    %get3A_145 = vector.load %arg5[%get3A_142, %get3A_143, %get3A_144] : memref<8x48x40xf32, #tpu.memory_space<vmem>>, vector<1x48x40xf32>
    %get3A_146 = vector.shape_cast %get3A_145 : vector<1x48x40xf32> to vector<48x40xf32>
    %dot_general3A_147 = arith.constant dense<0.000000e+00> : vector<48x4xf32>
    %dot_general3A_148 = tpu.matmul %get3A_146, %dot_general3A_85, %dot_general3A_147 {dimension_numbers = #tpu.dot_dimension_numbers<[1], [0], [0], [1], [0, 0, 1, 1], [], []>, precision = #tpu.contract_precision<fp32>, transpose_lhs_hint = false} : vector<48x40xf32>, vector<40x4xf32>, vector<48x4xf32> -> vector<48x4xf32>
    %mul3A_149 = arith.mulf %dot_general3A_148, %get3A_88 : vector<48x4xf32>
    %reduce_sum3A_150 = arith.constant dense<0.000000e+00> : vector<48xf32>
    %reduce_sum3A_151 = vector.multi_reduction <add>, %mul3A_149, %reduce_sum3A_150 [1] : vector<48x4xf32> to vector<48xf32>
    %broadcast_in_dim3A_152 = vector.shape_cast %reduce_sum3A_151 : vector<48xf32> to vector<48x1xf32>
    %get3A_153 = arith.constant 6 : index
    %get3A_154 = arith.constant 0 : index
    %get3A_155 = arith.constant 0 : index
    %get3A_156 = vector.load %arg5[%get3A_153, %get3A_154, %get3A_155] : memref<8x48x40xf32, #tpu.memory_space<vmem>>, vector<1x48x40xf32>
    %get3A_157 = vector.shape_cast %get3A_156 : vector<1x48x40xf32> to vector<48x40xf32>
    %dot_general3A_158 = arith.constant dense<0.000000e+00> : vector<48x4xf32>
    %dot_general3A_159 = tpu.matmul %get3A_157, %dot_general3A_85, %dot_general3A_158 {dimension_numbers = #tpu.dot_dimension_numbers<[1], [0], [0], [1], [0, 0, 1, 1], [], []>, precision = #tpu.contract_precision<fp32>, transpose_lhs_hint = false} : vector<48x40xf32>, vector<40x4xf32>, vector<48x4xf32> -> vector<48x4xf32>
    %mul3A_160 = arith.mulf %dot_general3A_159, %get3A_88 : vector<48x4xf32>
    %reduce_sum3A_161 = arith.constant dense<0.000000e+00> : vector<48xf32>
    %reduce_sum3A_162 = vector.multi_reduction <add>, %mul3A_160, %reduce_sum3A_161 [1] : vector<48x4xf32> to vector<48xf32>
    %broadcast_in_dim3A_163 = vector.shape_cast %reduce_sum3A_162 : vector<48xf32> to vector<48x1xf32>
    %get3A_164 = arith.constant 7 : index
    %get3A_165 = arith.constant 0 : index
    %get3A_166 = arith.constant 0 : index
    %get3A_167 = vector.load %arg5[%get3A_164, %get3A_165, %get3A_166] : memref<8x48x40xf32, #tpu.memory_space<vmem>>, vector<1x48x40xf32>
    %get3A_168 = vector.shape_cast %get3A_167 : vector<1x48x40xf32> to vector<48x40xf32>
    %dot_general3A_169 = arith.constant dense<0.000000e+00> : vector<48x4xf32>
    %dot_general3A_170 = tpu.matmul %get3A_168, %dot_general3A_85, %dot_general3A_169 {dimension_numbers = #tpu.dot_dimension_numbers<[1], [0], [0], [1], [0, 0, 1, 1], [], []>, precision = #tpu.contract_precision<fp32>, transpose_lhs_hint = false} : vector<48x40xf32>, vector<40x4xf32>, vector<48x4xf32> -> vector<48x4xf32>
    %mul3A_171 = arith.mulf %dot_general3A_170, %get3A_88 : vector<48x4xf32>
    %reduce_sum3A_172 = arith.constant dense<0.000000e+00> : vector<48xf32>
    %reduce_sum3A_173 = vector.multi_reduction <add>, %mul3A_171, %reduce_sum3A_172 [1] : vector<48x4xf32> to vector<48xf32>
    %broadcast_in_dim3A_174 = vector.shape_cast %reduce_sum3A_173 : vector<48xf32> to vector<48x1xf32>
    %concatenate3A = tpu.concatenate %broadcast_in_dim3A, %broadcast_in_dim3A_108, %broadcast_in_dim3A_119, %broadcast_in_dim3A_130, %broadcast_in_dim3A_141, %broadcast_in_dim3A_152, %broadcast_in_dim3A_163, %broadcast_in_dim3A_174 in 1 : vector<48x1xf32>, vector<48x1xf32>, vector<48x1xf32>, vector<48x1xf32>, vector<48x1xf32>, vector<48x1xf32>, vector<48x1xf32>, vector<48x1xf32> -> vector<48x8xf32>
    %iota3A = tpu.iota {dimensions = array<i32: 1>} : vector<48x8xi32>
    %reduce_max3A = arith.constant dense<0xFF800000> : vector<48xf32>
    %reduce_max3A_175 = vector.multi_reduction <maximumf>, %concatenate3A, %reduce_max3A [1] : vector<48x8xf32> to vector<48xf32>
    %broadcast_in_dim3A_176 = vector.shape_cast %reduce_max3A_175 : vector<48xf32> to vector<48x1xf32>
    %sub3A_177 = vector.broadcast %broadcast_in_dim3A_176 : vector<48x1xf32> to vector<48x8xf32>
    %sub3A_178 = arith.subf %concatenate3A, %sub3A_177 : vector<48x8xf32>
    %exp3A = math.exp %sub3A_178 : vector<48x8xf32>
    %reduce_sum3A_179 = arith.constant dense<0.000000e+00> : vector<48xf32>
    %reduce_sum3A_180 = vector.multi_reduction <add>, %exp3A, %reduce_sum3A_179 [1] : vector<48x8xf32> to vector<48xf32>
    %broadcast_in_dim3A_181 = vector.shape_cast %reduce_sum3A_180 : vector<48xf32> to vector<48x1xf32>
    %log3A = math.log %broadcast_in_dim3A_181 : vector<48x1xf32>
    %add3A_182 = arith.addf %log3A, %broadcast_in_dim3A_176 : vector<48x1xf32>
    %eq3A = arith.constant 0 : i32
    %eq3A_183 = vector.broadcast %eq3A : i32 to vector<48x8xi32>
    %eq3A_184 = arith.cmpi eq, %iota3A, %eq3A_183 : vector<48x8xi32>
    %jit3A = arith.constant 0.000000e+00 : f32
    %broadcast_in_dim3A_185 = vector.broadcast %jit3A : f32 to vector<48x8xf32>
    %select_n3A = arith.select %eq3A_184, %concatenate3A, %broadcast_in_dim3A_185 : vector<48x8xi1>, vector<48x8xf32>
    %reduce_sum3A_186 = arith.constant dense<0.000000e+00> : vector<48xf32>
    %reduce_sum3A_187 = vector.multi_reduction <add>, %select_n3A, %reduce_sum3A_186 [1] : vector<48x8xf32> to vector<48xf32>
    %broadcast_in_dim3A_188 = vector.shape_cast %reduce_sum3A_187 : vector<48xf32> to vector<48x1xf32>
    %sub3A_189 = arith.subf %broadcast_in_dim3A_188, %add3A_182 : vector<48x1xf32>
    %reduce_sum3A_190 = vector.shape_cast %sub3A_189 : vector<48x1xf32> to vector<1x48x1xf32>
    %reduce_sum3A_191 = arith.constant dense<0.000000e+00> : vector<1xf32>
    %reduce_sum3A_192 = vector.multi_reduction <add>, %reduce_sum3A_190, %reduce_sum3A_191 [1, 2] : vector<1x48x1xf32> to vector<1xf32>
    %reduce_sum3A_193 = vector.shape_cast %reduce_sum3A_192 : vector<1xf32> to vector<1x1x1xf32>
    %reduce_sum3A_194 = vector.extract %reduce_sum3A_193[0, 0, 0] : f32 from vector<1x1x1xf32>
    %div3A = arith.constant -4.800000e+01 : f32
    %div3A_195 = arith.divf %reduce_sum3A_194, %div3A : f32
    %ge3A = arith.constant 1 : i32
    %ge3A_196 = vector.broadcast %ge3A : i32 to vector<48x8xi32>
    %ge3A_197 = arith.cmpi sge, %iota3A, %ge3A_196 : vector<48x8xi32>
    %jit3A_198 = arith.constant 0xFF800000 : f32
    %broadcast_in_dim3A_199 = vector.broadcast %jit3A_198 : f32 to vector<48x8xf32>
    %select_n3A_200 = arith.select %ge3A_197, %concatenate3A, %broadcast_in_dim3A_199 : vector<48x8xi1>, vector<48x8xf32>
    %reduce_max3A_201 = arith.constant dense<0xFF800000> : vector<48xf32>
    %reduce_max3A_202 = vector.multi_reduction <maximumf>, %select_n3A_200, %reduce_max3A_201 [1] : vector<48x8xf32> to vector<48xf32>
    %broadcast_in_dim3A_203 = vector.shape_cast %reduce_max3A_202 : vector<48xf32> to vector<48x1xf32>
    %ge3A_204 = arith.cmpf oge, %broadcast_in_dim3A_188, %broadcast_in_dim3A_203 : vector<48x1xf32>
    %convert_element_type3A = arith.extui %ge3A_204 : vector<48x1xi1> to vector<48x1xi32>
    %convert_element_type3A_205 = arith.sitofp %convert_element_type3A : vector<48x1xi32> to vector<48x1xf32>
    %reduce_sum3A_206 = vector.shape_cast %convert_element_type3A_205 : vector<48x1xf32> to vector<1x48x1xf32>
    %reduce_sum3A_207 = arith.constant dense<0.000000e+00> : vector<1xf32>
    %reduce_sum3A_208 = vector.multi_reduction <add>, %reduce_sum3A_206, %reduce_sum3A_207 [1, 2] : vector<1x48x1xf32> to vector<1xf32>
    %reduce_sum3A_209 = vector.shape_cast %reduce_sum3A_208 : vector<1xf32> to vector<1x1x1xf32>
    %reduce_sum3A_210 = vector.extract %reduce_sum3A_209[0, 0, 0] : f32 from vector<1x1x1xf32>
    %div3A_211 = arith.constant 4.800000e+01 : f32
    %div3A_212 = arith.divf %reduce_sum3A_210, %div3A_211 : f32
    %iota3A_213 = tpu.iota {dimensions = array<i32: 0>} : vector<8x128xi32>
    %iota3A_214 = tpu.iota {dimensions = array<i32: 1>} : vector<8x128xi32>
    %eq3A_215 = arith.constant 0 : i32
    %eq3A_216 = vector.broadcast %eq3A_215 : i32 to vector<8x128xi32>
    %eq3A_217 = arith.cmpi eq, %iota3A_213, %eq3A_216 : vector<8x128xi32>
    %eq3A_218 = arith.constant 0 : i32
    %eq3A_219 = vector.broadcast %eq3A_218 : i32 to vector<8x128xi32>
    %eq3A_220 = arith.cmpi eq, %iota3A_214, %eq3A_219 : vector<8x128xi32>
    %and3A = arith.andi %eq3A_217, %eq3A_220 : vector<8x128xi1>
    %jit3A_221 = arith.constant 0.000000e+00 : f32
    %broadcast_in_dim3A_222 = vector.broadcast %div3A_195 : f32 to vector<8x128xf32>
    %broadcast_in_dim3A_223 = vector.broadcast %jit3A_221 : f32 to vector<8x128xf32>
    %select_n3A_224 = arith.select %and3A, %broadcast_in_dim3A_222, %broadcast_in_dim3A_223 : vector<8x128xi1>, vector<8x128xf32>
    %eq3A_225 = arith.constant 0 : i32
    %eq3A_226 = vector.broadcast %eq3A_225 : i32 to vector<8x128xi32>
    %eq3A_227 = arith.cmpi eq, %iota3A_213, %eq3A_226 : vector<8x128xi32>
    %eq3A_228 = arith.constant 1 : i32
    %eq3A_229 = vector.broadcast %eq3A_228 : i32 to vector<8x128xi32>
    %eq3A_230 = arith.cmpi eq, %iota3A_214, %eq3A_229 : vector<8x128xi32>
    %and3A_231 = arith.andi %eq3A_227, %eq3A_230 : vector<8x128xi1>
    %broadcast_in_dim3A_232 = vector.broadcast %div3A_212 : f32 to vector<8x128xf32>
    %select_n3A_233 = arith.select %and3A_231, %broadcast_in_dim3A_232, %select_n3A_224 : vector<8x128xi1>, vector<8x128xf32>
    %swap3A_234 = arith.constant 0 : index
    %swap3A_235 = arith.constant 0 : index
    %swap3A_236 = vector.load %arg7[%swap3A_234, %swap3A_235] : memref<8x128xf32, #tpu.memory_space<vmem>>, vector<8x128xf32>
    tpu.vector_store %arg7[%swap3A_234, %swap3A_235], %select_n3A_233 {strides = array<i32>} : memref<8x128xf32, #tpu.memory_space<vmem>>, vector<8x128xf32>,
    return
  }
}

</mosaic_0001>

<sc_bundles>
// kernel: kernel.10.cloned.1.call-start
scs
__scs_entry_jumppad:
0x0: {  	(pc) =	sbr.rel $0x88, $3  }
0x1: {  	(tag) =	ssettag $0x0;
	lr =	simm.s32 $0x1  }
0x2: {  	[smem:$0x3F96] =	sst lr;
	_ =	strace $0xD0000000  }
0x3: {  	_ = 	snop  }
0x4: {  	_ = 	snop  }
0x5: {  	_ = 	snop  }
0x6: {  	_ = 	snop  }
0x7: {  	_ = 	snop  }
__scs_overlays_trampoline_lowered:
0x8: {  	[smem:$0x3FA5] =	sst s0  }
0x9: {  	[smem:$0x3FA6] =	sst s1  }
0xa: {  	[smem:$0x3FA7] =	sst s2  }
0xb: {  	[smem:$0x3FA8] =	sst s3  }
0xc: {  	[smem:$0x3FA9] =	sst s4  }
0xd: {  	[smem:$0x3FAA] =	sst s5  }
0xe: {  	[smem:$0x3FAB] =	sst s6  }
0xf: {  	[smem:$0x3FAC] =	sst s7  }
0x10: {  	[smem:$0x3FAD] =	sst s8  }
0x11: {  	[smem:$0x3FAE] =	sst s9;
	s0 =	simm.s32 @!p0 $0x0  }
0x12: {  	s1 =	sld [smem:$0x3F94];
	s0 =	simm.s32 @p0 $0x1  }
0x13: {  	[smem:$0x3FAF] =	sst s0;
	s0 =	simm.s32 @!p1 $0x0  }
0x14: {  	s2 =	sld [smem:$0x3F93];
	s0 =	simm.s32 @p1 $0x1  }
0x15: {  	[smem:$0x3FB0] =	sst s0;
	s0 =	simm.s32 @!p2 $0x0  }
0x16: {  	s3 =	sld [smem:$0x3FDB];
	s0 =	simm.s32 @p2 $0x1  }
0x17: {  	s4 =	simm.s32 $0x1BF5;
	[smem:$0x3FB2] =	sst s0  }
0x18: {  	s0 =	sld [smem:$0x3F95];
	_ =	swait.ge [sflag:s4], $0x0  }
0x19: {  	s7 =	sld [smem:$0x3F96]  }
0x1a: {  	s8 =	sadd.s32 $0xFFFFE003, lr  }
0x1b: {  	s9 =	sadd.s32 $0xFFFFFEF7, lr;
	s5 =	simm.s32 $0xFFFFFFFF;
	p2 =	slt.u32 s8, $0xFFFFF086  }
0x1c: {  	p1 =	slt.u32 s9, $0xF7A;
	s5 =	simm.s32 @!p2 $0x0  }
0x1d: {  	s5 =	simm.s32 @p1 $0x1;
	p0 =	seq.s32 s7, s2  }
0x1e: {  	s7 =	smul.u32 @!p0 $0xF7A, s2;
	p2 =	seq.s32 @!p0 s5, $0x0  }
0x1f: {  	s9 =	smul.u32 $0xF7A, s1;
	s8 =	simm.s32 @!p0 $0x1BF5;
	p2 =	por !p2, p0  }
0x20: {  	[sflag:s8] =	ssyncset.s32 @!p0 $0xFFFFF086;
	s6 =	sadd.s32 @!p0 s3, s7;
	s7 =	simm.s32 @!p0 $0x108  }
0x21: {  	s3 =	sadd.s32 s3, s9;
	s6 =	sadd.s32 @!p0 $0x88, s6;
	s7 =	simm.s32 @p2 $0x1082  }
0x22: {  	[simem:s7], [sflag:s8] =	dma.local @!p0 [hbm:s6], $0xF7A  }
0x23: {  	s9 =	sor.u32 $0xD0000000, s2;
	s6 =	simm.s32 $0x108;
	_ =	swait.ge @!p0 [sflag:s8], $0x0  }
0x24: {  	s3 =	sadd.s32 $0x88, s3;
	s6 =	simm.s32 @!p1 $0x1082;
	[sflag:s4] =	ssyncset.s32 $0xFFFFF086  }
0x25: {  	[simem:s6], [sflag:s4] =	dma.local [hbm:s3], $0xF7A  }
0x26: {  	[smem:$0x3F96] =	sst s1;
	(tag) =	ssettag s2;
	_ =	strace s9  }
0x27: {  	s1 =	sld [smem:$0x3FA6]  }
0x28: {  	s2 =	sld [smem:$0x3FA7]  }
0x29: {  	s4 =	sld [smem:$0x3FA9]  }
0x2a: {  	p0 =	seq.s32 s5, $0x0;
	s5 =	sld [smem:$0x3FAA]  }
0x2b: {  	s6 =	sld [smem:$0x3FAB]  }
0x2c: {  	s7 =	sld [smem:$0x3FAC]  }
0x2d: {  	s3 =	simm.s32 $0x108;
	s8 =	sld [smem:$0x3FAD]  }
0x2e: {  	s3 =	simm.s32 @!p0 $0x1082;
	s9 =	sld [smem:$0x3FAE]  }
0x2f: {  	lr =	sadd.s32 s0, s3;
	s0 =	sld [smem:$0x3FA5]  }
0x30: {  	s3 =	sld [smem:$0x3FA8]  }
0x31: {  	[smem:$0x3FB1] =	sst s10  }
0x32: {  	s10 =	sld [smem:$0x3FAF];
	_ =	sdelay $0x3  }
0x33: {  	p0 =	seq.s32 s10, $0x1;
	s10 =	sld [smem:$0x3FB1];
	_ =	sdelay $0x3  }
0x34: {  	[smem:$0x3FB1] =	sst s10  }
0x35: {  	s10 =	sld [smem:$0x3FB0];
	_ =	sdelay $0x3  }
0x36: {  	p1 =	seq.s32 s10, $0x1;
	s10 =	sld [smem:$0x3FB1];
	_ =	sdelay $0x3  }
0x37: {  	[smem:$0x3FB1] =	sst s10  }
0x38: {  	s10 =	sld [smem:$0x3FB2]  }
0x39: {  	_ = 	snop;
	(pc) =	sbr.ind lr, $3  }
0x3a: {  	_ = 	snop  }
0x3b: {  	_ = 	snop  }
0x3c: {  	p2 =	seq.s32 s10, $0x1;
	s10 =	sld [smem:$0x3FB1]  }
0x3d: {  	_ =	shalt  }
0x3e: {  	_ =	shalt  }
0x3f: {  	_ =	shalt  }
0x40: {  	_ =	shalt  }
0x41: {  	_ =	shalt  }
0x42: {  	_ =	shalt  }
0x43: {  	_ =	shalt  }
0x44: {  	_ =	shalt  }
0x45: {  	_ =	shalt  }
0x46: {  	_ =	shalt  }
0x47: {  	_ =	shalt  }
0x48: {  	_ =	shalt  }
0x49: {  	_ =	shalt  }
0x4a: {  	_ =	shalt  }
0x4b: {  	_ =	shalt  }
0x4c: {  	_ =	shalt  }
0x4d: {  	_ =	shalt  }
0x4e: {  	_ =	shalt  }
0x4f: {  	_ =	shalt  }
0x50: {  	_ =	shalt  }
0x51: {  	_ =	shalt  }
0x52: {  	_ =	shalt  }
0x53: {  	_ =	shalt  }
0x54: {  	_ =	shalt  }
0x55: {  	_ =	shalt  }
0x56: {  	_ =	shalt  }
0x57: {  	_ =	shalt  }
0x58: {  	_ =	shalt  }
0x59: {  	_ =	shalt  }
0x5a: {  	_ =	shalt  }
0x5b: {  	_ =	shalt  }
0x5c: {  	_ =	shalt  }
0x5d: {  	_ =	shalt  }
0x5e: {  	_ =	shalt  }
0x5f: {  	_ =	shalt  }
0x60: {  	_ =	shalt  }
0x61: {  	_ =	shalt  }
0x62: {  	_ =	shalt  }
0x63: {  	_ =	shalt  }
0x64: {  	_ =	shalt  }
0x65: {  	_ =	shalt  }
0x66: {  	_ =	shalt  }
0x67: {  	_ =	shalt  }
0x68: {  	_ =	shalt  }
0x69: {  	_ =	shalt  }
0x6a: {  	_ =	shalt  }
0x6b: {  	_ =	shalt  }
0x6c: {  	_ =	shalt  }
0x6d: {  	_ =	shalt  }
0x6e: {  	_ =	shalt  }
0x6f: {  	_ =	shalt  }
0x70: {  	_ =	shalt  }
0x71: {  	_ =	shalt  }
0x72: {  	_ =	shalt  }
0x73: {  	_ =	shalt  }
0x74: {  	_ =	shalt  }
0x75: {  	_ =	shalt  }
0x76: {  	_ =	shalt  }
0x77: {  	_ =	shalt  }
0x78: {  	_ =	shalt  }
0x79: {  	_ =	shalt  }
0x7a: {  	_ =	shalt  }
0x7b: {  	_ =	shalt  }
0x7c: {  	_ =	shalt  }
0x7d: {  	_ =	shalt  }
0x7e: {  	_ =	shalt  }
0x7f: {  	_ =	shalt  }
0x80: {  	_ =	shalt  }
0x81: {  	_ =	shalt  }
0x82: {  	_ =	shalt  }
0x83: {  	_ =	shalt  }
0x84: {  	_ =	shalt  }
0x85: {  	_ =	shalt  }
0x86: {  	_ =	shalt  }
0x87: {  	_ =	shalt  }
.Lfunc_end0:
.L_simem_size_0:
called_computation.1_lowered:
.L_overlay_start_0:
0x88: {  	s2 =	sld [smem:$0x3FD9]  }
0x89: {  	s3 =	sld [smem:$0x3FFE];
	_ =	sdelay $0x1  }
0x8a: {  	s1 =	srdreg.scid  }
0x8b: {  	s0 =	sand.u32 $0x1, s1  }
0x8c: {  	s16 =	sshll.u32 s0, $0xA;
	s2 =	sadd.s32 s3, s2  }
0x8d: {  	s2 =	sadd.s32 s2, s16  }
0x8e: {  	[smem:$0x3FBD] =	sst s2  }
0x8f: {  	_ = 	snop  }
0x90: {  	(tm) =	ssettm $0x1  }
0x91: {  	s17 =	sld [smem:$0x3FFB];
	_ =	sdelay $0x3  }
0x92: {  	_ =	strace s17  }
0x93: {  	s2 =	sld [smem:$0x3FFC];
	_ =	sdelay $0x3  }
0x94: {  	_ =	strace s2  }
0x95: {  	s2 =	sld [smem:$0x3FFD];
	_ =	sdelay $0x3  }
0x96: {  	_ =	strace s2  }
0x97: {  	_ =	strace $0x8FFFFFFF  }
0x98: {  	s18 =	sld [smem:$0x3FDB];
	_ =	sdelay $0x1  }
0x99: {  	s19 =	simm.s32 $_scs_section_size  }
0x9a: {  	s4 =	simm.s32 $_size__tile_overlayer_lowered;
	s5 =	simm.s32 $_tile_overlayer_lowered  }
0x9b: {  	s22 =	simm.s32 $0x1BFF;
	s21 =	sshll.u32 s5, $0x1;
	s2 =	sadd.s32 s19, s18  }
0x9c: {  	s6 =	simm.s32 $0x0;
	s20 =	sshll.u32 s4, $0x1;
	s4 =	sadd.s32 s21, s2  }
0x9d: {  	[timem:s6], [sflag:s22] =	dma.local [hbm:s4], s20  }
0x9e: {  	_ =	swait.ge [sflag:s22], s20  }
0x9f: {  	s3 =	ssub.s32 $0x0, s20;
	[sflag:s22] =	ssyncset.done $0x0  }
0xa0: {  	[sflag:s22] =	ssyncadd.s32 s3;
	_ =	sdelay $0x1  }
0xa1: {  	s23 =	simm.s32 $0x1B8B  }
0xa2: {  	_ =	swait.ge [sflag:s23], $0x1  }
0xa3: {  	[sflag:s23] =	ssyncset.done $0x0  }
0xa4: {  	s25 =	simm.s32 $0x1B8E;
	s24 =	sld [smem:$0x3FFE];
	[sflag:s23] =	ssyncadd.s32 $0xFFFFFFFF  }
0xa5: {  	s26 =	simm.s32 $execute0_lowered;
	[smem:$0x3FD2] =	sst s25  }
0xa6: {  	s4 =	sshll.u32 s26, $0x1;
	_ =	strace $0x80000049;
	[dreg:$0x1] =	wrdreg $0xFFFFFFFF  }
0xa7: {  	s28 =	simm.s32 $_size_execute0_lowered;
	s2 =	sadd.s32 s2, s4;
	[dreg:$0x0] =	wrdreg $0x0  }
0xa8: {  	s4 =	sshll.u32 s28, $0x1;
	[dreg:$0x2] =	wrdreg s2  }
0xa9: {  	[dreg:$0x3] =	wrdreg s4  }
0xaa: {  	[dreg:$0x4] =	wrdreg $0xC0  }
0xab: {  	_ =	task [dreg:s6], $0x5FFFF  }
0xac: {  	[dreg:$0x1] =	wrdreg $0xFFFFFFFF  }
0xad: {  	[dreg:$0x0] =	wrdreg $0x60  }
0xae: {  	[dreg:$0x2] =	wrdreg s24  }
0xaf: {  	[dreg:$0x3] =	wrdreg $0x141400  }
0xb0: {  	[dreg:$0x4] =	wrdreg $0x9  }
0xb1: {  	_ =	task.clear_ibuf [dreg:s6], $0x5FFFF;
	_ =	strace $0x90000049  }
0xb2: {  	s29 =	simm.s32 $0x9;
	_ =	strace $0x8000004B  }
0xb3: {  	_ =	swait.ge [sflag:s29], $0x1  }
0xb4: {  	[sflag:s29] =	ssyncadd.s32 $0xFFFFFFFF  }
0xb5: {  	_ =	strace $0x9000004B  }
0xb6: {  	_ =	sfence  }
0xb7: {  	s30 =	sld [smem:$0x0];
	_ =	sdelay $0x2  }
0xb8: {  	s31 =	sshll.u32 s1, $0xD;
	s1 =	sshrl.u32 s1, $0x2  }
0xb9: {  	s3 =	sand.u32 $0x4000, s31;
	s1 =	sadd.s32 s1, s30  }
0xba: {  	s0 =	sor.u32 s3, s0;
	s1 =	sshll.u32 s1, $0x11  }
0xbb: {  	s0 =	sor.u32 s1, s0  }
0xbc: {  	s0 =	sadd.s32 $0x8F2B, s0  }
0xbd: {  	[sflag:s0] =	ssyncadd.remote.s32 $0x1  }
0xbe: {  	_ =	sfence.sel $0xFFFF  }
0xbf: {  	[dreg:$0x0] =	wrdreg $0xFFFFFFFF;
	(pc) =	sbr.abs _section_cstart, $3  }
0xc0: {  	[dreg:$0x1] =	wrdreg $0xFFFFFFFF  }
0xc1: {  	_ =	task.clear_ibuf [dreg:s6], $0x2FFFF;
	_ =	strace $0x9FFFFFFF  }
0xc2: {  	(tm) =	ssettm $0x7FFFFFFF  }
0xc3: {  	_ =	shalt  }
tec
execute0_lowered:
.L_overlay_start_1:
0x0: {  	(tag) =	ssettag $0x1  }
0x1: {  	s0 =	rddreg [dreg:$0x0]  }
0x2: {  	s1 =	rddreg [dreg:$0x1];
	s2 =	simm.s32 $0x0  }
0x3: {  	s7 =	srdreg.scid;
	s8 =	stileid.u32;
	s17 =	simm.s32 $0x7  }
0x4: {  	s18 =	simm.s32 $0x8D40;
	s20 =	simm.s32 $0x2760;
	s21 =	simm.s32 $0x50  }
0x5: {  	s28 =	simm.s32 $0x3;
	s29 =	simm.s32 $0x4;
	s3 =	sadd.s32 $0x1823200, s0  }
0x6: {  	s30 =	simm.s32 $0x5;
	s4 =	sadd.s32 $0x1AF3200, s0;
	s5 =	sadd.s32 $0x310C00, s0  }
0x7: {  	[smem:$0x7FF] =	sst s2;
	s6 =	sadd.s32 $0x3800, s0;
	s22 =	sadd.s32 $0x165E00, s0  }
0x8: {  	s31 =	simm.s32 $0x6;
	s23 =	sadd.s32 $0x167200, s0;
	s24 =	sadd.s32 $0x167600, s0  }
0x9: {  	s11 =	sadd.s32 $0x2903200, s0;
	_ =	strace $0x8000004A;
	[dreg:$0x3] =	wrdreg s22  }
0xa: {  	s25 =	sand.u32 $0x1, s7;
	s9 =	sshll.u32 s8, $0x1;
	[dreg:$0x4] =	wrdreg s23  }
0xb: {  	s10 =	smul.u32 $0xA000, s8;
	s2 =	simm.s32 $0x0;
	[dreg:$0x5] =	wrdreg s24  }
0xc: {  	s7 =	ssub.s32 $0x2, s25;
	s9 =	sor.u32 s25, s9;
	s0 =	smul.u32 $0xA0000, s25  }
0xd: {  	s22 =	simm.s32 $0x4EC0;
	s23 =	simm.s32 $0x62C0;
	s12 =	sshrl.u32 s7, $0x1  }
0xe: {  	s24 =	simm.s32 $0x76C0;
	s25 =	simm.s32 $0x1;
	s7 =	ssub.s32 s7, s12  }
0xf: {  	s13 =	sadd.s32 s10, s1;
	s12 =	smul.u32 $0x2760, s9;
	s26 =	smax.u32 s7, $0x1  }
0x10: {  	s14 =	sadd.s32 s0, s10;
	[dreg:$0x6] =	wrdreg s26;
	s26 =	simm.s32 $0x2  }
.LBB2_1:
0x11: {  	[dreg:$0x7] =	wrdreg s2  }
0x12: {  	s0 =	simm.s32 $0x0;
	s10 =	rddreg [dreg:$0x5];
	s7 =	simm.s32 $0x8AC0  }
0x13: {  	[tilespmem:s7], [sflag:$0x7] =	stream.linear.gather [hbm4b:s10+s0], $0x280, $0x38;
	[tilespmem:$0x1E140] =	vst v63  }
0x14: {  	_ =	swait.ge [sflag:s17], $0x280  }
0x15: {  	[sflag:s17] =	ssyncset.done $0x0  }
0x16: {  	s15 =	rddreg [dreg:$0x3];
	[sflag:s17] =	ssyncadd.s32 $0xFFFFFD80  }
0x17: {  	[tilespmem:s18], [sflag:$0x7] =	stream.linear.gather [hbm4b:s15+s0], $0xA000, $0x38;
	[tilespmem:$0x1E140] =	vst v63  }
0x18: {  	_ =	swait.ge [sflag:s17], $0xA000  }
0x19: {  	[sflag:s17] =	ssyncset.done $0x0  }
0x1a: {  	s19 =	simm.s32 $0x12D40;
	s16 =	rddreg [dreg:$0x4];
	[sflag:s17] =	ssyncadd.s32 $0xFFFF6000  }
0x1b: {  	[tilespmem:s19], [sflag:$0x7] =	stream.linear.gather [hbm4b:s16+s0], $0x1400, $0x38;
	[tilespmem:$0x1E140] =	vst v63  }
0x1c: {  	_ =	swait.ge [sflag:s17], $0x1400  }
0x1d: {  	[sflag:s17] =	ssyncset.done $0x0  }
0x1e: {  	s16 =	simm.s32 $0x0;
	[sflag:s17] =	ssyncadd.s32 $0xFFFFEC00  }
.LBB2_2:
0x1f: {  	s7 =	smul.u32 $0x4EC00, s16;
	_ =	sdelay $0x1  }
0x20: {  	s7 =	sadd.s32 s12, s7  }
0x21: {  	s7 =	sshrl.u32 s7, $0x3  }
0x22: {  	s10 =	simm.s32 $0x0;
	s9 =	sadd.s32 s5, s7  }
0x23: {  	[tilespmem:s10], [sflag:$0x7] =	stream.linear.gather [hbm4b:s9+s10], $0x2760, $0x38;
	[tilespmem:$0x1E140] =	vst v63  }
0x24: {  	_ =	swait.ge [sflag:s17], $0x2760  }
0x25: {  	[sflag:s17] =	ssyncset.done $0x0  }
0x26: {  	s7 =	sadd.s32 s6, s7;
	[sflag:s17] =	ssyncadd.s32 $0xFFFFD8A0  }
0x27: {  	[tilespmem:s20], [sflag:$0x7] =	stream.linear.gather [hbm4b:s7+s10], $0x2760, $0x38;
	[tilespmem:$0x1E140] =	vst v63  }
0x28: {  	_ =	swait.ge [sflag:s17], $0x2760  }
0x29: {  	[sflag:s17] =	ssyncset.done $0x0  }
0x2a: {  	[sflag:s17] =	ssyncadd.s32 $0xFFFFD8A0  }
0x2b: {  	[spmem:s13] =	stream.linear.scatter [tilespmem:s18], [sflag:$0x7], $0xA000, $0x38;
	[tilespmem:$0x1E140] =	vst v63  }
0x2c: {  	_ =	swait.ge [sflag:s17], $0xA000  }
0x2d: {  	[sflag:s17] =	ssyncset.done $0x0  }
0x2e: {  	[sflag:s17] =	ssyncadd.s32 $0xFFFF6000  }
0x2f: {  	s0 =	simm.s32 $0x0;
	[bflag:$0x0] =	sbarrier.arrive $0xFFFF  }
0x30: {  	[tilespmem:s22], [sflag:$0x1] =	stream.indirect.gather [hbm4b:s3+s21], $0x40, s0, s21, $0xb8;
	[tilespmem:$0x1E140] =	vst v63  }
0x31: {  	s2 =	simm.s32 $0x50  }
0x32: {  	[tilespmem:s23], [sflag:$0x2] =	stream.indirect.gather [hbm4b:s3+s21], $0x40, s2, s21, $0xb8;
	[tilespmem:$0x1E140] =	vst v63  }
0x33: {  	s9 =	simm.s32 $0xA0  }
0x34: {  	[tilespmem:s24], [sflag:$0x3] =	stream.indirect.gather [hbm4b:s3+s21], $0x40, s9, s21, $0xb8;
	[tilespmem:$0x1E140] =	vst v63  }
0x35: {  	_ =	swait.ge [sflag:s25], $0x1400  }
0x36: {  	[sflag:s25] =	ssyncset.done $0x0  }
0x37: {  	s10 =	simm.s32 $0x2760;
	[sflag:s25] =	ssyncadd.s32 $0xFFFFEC00  }
0x38: {  	[spmem:s1] =	stream.indirect.scatter.add.f32 [tilespmem:s22], [sflag:$0x4], $0x40, s10, s21, $0xb8;
	[tilespmem:$0x1E140] =	vst v63  }
0x39: {  	_ =	swait.ge [sflag:s26], $0x1400  }
0x3a: {  	[sflag:s26] =	ssyncset.done $0x0  }
0x3b: {  	s15 =	simm.s32 $0x27B0;
	[sflag:s26] =	ssyncadd.s32 $0xFFFFEC00  }
0x3c: {  	[spmem:s1] =	stream.indirect.scatter.add.f32 [tilespmem:s23], [sflag:$0x5], $0x40, s15, s21, $0xb8;
	[tilespmem:$0x1E140] =	vst v63  }
0x3d: {  	_ =	swait.ge [sflag:s28], $0x1400  }
0x3e: {  	[sflag:s28] =	ssyncset.done $0x0  }
0x3f: {  	s19 =	simm.s32 $0x2800;
	[sflag:s28] =	ssyncadd.s32 $0xFFFFEC00  }
0x40: {  	[spmem:s1] =	stream.indirect.scatter.add.f32 [tilespmem:s24], [sflag:$0x6], $0x40, s19, s21, $0xb8;
	[tilespmem:$0x1E140] =	vst v63  }
0x41: {  	_ =	swait.ge [sflag:s29], $0x1400  }
0x42: {  	[sflag:s29] =	ssyncset.done $0x0  }
0x43: {  	[sflag:s29] =	ssyncadd.s32 $0xFFFFEC00  }
0x44: {  	_ =	swait.ge [sflag:s30], $0x1400  }
0x45: {  	[sflag:s30] =	ssyncset.done $0x0  }
0x46: {  	[sflag:s30] =	ssyncadd.s32 $0xFFFFEC00  }
0x47: {  	_ =	swait.ge [sflag:s31], $0x1400  }
0x48: {  	s7 =	simm.s32 $0x3C0;
	s9 =	simm.s32 $0x780;
	[sflag:s31] =	ssyncset.done $0x0  }
.LBB2_3:
0x49: {  	s10 =	sshra.s32 s7, $0x2  }
0x4a: {  	[sflag:s31] =	ssyncadd.s32 $0xFFFFEC00;
	s7 =	smov.u32 s9;
	s15 =	sadd.s32 $0x3C0, s9  }
0x4b: {  	[tilespmem:s22], [sflag:$0x1] =	stream.indirect.gather [hbm4b:s3+s21], $0x40, s10, s21, $0xb8;
	[tilespmem:$0x1E140] =	vst v63  }
0x4c: {  	p0 =	sne.s32 s9, $0x99C0;
	s9 =	sadd.s32 $0x50, s10  }
0x4d: {  	[tilespmem:s23], [sflag:$0x2] =	stream.indirect.gather [hbm4b:s3+s21], $0x40, s9, s21, $0xb8;
	[tilespmem:$0x1E140] =	vst v63  }
0x4e: {  	s9 =	sadd.s32 $0xA0, s10  }
0x4f: {  	[tilespmem:s24], [sflag:$0x3] =	stream.indirect.gather [hbm4b:s3+s21], $0x40, s9, s21, $0xb8;
	[tilespmem:$0x1E140] =	vst v63  }
0x50: {  	_ =	swait.ge [sflag:s25], $0x1400  }
0x51: {  	[sflag:s25] =	ssyncset.done $0x0  }
0x52: {  	s9 =	sadd.s32 $0x2760, s10;
	[sflag:s25] =	ssyncadd.s32 $0xFFFFEC00  }
0x53: {  	[spmem:s1] =	stream.indirect.scatter.add.f32 [tilespmem:s22], [sflag:$0x4], $0x40, s9, s21, $0xb8;
	[tilespmem:$0x1E140] =	vst v63  }
0x54: {  	_ =	swait.ge [sflag:s26], $0x1400  }
0x55: {  	[sflag:s26] =	ssyncset.done $0x0  }
0x56: {  	s9 =	sadd.s32 $0x27B0, s10;
	[sflag:s26] =	ssyncadd.s32 $0xFFFFEC00  }
0x57: {  	[spmem:s1] =	stream.indirect.scatter.add.f32 [tilespmem:s23], [sflag:$0x5], $0x40, s9, s21, $0xb8;
	[tilespmem:$0x1E140] =	vst v63  }
0x58: {  	_ =	swait.ge [sflag:s28], $0x1400  }
0x59: {  	[sflag:s28] =	ssyncset.done $0x0  }
0x5a: {  	s9 =	sadd.s32 $0x2800, s10;
	[sflag:s28] =	ssyncadd.s32 $0xFFFFEC00  }
0x5b: {  	[spmem:s1] =	stream.indirect.scatter.add.f32 [tilespmem:s24], [sflag:$0x6], $0x40, s9, s21, $0xb8;
	[tilespmem:$0x1E140] =	vst v63  }
0x5c: {  	_ =	swait.ge [sflag:s29], $0x1400  }
0x5d: {  	[sflag:s29] =	ssyncset.done $0x0  }
0x5e: {  	[sflag:s29] =	ssyncadd.s32 $0xFFFFEC00  }
.Ltmp0:
0x5f: {  	_ =	swait.ge [sflag:s30], $0x1400;
	(pc) =	sbr.rel @p0 .LBB2_3-.Ltmp0, $4  }
0x60: {  	[sflag:s30] =	ssyncset.done $0x0  }
0x61: {  	[sflag:s30] =	ssyncadd.s32 $0xFFFFEC00  }
0x62: {  	_ =	swait.ge [sflag:s31], $0x1400  }
0x63: {  	s9 =	smov.u32 s15;
	[sflag:s31] =	ssyncset.done $0x0  }
0x64: {  	s7 =	sshra.s32 s7, $0x2;
	[sflag:s31] =	ssyncadd.s32 $0xFFFFEC00  }
0x65: {  	[tilespmem:s22], [sflag:$0x1] =	stream.indirect.gather [hbm4b:s3+s21], $0x40, s7, s21, $0xb8;
	[tilespmem:$0x1E140] =	vst v63  }
0x66: {  	s9 =	sadd.s32 $0x50, s7  }
0x67: {  	[tilespmem:s23], [sflag:$0x2] =	stream.indirect.gather [hbm4b:s3+s21], $0x40, s9, s21, $0xb8;
	[tilespmem:$0x1E140] =	vst v63  }
0x68: {  	s2 =	sadd.s32 $0xA0, s7  }
0x69: {  	[tilespmem:s24], [sflag:$0x3] =	stream.indirect.gather [hbm4b:s3+s21], $0x40, s2, s21, $0xb8;
	[tilespmem:$0x1E140] =	vst v63  }
0x6a: {  	_ =	swait.ge [sflag:s25], $0x1400  }
0x6b: {  	[sflag:s25] =	ssyncset.done $0x0  }
0x6c: {  	s10 =	sadd.s32 $0x2760, s7;
	[sflag:s25] =	ssyncadd.s32 $0xFFFFEC00  }
0x6d: {  	[spmem:s1] =	stream.indirect.scatter.add.f32 [tilespmem:s22], [sflag:$0x4], $0x40, s10, s21, $0xb8;
	[tilespmem:$0x1E140] =	vst v63  }
0x6e: {  	_ =	swait.ge [sflag:s26], $0x1400  }
0x6f: {  	[sflag:s26] =	ssyncset.done $0x0  }
0x70: {  	s15 =	sadd.s32 $0x27B0, s7;
	[sflag:s26] =	ssyncadd.s32 $0xFFFFEC00  }
0x71: {  	[spmem:s1] =	stream.indirect.scatter.add.f32 [tilespmem:s23], [sflag:$0x5], $0x40, s15, s21, $0xb8;
	[tilespmem:$0x1E140] =	vst v63  }
0x72: {  	_ =	swait.ge [sflag:s28], $0x1400  }
0x73: {  	[sflag:s28] =	ssyncset.done $0x0  }
0x74: {  	s7 =	sadd.s32 $0x2800, s7;
	[sflag:s28] =	ssyncadd.s32 $0xFFFFEC00  }
0x75: {  	[spmem:s1] =	stream.indirect.scatter.add.f32 [tilespmem:s24], [sflag:$0x6], $0x40, s7, s21, $0xb8;
	[tilespmem:$0x1E140] =	vst v63  }
0x76: {  	_ =	swait.ge [sflag:s29], $0x1400  }
0x77: {  	[sflag:s29] =	ssyncset.done $0x0  }
0x78: {  	[sflag:s29] =	ssyncadd.s32 $0xFFFFEC00  }
0x79: {  	_ =	swait.ge [sflag:s30], $0x1400  }
0x7a: {  	[sflag:s30] =	ssyncset.done $0x0  }
0x7b: {  	s19 =	smul.u32 $0x140000, s16;
	[sflag:s30] =	ssyncadd.s32 $0xFFFFEC00  }
0x7c: {  	_ =	swait.ge [sflag:s31], $0x1400  }
0x7d: {  	s0 =	sshll.u32 s8, $0x6;
	s7 =	sadd.s32 s19, s14;
	[sflag:s31] =	ssyncset.done $0x0  }
0x7e: {  	s9 =	sshrl.u32 s13, $0x3;
	s7 =	sshrl.u32 s7, $0x3;
	[sflag:s31] =	ssyncadd.s32 $0xFFFFEC00  }
0x7f: {  	s19 =	sor.u32 $0x1C07, s0;
	s7 =	sadd.s32 s11, s7;
	[bflag:$0x0] =	sbarrier.arrive $0xFFFF  }
0x80: {  	[hbm:s7], [sflag:s19] =	dma.local [spmem:s9], $0x1400  }
0x81: {  	_ =	swait.ge [sflag:s17], $0x1400  }
0x82: {  	[sflag:s17] =	ssyncset.done $0x0  }
0x83: {  	[sflag:s17] =	ssyncadd.s32 $0xFFFFEC00  }
0x84: {  	[bflag:$0x0] =	sbarrier.arrive $0xFFFF  }
0x85: {  	[spmem:s13] =	stream.linear.scatter [tilespmem:s18], [sflag:$0x7], $0xA000, $0x38;
	[tilespmem:$0x1E140] =	vst v63  }
0x86: {  	_ =	swait.ge [sflag:s17], $0xA000  }
0x87: {  	[sflag:s17] =	ssyncset.done $0x0  }
0x88: {  	[sflag:s17] =	ssyncadd.s32 $0xFFFF6000  }
0x89: {  	s10 =	simm.s32 $0x0;
	[bflag:$0x0] =	sbarrier.arrive $0xFFFF  }
0x8a: {  	[tilespmem:s22], [sflag:$0x1] =	stream.indirect.gather [hbm4b:s4+s21], $0x40, s10, s21, $0xb8;
	[tilespmem:$0x1E140] =	vst v63  }
0x8b: {  	s2 =	simm.s32 $0x50  }
0x8c: {  	[tilespmem:s23], [sflag:$0x2] =	stream.indirect.gather [hbm4b:s4+s21], $0x40, s2, s21, $0xb8;
	[tilespmem:$0x1E140] =	vst v63  }
0x8d: {  	s15 =	simm.s32 $0xA0  }
0x8e: {  	[tilespmem:s24], [sflag:$0x3] =	stream.indirect.gather [hbm4b:s4+s21], $0x40, s15, s21, $0xb8;
	[tilespmem:$0x1E140] =	vst v63  }
0x8f: {  	_ =	swait.ge [sflag:s25], $0x1400  }
0x90: {  	[sflag:s25] =	ssyncset.done $0x0  }
0x91: {  	s0 =	simm.s32 $0x2760;
	[sflag:s25] =	ssyncadd.s32 $0xFFFFEC00  }
0x92: {  	[spmem:s1] =	stream.indirect.scatter.add.f32 [tilespmem:s22], [sflag:$0x4], $0x40, s0, s21, $0xb8;
	[tilespmem:$0x1E140] =	vst v63  }
0x93: {  	_ =	swait.ge [sflag:s26], $0x1400  }
0x94: {  	[sflag:s26] =	ssyncset.done $0x0  }
0x95: {  	s2 =	simm.s32 $0x27B0;
	[sflag:s26] =	ssyncadd.s32 $0xFFFFEC00  }
0x96: {  	[spmem:s1] =	stream.indirect.scatter.add.f32 [tilespmem:s23], [sflag:$0x5], $0x40, s2, s21, $0xb8;
	[tilespmem:$0x1E140] =	vst v63  }
0x97: {  	_ =	swait.ge [sflag:s28], $0x1400  }
0x98: {  	[sflag:s28] =	ssyncset.done $0x0  }
0x99: {  	s15 =	simm.s32 $0x2800;
	[sflag:s28] =	ssyncadd.s32 $0xFFFFEC00  }
0x9a: {  	[spmem:s1] =	stream.indirect.scatter.add.f32 [tilespmem:s24], [sflag:$0x6], $0x40, s15, s21, $0xb8;
	[tilespmem:$0x1E140] =	vst v63  }
0x9b: {  	_ =	swait.ge [sflag:s29], $0x1400  }
0x9c: {  	[sflag:s29] =	ssyncset.done $0x0  }
0x9d: {  	[sflag:s29] =	ssyncadd.s32 $0xFFFFEC00  }
0x9e: {  	_ =	swait.ge [sflag:s30], $0x1400  }
0x9f: {  	[sflag:s30] =	ssyncset.done $0x0  }
0xa0: {  	[sflag:s30] =	ssyncadd.s32 $0xFFFFEC00  }
0xa1: {  	_ =	swait.ge [sflag:s31], $0x1400  }
0xa2: {  	s10 =	simm.s32 $0x3C0;
	s15 =	simm.s32 $0x780;
	[sflag:s31] =	ssyncset.done $0x0  }
.LBB2_5:
0xa3: {  	s2 =	sshra.s32 s10, $0x2  }
0xa4: {  	[sflag:s31] =	ssyncadd.s32 $0xFFFFEC00;
	s10 =	smov.u32 s15;
	s0 =	sadd.s32 $0x3C0, s15  }
0xa5: {  	[tilespmem:s22], [sflag:$0x1] =	stream.indirect.gather [hbm4b:s4+s21], $0x40, s2, s21, $0xb8;
	[tilespmem:$0x1E140] =	vst v63  }
0xa6: {  	p0 =	sne.s32 s15, $0x99C0;
	s15 =	sadd.s32 $0x50, s2  }
0xa7: {  	[tilespmem:s23], [sflag:$0x2] =	stream.indirect.gather [hbm4b:s4+s21], $0x40, s15, s21, $0xb8;
	[tilespmem:$0x1E140] =	vst v63  }
0xa8: {  	s15 =	sadd.s32 $0xA0, s2  }
0xa9: {  	[tilespmem:s24], [sflag:$0x3] =	stream.indirect.gather [hbm4b:s4+s21], $0x40, s15, s21, $0xb8;
	[tilespmem:$0x1E140] =	vst v63  }
0xaa: {  	_ =	swait.ge [sflag:s25], $0x1400  }
0xab: {  	[sflag:s25] =	ssyncset.done $0x0  }
0xac: {  	s15 =	sadd.s32 $0x2760, s2;
	[sflag:s25] =	ssyncadd.s32 $0xFFFFEC00  }
0xad: {  	[spmem:s1] =	stream.indirect.scatter.add.f32 [tilespmem:s22], [sflag:$0x4], $0x40, s15, s21, $0xb8;
	[tilespmem:$0x1E140] =	vst v63  }
0xae: {  	_ =	swait.ge [sflag:s26], $0x1400  }
0xaf: {  	[sflag:s26] =	ssyncset.done $0x0  }
0xb0: {  	s15 =	sadd.s32 $0x27B0, s2;
	[sflag:s26] =	ssyncadd.s32 $0xFFFFEC00  }
0xb1: {  	[spmem:s1] =	stream.indirect.scatter.add.f32 [tilespmem:s23], [sflag:$0x5], $0x40, s15, s21, $0xb8;
	[tilespmem:$0x1E140] =	vst v63  }
0xb2: {  	_ =	swait.ge [sflag:s28], $0x1400  }
0xb3: {  	[sflag:s28] =	ssyncset.done $0x0  }
0xb4: {  	s2 =	sadd.s32 $0x2800, s2;
	[sflag:s28] =	ssyncadd.s32 $0xFFFFEC00  }
0xb5: {  	[spmem:s1] =	stream.indirect.scatter.add.f32 [tilespmem:s24], [sflag:$0x6], $0x40, s2, s21, $0xb8;
	[tilespmem:$0x1E140] =	vst v63  }
0xb6: {  	_ =	swait.ge [sflag:s29], $0x1400  }
0xb7: {  	[sflag:s29] =	ssyncset.done $0x0  }
0xb8: {  	[sflag:s29] =	ssyncadd.s32 $0xFFFFEC00  }
.Ltmp1:
0xb9: {  	_ =	swait.ge [sflag:s30], $0x1400;
	(pc) =	sbr.rel @p0 .LBB2_5-.Ltmp1, $4  }
0xba: {  	[sflag:s30] =	ssyncset.done $0x0  }
0xbb: {  	[sflag:s30] =	ssyncadd.s32 $0xFFFFEC00  }
0xbc: {  	_ =	swait.ge [sflag:s31], $0x1400  }
0xbd: {  	s15 =	smov.u32 s0;
	[sflag:s31] =	ssyncset.done $0x0  }
0xbe: {  	s0 =	sshra.s32 s10, $0x2;
	[sflag:s31] =	ssyncadd.s32 $0xFFFFEC00  }
0xbf: {  	[tilespmem:s22], [sflag:$0x1] =	stream.indirect.gather [hbm4b:s4+s21], $0x40, s0, s21, $0xb8;
	[tilespmem:$0x1E140] =	vst v63  }
0xc0: {  	s2 =	sadd.s32 $0x50, s0  }
0xc1: {  	[tilespmem:s23], [sflag:$0x2] =	stream.indirect.gather [hbm4b:s4+s21], $0x40, s2, s21, $0xb8;
	[tilespmem:$0x1E140] =	vst v63  }
0xc2: {  	s10 =	sadd.s32 $0xA0, s0  }
0xc3: {  	[tilespmem:s24], [sflag:$0x3] =	stream.indirect.gather [hbm4b:s4+s21], $0x40, s10, s21, $0xb8;
	[tilespmem:$0x1E140] =	vst v63  }
0xc4: {  	_ =	swait.ge [sflag:s25], $0x1400  }
0xc5: {  	[sflag:s25] =	ssyncset.done $0x0  }
0xc6: {  	s15 =	sadd.s32 $0x2760, s0;
	[sflag:s25] =	ssyncadd.s32 $0xFFFFEC00  }
0xc7: {  	[spmem:s1] =	stream.indirect.scatter.add.f32 [tilespmem:s22], [sflag:$0x4], $0x40, s15, s21, $0xb8;
	[tilespmem:$0x1E140] =	vst v63  }
0xc8: {  	_ =	swait.ge [sflag:s26], $0x1400  }
0xc9: {  	[sflag:s26] =	ssyncset.done $0x0  }
0xca: {  	s10 =	sadd.s32 $0x27B0, s0;
	[sflag:s26] =	ssyncadd.s32 $0xFFFFEC00  }
0xcb: {  	[spmem:s1] =	stream.indirect.scatter.add.f32 [tilespmem:s23], [sflag:$0x5], $0x40, s10, s21, $0xb8;
	[tilespmem:$0x1E140] =	vst v63  }
0xcc: {  	_ =	swait.ge [sflag:s28], $0x1400  }
0xcd: {  	[sflag:s28] =	ssyncset.done $0x0  }
0xce: {  	s0 =	sadd.s32 $0x2800, s0;
	[sflag:s28] =	ssyncadd.s32 $0xFFFFEC00  }
0xcf: {  	[spmem:s1] =	stream.indirect.scatter.add.f32 [tilespmem:s24], [sflag:$0x6], $0x40, s0, s21, $0xb8;
	[tilespmem:$0x1E140] =	vst v63  }
0xd0: {  	_ =	swait.ge [sflag:s29], $0x1400  }
0xd1: {  	[sflag:s29] =	ssyncset.done $0x0  }
0xd2: {  	[sflag:s29] =	ssyncadd.s32 $0xFFFFEC00  }
0xd3: {  	_ =	swait.ge [sflag:s30], $0x1400  }
0xd4: {  	[sflag:s30] =	ssyncset.done $0x0  }
0xd5: {  	[sflag:s30] =	ssyncadd.s32 $0xFFFFEC00  }
0xd6: {  	_ =	swait.ge [sflag:s31], $0x1400  }
0xd7: {  	[sflag:s31] =	ssyncset.done $0x0  }
0xd8: {  	s16 =	sadd.s32 $0x1, s16;
	[sflag:s31] =	ssyncadd.s32 $0xFFFFEC00  }
0xd9: {  	p0 =	sne.s32 s16, $0x24;
	s15 =	sadd.s32 $0x5A0000, s7;
	[bflag:$0x0] =	sbarrier.arrive $0xFFFF  }
0xda: {  	[hbm:s15], [sflag:s19] =	dma.local [spmem:s9], $0x1400  }
.Ltmp2:
0xdb: {  	_ =	swait.ge [sflag:s17], $0x1400;
	(pc) =	sbr.rel @p0 .LBB2_2-.Ltmp2, $3  }
0xdc: {  	[sflag:s17] =	ssyncset.done $0x0  }
0xdd: {  	[sflag:s17] =	ssyncadd.s32 $0xFFFFEC00  }
0xde: {  	[bflag:$0x0] =	sbarrier.arrive $0xFFFF;
	_ =	sdelay $0x1  }
0xdf: {  	s2 =	rddreg [dreg:$0x7]  }
0xe0: {  	s0 =	rddreg [dreg:$0x6];
	s2 =	sadd.s32 $0x1, s2  }
0xe1: {  	p0 =	sne.s32 s2, s0  }
.Ltmp3:
0xe2: {  	_ = 	snop;
	(pc) =	sbr.rel @p0 .LBB2_1-.Ltmp3, $1  }
0xe3: {  	_ =	sdelay $0x3  }
0xe4: {  	_ =	sfence.sel $0x180000  }
0xe5: {  	[bflag:$0x0] =	sbarrier.arrive $0xFFFF  }
0xe6: {  	_ =	strace $0x9000004A  }
0xe7: {  	[bflag:$0x2] =	sbarrier.arrive $0xFFFF  }
0xe8: {  	p0 =	sne.s32 s8, $0x0;
	s0 =	rddreg [dreg:$0x2]  }
0xe9: {  	s0 =	sadd.s32 @!p0 $0x100000, s0  }
0xea: {  	[sflag:s0] =	ssyncadd.tile.s32 @!p0 $0x1;
	_ =	shalt  }
.Lfunc_end2:
_tile_overlayer_lowered:
.L_overlay_start_2:
0xeb: {  	(tag) =	ssettag $0x2  }
0xec: {  	s0 =	rddreg [dreg:$0x0];
	s2 =	stileid.u32  }
0xed: {  	s1 =	rddreg [dreg:$0x1];
	p0 =	sne.s32 s2, $0x0  }
0xee: {  	s3 =	rddreg [dreg:$0x2];
	[bflag:$0x3] =	sbarrier.arrive $0xFFFF;
	s2 =	simm.s32 @!p0 $0x1C07  }
0xef: {  	[timem:s3], [sflag:s2] =	dma.local @!p0 [hbm:s0], s1  }
0xf0: {  	s0 =	simm.s32 @!p0 $0x7  }
0xf1: {  	_ =	swait.ge @!p0 [sflag:s0], s1  }
0xf2: {  	s1 =	ssub.s32 @!p0 $0x0, s1;
	[sflag:s0] =	ssyncset.done @!p0 $0x0  }
0xf3: {  	[sflag:s0] =	ssyncadd.s32 @!p0 s1  }
0xf4: {  	[bflag:$0x3] =	sbarrier.arrive $0xFFFF  }
0xf5: {  	_ =	shalt  }

// kernel: kernel.7.cloned.1.call-start
scs
__scs_entry_jumppad:
0x0: {  	(pc) =	sbr.rel $0x88, $3  }
0x1: {  	(tag) =	ssettag $0x0;
	lr =	simm.s32 $0x1  }
0x2: {  	[smem:$0x3F96] =	sst lr;
	_ =	strace $0xD0000000  }
0x3: {  	_ = 	snop  }
0x4: {  	_ = 	snop  }
0x5: {  	_ = 	snop  }
0x6: {  	_ = 	snop  }
0x7: {  	_ = 	snop  }
__scs_overlays_trampoline_lowered:
0x8: {  	[smem:$0x3FA5] =	sst s0  }
0x9: {  	[smem:$0x3FA6] =	sst s1  }
0xa: {  	[smem:$0x3FA7] =	sst s2  }
0xb: {  	[smem:$0x3FA8] =	sst s3  }
0xc: {  	[smem:$0x3FA9] =	sst s4  }
0xd: {  	[smem:$0x3FAA] =	sst s5  }
0xe: {  	[smem:$0x3FAB] =	sst s6  }
0xf: {  	[smem:$0x3FAC] =	sst s7  }
0x10: {  	[smem:$0x3FAD] =	sst s8  }
0x11: {  	[smem:$0x3FAE] =	sst s9;
	s0 =	simm.s32 @!p0 $0x0  }
0x12: {  	s1 =	sld [smem:$0x3F94];
	s0 =	simm.s32 @p0 $0x1  }
0x13: {  	[smem:$0x3FAF] =	sst s0;
	s0 =	simm.s32 @!p1 $0x0  }
0x14: {  	s2 =	sld [smem:$0x3F93];
	s0 =	simm.s32 @p1 $0x1  }
0x15: {  	[smem:$0x3FB0] =	sst s0;
	s0 =	simm.s32 @!p2 $0x0  }
0x16: {  	s3 =	sld [smem:$0x3FDB];
	s0 =	simm.s32 @p2 $0x1  }
0x17: {  	s4 =	simm.s32 $0x1BF5;
	[smem:$0x3FB2] =	sst s0  }
0x18: {  	s0 =	sld [smem:$0x3F95];
	_ =	swait.ge [sflag:s4], $0x0  }
0x19: {  	s7 =	sld [smem:$0x3F96]  }
0x1a: {  	s8 =	sadd.s32 $0xFFFFE003, lr  }
0x1b: {  	s9 =	sadd.s32 $0xFFFFFEF7, lr;
	s5 =	simm.s32 $0xFFFFFFFF;
	p2 =	slt.u32 s8, $0xFFFFF086  }
0x1c: {  	p1 =	slt.u32 s9, $0xF7A;
	s5 =	simm.s32 @!p2 $0x0  }
0x1d: {  	s5 =	simm.s32 @p1 $0x1;
	p0 =	seq.s32 s7, s2  }
0x1e: {  	s7 =	smul.u32 @!p0 $0xF7A, s2;
	p2 =	seq.s32 @!p0 s5, $0x0  }
0x1f: {  	s9 =	smul.u32 $0xF7A, s1;
	s8 =	simm.s32 @!p0 $0x1BF5;
	p2 =	por !p2, p0  }
0x20: {  	[sflag:s8] =	ssyncset.s32 @!p0 $0xFFFFF086;
	s6 =	sadd.s32 @!p0 s3, s7;
	s7 =	simm.s32 @!p0 $0x108  }
0x21: {  	s3 =	sadd.s32 s3, s9;
	s6 =	sadd.s32 @!p0 $0x88, s6;
	s7 =	simm.s32 @p2 $0x1082  }
0x22: {  	[simem:s7], [sflag:s8] =	dma.local @!p0 [hbm:s6], $0xF7A  }
0x23: {  	s9 =	sor.u32 $0xD0000000, s2;
	s6 =	simm.s32 $0x108;
	_ =	swait.ge @!p0 [sflag:s8], $0x0  }
0x24: {  	s3 =	sadd.s32 $0x88, s3;
	s6 =	simm.s32 @!p1 $0x1082;
	[sflag:s4] =	ssyncset.s32 $0xFFFFF086  }
0x25: {  	[simem:s6], [sflag:s4] =	dma.local [hbm:s3], $0xF7A  }
0x26: {  	[smem:$0x3F96] =	sst s1;
	(tag) =	ssettag s2;
	_ =	strace s9  }
0x27: {  	s1 =	sld [smem:$0x3FA6]  }
0x28: {  	s2 =	sld [smem:$0x3FA7]  }
0x29: {  	s4 =	sld [smem:$0x3FA9]  }
0x2a: {  	p0 =	seq.s32 s5, $0x0;
	s5 =	sld [smem:$0x3FAA]  }
0x2b: {  	s6 =	sld [smem:$0x3FAB]  }
0x2c: {  	s7 =	sld [smem:$0x3FAC]  }
0x2d: {  	s3 =	simm.s32 $0x108;
	s8 =	sld [smem:$0x3FAD]  }
0x2e: {  	s3 =	simm.s32 @!p0 $0x1082;
	s9 =	sld [smem:$0x3FAE]  }
0x2f: {  	lr =	sadd.s32 s0, s3;
	s0 =	sld [smem:$0x3FA5]  }
0x30: {  	s3 =	sld [smem:$0x3FA8]  }
0x31: {  	[smem:$0x3FB1] =	sst s10  }
0x32: {  	s10 =	sld [smem:$0x3FAF];
	_ =	sdelay $0x3  }
0x33: {  	p0 =	seq.s32 s10, $0x1;
	s10 =	sld [smem:$0x3FB1];
	_ =	sdelay $0x3  }
0x34: {  	[smem:$0x3FB1] =	sst s10  }
0x35: {  	s10 =	sld [smem:$0x3FB0];
	_ =	sdelay $0x3  }
0x36: {  	p1 =	seq.s32 s10, $0x1;
	s10 =	sld [smem:$0x3FB1];
	_ =	sdelay $0x3  }
0x37: {  	[smem:$0x3FB1] =	sst s10  }
0x38: {  	s10 =	sld [smem:$0x3FB2]  }
0x39: {  	_ = 	snop;
	(pc) =	sbr.ind lr, $3  }
0x3a: {  	_ = 	snop  }
0x3b: {  	_ = 	snop  }
0x3c: {  	p2 =	seq.s32 s10, $0x1;
	s10 =	sld [smem:$0x3FB1]  }
0x3d: {  	_ =	shalt  }
0x3e: {  	_ =	shalt  }
0x3f: {  	_ =	shalt  }
0x40: {  	_ =	shalt  }
0x41: {  	_ =	shalt  }
0x42: {  	_ =	shalt  }
0x43: {  	_ =	shalt  }
0x44: {  	_ =	shalt  }
0x45: {  	_ =	shalt  }
0x46: {  	_ =	shalt  }
0x47: {  	_ =	shalt  }
0x48: {  	_ =	shalt  }
0x49: {  	_ =	shalt  }
0x4a: {  	_ =	shalt  }
0x4b: {  	_ =	shalt  }
0x4c: {  	_ =	shalt  }
0x4d: {  	_ =	shalt  }
0x4e: {  	_ =	shalt  }
0x4f: {  	_ =	shalt  }
0x50: {  	_ =	shalt  }
0x51: {  	_ =	shalt  }
0x52: {  	_ =	shalt  }
0x53: {  	_ =	shalt  }
0x54: {  	_ =	shalt  }
0x55: {  	_ =	shalt  }
0x56: {  	_ =	shalt  }
0x57: {  	_ =	shalt  }
0x58: {  	_ =	shalt  }
0x59: {  	_ =	shalt  }
0x5a: {  	_ =	shalt  }
0x5b: {  	_ =	shalt  }
0x5c: {  	_ =	shalt  }
0x5d: {  	_ =	shalt  }
0x5e: {  	_ =	shalt  }
0x5f: {  	_ =	shalt  }
0x60: {  	_ =	shalt  }
0x61: {  	_ =	shalt  }
0x62: {  	_ =	shalt  }
0x63: {  	_ =	shalt  }
0x64: {  	_ =	shalt  }
0x65: {  	_ =	shalt  }
0x66: {  	_ =	shalt  }
0x67: {  	_ =	shalt  }
0x68: {  	_ =	shalt  }
0x69: {  	_ =	shalt  }
0x6a: {  	_ =	shalt  }
0x6b: {  	_ =	shalt  }
0x6c: {  	_ =	shalt  }
0x6d: {  	_ =	shalt  }
0x6e: {  	_ =	shalt  }
0x6f: {  	_ =	shalt  }
0x70: {  	_ =	shalt  }
0x71: {  	_ =	shalt  }
0x72: {  	_ =	shalt  }
0x73: {  	_ =	shalt  }
0x74: {  	_ =	shalt  }
0x75: {  	_ =	shalt  }
0x76: {  	_ =	shalt  }
0x77: {  	_ =	shalt  }
0x78: {  	_ =	shalt  }
0x79: {  	_ =	shalt  }
0x7a: {  	_ =	shalt  }
0x7b: {  	_ =	shalt  }
0x7c: {  	_ =	shalt  }
0x7d: {  	_ =	shalt  }
0x7e: {  	_ =	shalt  }
0x7f: {  	_ =	shalt  }
0x80: {  	_ =	shalt  }
0x81: {  	_ =	shalt  }
0x82: {  	_ =	shalt  }
0x83: {  	_ =	shalt  }
0x84: {  	_ =	shalt  }
0x85: {  	_ =	shalt  }
0x86: {  	_ =	shalt  }
0x87: {  	_ =	shalt  }
.Lfunc_end0:
.L_simem_size_0:
called_computation_lowered:
.L_overlay_start_0:
0x88: {  	s2 =	sld [smem:$0x3FD9]  }
0x89: {  	s3 =	sld [smem:$0x3FFE];
	_ =	sdelay $0x1  }
0x8a: {  	s1 =	srdreg.scid  }
0x8b: {  	s0 =	sand.u32 $0x1, s1  }
0x8c: {  	s16 =	sshll.u32 s0, $0xA;
	s2 =	sadd.s32 s3, s2  }
0x8d: {  	s2 =	sadd.s32 s2, s16  }
0x8e: {  	[smem:$0x3FBD] =	sst s2  }
0x8f: {  	_ = 	snop  }
0x90: {  	(tm) =	ssettm $0x1  }
0x91: {  	s17 =	sld [smem:$0x3FFB];
	_ =	sdelay $0x3  }
0x92: {  	_ =	strace s17  }
0x93: {  	s2 =	sld [smem:$0x3FFC];
	_ =	sdelay $0x3  }
0x94: {  	_ =	strace s2  }
0x95: {  	s2 =	sld [smem:$0x3FFD];
	_ =	sdelay $0x3  }
0x96: {  	_ =	strace s2  }
0x97: {  	_ =	strace $0x8FFFFFFF  }
0x98: {  	s18 =	sld [smem:$0x3FDB];
	_ =	sdelay $0x1  }
0x99: {  	s19 =	simm.s32 $_scs_section_size  }
0x9a: {  	s4 =	simm.s32 $_size__tile_overlayer_lowered;
	s5 =	simm.s32 $_tile_overlayer_lowered  }
0x9b: {  	s22 =	simm.s32 $0x1BFF;
	s21 =	sshll.u32 s5, $0x1;
	s2 =	sadd.s32 s19, s18  }
0x9c: {  	s6 =	simm.s32 $0x0;
	s20 =	sshll.u32 s4, $0x1;
	s4 =	sadd.s32 s21, s2  }
0x9d: {  	[timem:s6], [sflag:s22] =	dma.local [hbm:s4], s20  }
0x9e: {  	_ =	swait.ge [sflag:s22], s20  }
0x9f: {  	s3 =	ssub.s32 $0x0, s20;
	[sflag:s22] =	ssyncset.done $0x0  }
0xa0: {  	[sflag:s22] =	ssyncadd.s32 s3;
	_ =	sdelay $0x1  }
0xa1: {  	s23 =	simm.s32 $0x1B8B  }
0xa2: {  	_ =	swait.ge [sflag:s23], $0x1  }
0xa3: {  	[sflag:s23] =	ssyncset.done $0x0  }
0xa4: {  	s25 =	simm.s32 $0x1B8E;
	s24 =	sld [smem:$0x3FFE];
	[sflag:s23] =	ssyncadd.s32 $0xFFFFFFFF  }
0xa5: {  	s26 =	simm.s32 $execute0_lowered;
	[smem:$0x3FD2] =	sst s25  }
0xa6: {  	s4 =	sshll.u32 s26, $0x1;
	_ =	strace $0x80000046;
	[dreg:$0x1] =	wrdreg $0xFFFFFFFF  }
0xa7: {  	s28 =	simm.s32 $_size_execute0_lowered;
	s2 =	sadd.s32 s2, s4;
	[dreg:$0x0] =	wrdreg $0x0  }
0xa8: {  	s4 =	sshll.u32 s28, $0x1;
	[dreg:$0x2] =	wrdreg s2  }
0xa9: {  	[dreg:$0x3] =	wrdreg s4  }
0xaa: {  	[dreg:$0x4] =	wrdreg $0xC0  }
0xab: {  	_ =	task [dreg:s6], $0x5FFFF  }
0xac: {  	[dreg:$0x1] =	wrdreg $0xFFFFFFFF  }
0xad: {  	[dreg:$0x0] =	wrdreg $0x60  }
0xae: {  	[dreg:$0x2] =	wrdreg s24  }
0xaf: {  	[dreg:$0x3] =	wrdreg $0x141400  }
0xb0: {  	[dreg:$0x4] =	wrdreg $0x1E1400  }
0xb1: {  	[dreg:$0x5] =	wrdreg $0x9  }
0xb2: {  	_ =	task.clear_ibuf [dreg:s6], $0x6FFFF;
	_ =	strace $0x90000046  }
0xb3: {  	s29 =	simm.s32 $0x9;
	_ =	strace $0x80000048  }
0xb4: {  	_ =	swait.ge [sflag:s29], $0x1  }
0xb5: {  	[sflag:s29] =	ssyncadd.s32 $0xFFFFFFFF  }
0xb6: {  	_ =	strace $0x90000048  }
0xb7: {  	_ =	sfence  }
0xb8: {  	s30 =	sld [smem:$0x0];
	_ =	sdelay $0x2  }
0xb9: {  	s31 =	sshll.u32 s1, $0xD;
	s1 =	sshrl.u32 s1, $0x2  }
0xba: {  	s3 =	sand.u32 $0x4000, s31;
	s1 =	sadd.s32 s1, s30  }
0xbb: {  	s0 =	sor.u32 s3, s0;
	s1 =	sshll.u32 s1, $0x11  }
0xbc: {  	s0 =	sor.u32 s1, s0  }
0xbd: {  	s0 =	sadd.s32 $0x8F2B, s0  }
0xbe: {  	[sflag:s0] =	ssyncadd.remote.s32 $0x1  }
0xbf: {  	_ =	sfence.sel $0xFFFF  }
0xc0: {  	[dreg:$0x0] =	wrdreg $0xFFFFFFFF;
	(pc) =	sbr.abs _section_cstart, $3  }
0xc1: {  	[dreg:$0x1] =	wrdreg $0xFFFFFFFF  }
0xc2: {  	_ =	task.clear_ibuf [dreg:s6], $0x2FFFF;
	_ =	strace $0x9FFFFFFF  }
0xc3: {  	(tm) =	ssettm $0x7FFFFFFF  }
tec
execute0_lowered:
.L_overlay_start_1:
0x0: {  	(tag) =	ssettag $0x1  }
0x1: {  	s0 =	rddreg [dreg:$0x0]  }
0x2: {  	s1 =	rddreg [dreg:$0x1]  }
0x3: {  	s2 =	rddreg [dreg:$0x2]  }
0x4: {  	s3 =	simm.s32 $0x0;
	s18 =	srdreg.scid;
	s8 =	stileid.u32  }
0x5: {  	s28 =	simm.s32 $0x62C0;
	s29 =	simm.s32 $0x76C0;
	s30 =	simm.s32 $0x1  }
0x6: {  	s31 =	simm.s32 $0x2;
	s11 =	simm.s32 $0x7;
	s12 =	simm.s32 $0x5  }
0x7: {  	[smem:$0x7FF] =	sst s3;
	s5 =	sadd.s32 $0x473200, s0;
	s3 =	sand.u32 $0x1, s18  }
0x8: {  	s4 =	sshll.u32 s8, $0x1;
	s6 =	sadd.s32 $0xFB3200, s0;
	s7 =	sadd.s32 $0x310C00, s0  }
0x9: {  	s19 =	sadd.s32 $0x165E00, s0;
	_ =	strace $0x80000047;
	[dreg:$0x4] =	wrdreg s7  }
0xa: {  	s20 =	sadd.s32 $0x3800, s0;
	s21 =	sadd.s32 $0x167200, s0;
	[dreg:$0x5] =	wrdreg s19  }
0xb: {  	s22 =	smul.u32 $0xA000, s8;
	s23 =	sadd.s32 $0x167600, s0;
	[dreg:$0x7] =	wrdreg s20  }
0xc: {  	s8 =	smul.u32 $0x1400, s8;
	s9 =	sadd.s32 $0x1283200, s0;
	[dreg:$0x8] =	wrdreg s21  }
0xd: {  	s0 =	sadd.s32 $0x167800, s0;
	s4 =	sor.u32 s3, s4;
	[dreg:$0x9] =	wrdreg s23  }
0xe: {  	s24 =	ssub.s32 $0x2, s3;
	[dreg:$0xa] =	wrdreg s9;
	s10 =	smul.u32 $0xA0000, s3  }
0xf: {  	[dreg:$0xb] =	wrdreg s0;
	s3 =	smul.u32 $0x14000, s3;
	s20 =	simm.s32 $0x8AC0  }
0x10: {  	s21 =	simm.s32 $0xA;
	s19 =	simm.s32 $0x8;
	s9 =	simm.s32 $0x0  }
0x11: {  	s4 =	smul.u32 $0x2760, s4;
	s25 =	sshrl.u32 s24, $0x1;
	s15 =	sadd.s32 s22, s1  }
0x12: {  	s16 =	sadd.s32 s8, s2;
	s26 =	ssub.s32 s24, s25;
	s18 =	sadd.s32 s3, s8  }
0x13: {  	s25 =	simm.s32 $0x50;
	s8 =	simm.s32 $0x4;
	s3 =	simm.s32 $0x9  }
0x14: {  	[dreg:$0x6] =	wrdreg s4;
	s4 =	sadd.s32 s10, s22;
	s0 =	smax.u32 s26, $0x1  }
0x15: {  	s22 =	simm.s32 $0x8D40;
	s26 =	simm.s32 $0x4EC0;
	[dreg:$0xc] =	wrdreg s4  }
0x16: {  	[dreg:$0xd] =	wrdreg s0;
	s0 =	simm.s32 $0x3;
	s4 =	simm.s32 $0x6  }
.LBB2_1:
0x17: {  	[dreg:$0xe] =	wrdreg s9  }
0x18: {  	s7 =	simm.s32 $0x0;
	s17 =	rddreg [dreg:$0x9]  }
0x19: {  	[tilespmem:s20], [sflag:$0xA] =	stream.linear.gather [hbm4b:s17+s7], $0x280, $0x38;
	[tilespmem:$0x1F540] =	vst v63  }
0x1a: {  	_ =	swait.ge [sflag:s21], $0x280  }
0x1b: {  	[sflag:s21] =	ssyncset.done $0x0  }
0x1c: {  	s23 =	rddreg [dreg:$0x5];
	[sflag:s21] =	ssyncadd.s32 $0xFFFFFD80  }
0x1d: {  	[tilespmem:s22], [sflag:$0xA] =	stream.linear.gather [hbm4b:s23+s7], $0xA000, $0x38;
	[tilespmem:$0x1F540] =	vst v63  }
0x1e: {  	_ =	swait.ge [sflag:s21], $0xA000  }
0x1f: {  	[sflag:s21] =	ssyncset.done $0x0  }
0x20: {  	s10 =	simm.s32 $0x12D40;
	s24 =	rddreg [dreg:$0x8];
	[sflag:s21] =	ssyncadd.s32 $0xFFFF6000  }
0x21: {  	[tilespmem:s10], [sflag:$0xA] =	stream.linear.gather [hbm4b:s24+s7], $0x1400, $0x38;
	[tilespmem:$0x1F540] =	vst v63  }
0x22: {  	_ =	swait.ge [sflag:s21], $0x1400  }
0x23: {  	[sflag:s21] =	ssyncset.done $0x0  }
0x24: {  	s24 =	simm.s32 $0x0;
	[sflag:s21] =	ssyncadd.s32 $0xFFFFEC00  }
.LBB2_2:
0x25: {  	s7 =	smul.u32 $0x4EC00, s24  }
0x26: {  	s9 =	rddreg [dreg:$0x6]  }
0x27: {  	s7 =	sadd.s32 s9, s7  }
0x28: {  	s13 =	rddreg [dreg:$0x4];
	s7 =	sshrl.u32 s7, $0x3  }
0x29: {  	s10 =	simm.s32 $0x0;
	s9 =	sadd.s32 s13, s7  }
0x2a: {  	[tilespmem:s10], [sflag:$0xA] =	stream.linear.gather [hbm4b:s9+s10], $0x2760, $0x38;
	[tilespmem:$0x1F540] =	vst v63  }
0x2b: {  	_ =	swait.ge [sflag:s21], $0x2760  }
0x2c: {  	[sflag:s21] =	ssyncset.done $0x0;
	s14 =	rddreg [dreg:$0x7]  }
0x2d: {  	s17 =	simm.s32 $0x2760;
	[sflag:s21] =	ssyncadd.s32 $0xFFFFD8A0;
	s7 =	sadd.s32 s14, s7  }
0x2e: {  	[tilespmem:s17], [sflag:$0xA] =	stream.linear.gather [hbm4b:s7+s10], $0x2760, $0x38;
	[tilespmem:$0x1F540] =	vst v63  }
0x2f: {  	_ =	swait.ge [sflag:s21], $0x2760  }
0x30: {  	[sflag:s21] =	ssyncset.done $0x0  }
0x31: {  	[sflag:s21] =	ssyncadd.s32 $0xFFFFD8A0  }
0x32: {  	[spmem:s15] =	stream.linear.scatter [tilespmem:s22], [sflag:$0xA], $0xA000, $0x38;
	[tilespmem:$0x1F540] =	vst v63  }
0x33: {  	_ =	swait.ge [sflag:s21], $0xA000  }
0x34: {  	[sflag:s21] =	ssyncset.done $0x0  }
0x35: {  	s23 =	simm.s32 $0x12D40;
	[sflag:s21] =	ssyncadd.s32 $0xFFFF6000  }
0x36: {  	[spmem:s16] =	stream.linear.scatter [tilespmem:s23], [sflag:$0xA], $0x1400, $0x38;
	[tilespmem:$0x1F540] =	vst v63  }
0x37: {  	_ =	swait.ge [sflag:s21], $0x1400  }
0x38: {  	[sflag:s21] =	ssyncset.done $0x0  }
0x39: {  	[sflag:s21] =	ssyncadd.s32 $0xFFFFEC00  }
0x3a: {  	s9 =	simm.s32 $0x0;
	[bflag:$0x0] =	sbarrier.arrive $0xFFFF  }
0x3b: {  	[tilespmem:s26], [sflag:$0x1] =	stream.indirect.gather [hbm4b:s5+s25], $0x40, s9, s25, $0xb8;
	[tilespmem:$0x1F540] =	vst v63  }
0x3c: {  	s10 =	simm.s32 $0x50  }
0x3d: {  	[tilespmem:s28], [sflag:$0x2] =	stream.indirect.gather [hbm4b:s5+s25], $0x40, s10, s25, $0xb8;
	[tilespmem:$0x1F540] =	vst v63  }
0x3e: {  	s13 =	simm.s32 $0xA0  }
0x3f: {  	[tilespmem:s29], [sflag:$0x3] =	stream.indirect.gather [hbm4b:s5+s25], $0x40, s13, s25, $0xb8;
	[tilespmem:$0x1F540] =	vst v63  }
0x40: {  	_ =	swait.ge [sflag:s30], $0x1400  }
0x41: {  	[sflag:s30] =	ssyncset.done $0x0  }
0x42: {  	s14 =	simm.s32 $0x2760;
	[sflag:s30] =	ssyncadd.s32 $0xFFFFEC00  }
0x43: {  	[spmem:s1] =	stream.indirect.scatter.add.f32 [tilespmem:s26], [sflag:$0x4], $0x40, s14, s25, $0xb8;
	[tilespmem:$0x1F540] =	vst v63  }
0x44: {  	_ = 	snop  }
0x45: {  	[spmem:s2] =	stream.indirect.scatter.add.f32 [tilespmem:s20], [sflag:$0x7], $0x8, s14, s25, $0xb8;
	[tilespmem:$0x1F540] =	vst v63  }
0x46: {  	_ =	swait.ge [sflag:s31], $0x1400  }
0x47: {  	[sflag:s31] =	ssyncset.done $0x0  }
0x48: {  	s17 =	simm.s32 $0x27B0;
	[sflag:s31] =	ssyncadd.s32 $0xFFFFEC00  }
0x49: {  	[spmem:s1] =	stream.indirect.scatter.add.f32 [tilespmem:s28], [sflag:$0x5], $0x40, s17, s25, $0xb8;
	[tilespmem:$0x1F540] =	vst v63  }
0x4a: {  	_ = 	snop  }
0x4b: {  	[spmem:s2] =	stream.indirect.scatter.add.f32 [tilespmem:s20], [sflag:$0x8], $0x8, s17, s25, $0xb8;
	[tilespmem:$0x1F540] =	vst v63  }
0x4c: {  	_ =	swait.ge [sflag:s0], $0x1400  }
0x4d: {  	[sflag:s0] =	ssyncset.done $0x0  }
0x4e: {  	s23 =	simm.s32 $0x2800;
	[sflag:s0] =	ssyncadd.s32 $0xFFFFEC00  }
0x4f: {  	[spmem:s1] =	stream.indirect.scatter.add.f32 [tilespmem:s29], [sflag:$0x6], $0x40, s23, s25, $0xb8;
	[tilespmem:$0x1F540] =	vst v63  }
0x50: {  	_ = 	snop  }
0x51: {  	[spmem:s2] =	stream.indirect.scatter.add.f32 [tilespmem:s20], [sflag:$0x9], $0x8, s23, s25, $0xb8;
	[tilespmem:$0x1F540] =	vst v63  }
0x52: {  	_ =	swait.ge [sflag:s8], $0x1400  }
0x53: {  	[sflag:s8] =	ssyncset.done $0x0  }
0x54: {  	[sflag:s8] =	ssyncadd.s32 $0xFFFFEC00  }
0x55: {  	_ =	swait.ge [sflag:s11], $0x280  }
0x56: {  	[sflag:s11] =	ssyncset.done $0x0  }
0x57: {  	[sflag:s11] =	ssyncadd.s32 $0xFFFFFD80  }
0x58: {  	_ =	swait.ge [sflag:s12], $0x1400  }
0x59: {  	[sflag:s12] =	ssyncset.done $0x0  }
0x5a: {  	[sflag:s12] =	ssyncadd.s32 $0xFFFFEC00  }
0x5b: {  	_ =	swait.ge [sflag:s19], $0x280  }
0x5c: {  	[sflag:s19] =	ssyncset.done $0x0  }
0x5d: {  	[sflag:s19] =	ssyncadd.s32 $0xFFFFFD80  }
0x5e: {  	_ =	swait.ge [sflag:s4], $0x1400  }
0x5f: {  	[sflag:s4] =	ssyncset.done $0x0  }
0x60: {  	[sflag:s4] =	ssyncadd.s32 $0xFFFFEC00  }
0x61: {  	_ =	swait.ge [sflag:s3], $0x280  }
0x62: {  	s7 =	simm.s32 $0x3C0;
	s10 =	simm.s32 $0x780;
	[sflag:s3] =	ssyncset.done $0x0  }
.LBB2_3:
0x63: {  	s13 =	sshra.s32 s7, $0x2  }
0x64: {  	[sflag:s3] =	ssyncadd.s32 $0xFFFFFD80;
	s7 =	smov.u32 s10;
	s9 =	sadd.s32 $0x3C0, s10  }
0x65: {  	[tilespmem:s26], [sflag:$0x1] =	stream.indirect.gather [hbm4b:s5+s25], $0x40, s13, s25, $0xb8;
	[tilespmem:$0x1F540] =	vst v63  }
0x66: {  	p0 =	sne.s32 s10, $0x99C0;
	s10 =	sadd.s32 $0x50, s13  }
0x67: {  	[tilespmem:s28], [sflag:$0x2] =	stream.indirect.gather [hbm4b:s5+s25], $0x40, s10, s25, $0xb8;
	[tilespmem:$0x1F540] =	vst v63  }
0x68: {  	s10 =	sadd.s32 $0xA0, s13  }
0x69: {  	[tilespmem:s29], [sflag:$0x3] =	stream.indirect.gather [hbm4b:s5+s25], $0x40, s10, s25, $0xb8;
	[tilespmem:$0x1F540] =	vst v63  }
0x6a: {  	_ =	swait.ge [sflag:s30], $0x1400  }
0x6b: {  	[sflag:s30] =	ssyncset.done $0x0  }
0x6c: {  	s10 =	sadd.s32 $0x2760, s13;
	[sflag:s30] =	ssyncadd.s32 $0xFFFFEC00  }
0x6d: {  	[spmem:s1] =	stream.indirect.scatter.add.f32 [tilespmem:s26], [sflag:$0x4], $0x40, s10, s25, $0xb8;
	[tilespmem:$0x1F540] =	vst v63  }
0x6e: {  	_ = 	snop  }
0x6f: {  	[spmem:s2] =	stream.indirect.scatter.add.f32 [tilespmem:s20], [sflag:$0x7], $0x8, s10, s25, $0xb8;
	[tilespmem:$0x1F540] =	vst v63  }
0x70: {  	_ =	swait.ge [sflag:s31], $0x1400  }
0x71: {  	[sflag:s31] =	ssyncset.done $0x0  }
0x72: {  	s10 =	sadd.s32 $0x27B0, s13;
	[sflag:s31] =	ssyncadd.s32 $0xFFFFEC00  }
0x73: {  	[spmem:s1] =	stream.indirect.scatter.add.f32 [tilespmem:s28], [sflag:$0x5], $0x40, s10, s25, $0xb8;
	[tilespmem:$0x1F540] =	vst v63  }
0x74: {  	_ = 	snop  }
0x75: {  	[spmem:s2] =	stream.indirect.scatter.add.f32 [tilespmem:s20], [sflag:$0x8], $0x8, s10, s25, $0xb8;
	[tilespmem:$0x1F540] =	vst v63  }
0x76: {  	_ =	swait.ge [sflag:s0], $0x1400  }
0x77: {  	[sflag:s0] =	ssyncset.done $0x0  }
0x78: {  	s10 =	sadd.s32 $0x2800, s13;
	[sflag:s0] =	ssyncadd.s32 $0xFFFFEC00  }
0x79: {  	[spmem:s1] =	stream.indirect.scatter.add.f32 [tilespmem:s29], [sflag:$0x6], $0x40, s10, s25, $0xb8;
	[tilespmem:$0x1F540] =	vst v63  }
0x7a: {  	_ = 	snop  }
0x7b: {  	[spmem:s2] =	stream.indirect.scatter.add.f32 [tilespmem:s20], [sflag:$0x9], $0x8, s10, s25, $0xb8;
	[tilespmem:$0x1F540] =	vst v63  }
0x7c: {  	_ =	swait.ge [sflag:s8], $0x1400  }
0x7d: {  	[sflag:s8] =	ssyncset.done $0x0  }
0x7e: {  	[sflag:s8] =	ssyncadd.s32 $0xFFFFEC00  }
0x7f: {  	_ =	swait.ge [sflag:s11], $0x280  }
0x80: {  	[sflag:s11] =	ssyncset.done $0x0  }
0x81: {  	[sflag:s11] =	ssyncadd.s32 $0xFFFFFD80  }
0x82: {  	_ =	swait.ge [sflag:s12], $0x1400  }
0x83: {  	[sflag:s12] =	ssyncset.done $0x0  }
0x84: {  	[sflag:s12] =	ssyncadd.s32 $0xFFFFEC00  }
0x85: {  	_ =	swait.ge [sflag:s19], $0x280  }
0x86: {  	[sflag:s19] =	ssyncset.done $0x0  }
0x87: {  	[sflag:s19] =	ssyncadd.s32 $0xFFFFFD80  }
.Ltmp0:
0x88: {  	_ =	swait.ge [sflag:s4], $0x1400;
	(pc) =	sbr.rel @p0 .LBB2_3-.Ltmp0, $4  }
0x89: {  	[sflag:s4] =	ssyncset.done $0x0  }
0x8a: {  	[sflag:s4] =	ssyncadd.s32 $0xFFFFEC00  }
0x8b: {  	_ =	swait.ge [sflag:s3], $0x280  }
0x8c: {  	s10 =	smov.u32 s9;
	[sflag:s3] =	ssyncset.done $0x0  }
0x8d: {  	s7 =	sshra.s32 s7, $0x2;
	[sflag:s3] =	ssyncadd.s32 $0xFFFFFD80  }
0x8e: {  	[tilespmem:s26], [sflag:$0x1] =	stream.indirect.gather [hbm4b:s5+s25], $0x40, s7, s25, $0xb8;
	[tilespmem:$0x1F540] =	vst v63  }
0x8f: {  	s9 =	sadd.s32 $0x50, s7  }
0x90: {  	[tilespmem:s28], [sflag:$0x2] =	stream.indirect.gather [hbm4b:s5+s25], $0x40, s9, s25, $0xb8;
	[tilespmem:$0x1F540] =	vst v63  }
0x91: {  	s14 =	sadd.s32 $0xA0, s7  }
0x92: {  	[tilespmem:s29], [sflag:$0x3] =	stream.indirect.gather [hbm4b:s5+s25], $0x40, s14, s25, $0xb8;
	[tilespmem:$0x1F540] =	vst v63  }
0x93: {  	_ =	swait.ge [sflag:s30], $0x1400  }
0x94: {  	[sflag:s30] =	ssyncset.done $0x0  }
0x95: {  	s17 =	sadd.s32 $0x2760, s7;
	[sflag:s30] =	ssyncadd.s32 $0xFFFFEC00  }
0x96: {  	[spmem:s1] =	stream.indirect.scatter.add.f32 [tilespmem:s26], [sflag:$0x4], $0x40, s17, s25, $0xb8;
	[tilespmem:$0x1F540] =	vst v63  }
0x97: {  	_ = 	snop  }
0x98: {  	[spmem:s2] =	stream.indirect.scatter.add.f32 [tilespmem:s20], [sflag:$0x7], $0x8, s17, s25, $0xb8;
	[tilespmem:$0x1F540] =	vst v63  }
0x99: {  	_ =	swait.ge [sflag:s31], $0x1400  }
0x9a: {  	[sflag:s31] =	ssyncset.done $0x0  }
0x9b: {  	s23 =	sadd.s32 $0x27B0, s7;
	[sflag:s31] =	ssyncadd.s32 $0xFFFFEC00  }
0x9c: {  	[spmem:s1] =	stream.indirect.scatter.add.f32 [tilespmem:s28], [sflag:$0x5], $0x40, s23, s25, $0xb8;
	[tilespmem:$0x1F540] =	vst v63  }
0x9d: {  	_ = 	snop  }
0x9e: {  	[spmem:s2] =	stream.indirect.scatter.add.f32 [tilespmem:s20], [sflag:$0x8], $0x8, s23, s25, $0xb8;
	[tilespmem:$0x1F540] =	vst v63  }
0x9f: {  	_ =	swait.ge [sflag:s0], $0x1400  }
0xa0: {  	[sflag:s0] =	ssyncset.done $0x0  }
0xa1: {  	s7 =	sadd.s32 $0x2800, s7;
	[sflag:s0] =	ssyncadd.s32 $0xFFFFEC00  }
0xa2: {  	[spmem:s1] =	stream.indirect.scatter.add.f32 [tilespmem:s29], [sflag:$0x6], $0x40, s7, s25, $0xb8;
	[tilespmem:$0x1F540] =	vst v63  }
0xa3: {  	_ = 	snop  }
0xa4: {  	[spmem:s2] =	stream.indirect.scatter.add.f32 [tilespmem:s20], [sflag:$0x9], $0x8, s7, s25, $0xb8;
	[tilespmem:$0x1F540] =	vst v63  }
0xa5: {  	_ =	swait.ge [sflag:s8], $0x1400  }
0xa6: {  	[sflag:s8] =	ssyncset.done $0x0  }
0xa7: {  	[sflag:s8] =	ssyncadd.s32 $0xFFFFEC00  }
0xa8: {  	_ =	swait.ge [sflag:s11], $0x280  }
0xa9: {  	[sflag:s11] =	ssyncset.done $0x0  }
0xaa: {  	[sflag:s11] =	ssyncadd.s32 $0xFFFFFD80  }
0xab: {  	_ =	swait.ge [sflag:s12], $0x1400  }
0xac: {  	[sflag:s12] =	ssyncset.done $0x0  }
0xad: {  	[sflag:s12] =	ssyncadd.s32 $0xFFFFEC00  }
0xae: {  	_ =	swait.ge [sflag:s19], $0x280  }
0xaf: {  	[sflag:s19] =	ssyncset.done $0x0  }
0xb0: {  	[sflag:s19] =	ssyncadd.s32 $0xFFFFFD80  }
0xb1: {  	_ =	swait.ge [sflag:s4], $0x1400  }
0xb2: {  	[sflag:s4] =	ssyncset.done $0x0  }
0xb3: {  	[sflag:s4] =	ssyncadd.s32 $0xFFFFEC00  }
0xb4: {  	_ =	swait.ge [sflag:s3], $0x280  }
0xb5: {  	s9 =	smul.u32 $0x140000, s24;
	[sflag:s3] =	ssyncset.done $0x0  }
0xb6: {  	s10 =	rddreg [dreg:$0xc];
	[sflag:s3] =	ssyncadd.s32 $0xFFFFFD80  }
0xb7: {  	s7 =	sadd.s32 s9, s10;
	[bflag:$0x0] =	sbarrier.arrive $0xFFFF  }
0xb8: {  	s14 =	stileid.u32;
	s7 =	sshrl.u32 s7, $0x3;
	s13 =	rddreg [dreg:$0xa]  }
0xb9: {  	s23 =	sadd.s32 s13, s7;
	s7 =	sshll.u32 s14, $0x6  }
0xba: {  	s9 =	sshrl.u32 s15, $0x3;
	s10 =	smul.u32 $0x28000, s24;
	s7 =	sor.u32 $0x1C0A, s7  }
0xbb: {  	[hbm:s23], [sflag:s7] =	dma.local [spmem:s9], $0x1400  }
0xbc: {  	s10 =	sadd.s32 s10, s18;
	_ =	swait.ge [sflag:s21], $0x1400  }
0xbd: {  	s10 =	sshrl.u32 s10, $0x3;
	[sflag:s21] =	ssyncset.done $0x0;
	s13 =	rddreg [dreg:$0xb]  }
0xbe: {  	s17 =	sshrl.u32 s16, $0x3;
	[sflag:s21] =	ssyncadd.s32 $0xFFFFEC00;
	s10 =	sadd.s32 s13, s10  }
0xbf: {  	[hbm:s10], [sflag:s7] =	dma.local [spmem:s17], $0x280  }
0xc0: {  	_ =	swait.ge [sflag:s21], $0x280  }
0xc1: {  	[sflag:s21] =	ssyncset.done $0x0  }
0xc2: {  	[sflag:s21] =	ssyncadd.s32 $0xFFFFFD80  }
0xc3: {  	[bflag:$0x0] =	sbarrier.arrive $0xFFFF  }
0xc4: {  	[spmem:s15] =	stream.linear.scatter [tilespmem:s22], [sflag:$0xA], $0xA000, $0x38;
	[tilespmem:$0x1F540] =	vst v63  }
0xc5: {  	_ =	swait.ge [sflag:s21], $0xA000  }
0xc6: {  	[sflag:s21] =	ssyncset.done $0x0  }
0xc7: {  	[sflag:s21] =	ssyncadd.s32 $0xFFFF6000  }
0xc8: {  	s13 =	simm.s32 $0x0;
	[bflag:$0x0] =	sbarrier.arrive $0xFFFF  }
0xc9: {  	[tilespmem:s26], [sflag:$0x1] =	stream.indirect.gather [hbm4b:s6+s25], $0x40, s13, s25, $0xb8;
	[tilespmem:$0x1F540] =	vst v63  }
0xca: {  	s14 =	simm.s32 $0x50  }
0xcb: {  	[tilespmem:s28], [sflag:$0x2] =	stream.indirect.gather [hbm4b:s6+s25], $0x40, s14, s25, $0xb8;
	[tilespmem:$0x1F540] =	vst v63  }
0xcc: {  	s17 =	simm.s32 $0xA0  }
0xcd: {  	[tilespmem:s29], [sflag:$0x3] =	stream.indirect.gather [hbm4b:s6+s25], $0x40, s17, s25, $0xb8;
	[tilespmem:$0x1F540] =	vst v63  }
0xce: {  	_ =	swait.ge [sflag:s30], $0x1400  }
0xcf: {  	[sflag:s30] =	ssyncset.done $0x0  }
0xd0: {  	s13 =	simm.s32 $0x2760;
	[sflag:s30] =	ssyncadd.s32 $0xFFFFEC00  }
0xd1: {  	[spmem:s1] =	stream.indirect.scatter.add.f32 [tilespmem:s26], [sflag:$0x4], $0x40, s13, s25, $0xb8;
	[tilespmem:$0x1F540] =	vst v63  }
0xd2: {  	_ =	swait.ge [sflag:s31], $0x1400  }
0xd3: {  	[sflag:s31] =	ssyncset.done $0x0  }
0xd4: {  	s14 =	simm.s32 $0x27B0;
	[sflag:s31] =	ssyncadd.s32 $0xFFFFEC00  }
0xd5: {  	[spmem:s1] =	stream.indirect.scatter.add.f32 [tilespmem:s28], [sflag:$0x5], $0x40, s14, s25, $0xb8;
	[tilespmem:$0x1F540] =	vst v63  }
0xd6: {  	_ =	swait.ge [sflag:s0], $0x1400  }
0xd7: {  	[sflag:s0] =	ssyncset.done $0x0  }
0xd8: {  	s17 =	simm.s32 $0x2800;
	[sflag:s0] =	ssyncadd.s32 $0xFFFFEC00  }
0xd9: {  	[spmem:s1] =	stream.indirect.scatter.add.f32 [tilespmem:s29], [sflag:$0x6], $0x40, s17, s25, $0xb8;
	[tilespmem:$0x1F540] =	vst v63  }
0xda: {  	_ =	swait.ge [sflag:s8], $0x1400  }
0xdb: {  	[sflag:s8] =	ssyncset.done $0x0  }
0xdc: {  	[sflag:s8] =	ssyncadd.s32 $0xFFFFEC00  }
0xdd: {  	_ =	swait.ge [sflag:s12], $0x1400  }
0xde: {  	[sflag:s12] =	ssyncset.done $0x0  }
0xdf: {  	[sflag:s12] =	ssyncadd.s32 $0xFFFFEC00  }
0xe0: {  	_ =	swait.ge [sflag:s4], $0x1400  }
0xe1: {  	s10 =	simm.s32 $0x3C0;
	s13 =	simm.s32 $0x780;
	[sflag:s4] =	ssyncset.done $0x0  }
.LBB2_5:
0xe2: {  	s14 =	sshra.s32 s10, $0x2  }
0xe3: {  	[sflag:s4] =	ssyncadd.s32 $0xFFFFEC00;
	s10 =	smov.u32 s13;
	s17 =	sadd.s32 $0x3C0, s13  }
0xe4: {  	[tilespmem:s26], [sflag:$0x1] =	stream.indirect.gather [hbm4b:s6+s25], $0x40, s14, s25, $0xb8;
	[tilespmem:$0x1F540] =	vst v63  }
0xe5: {  	p0 =	sne.s32 s13, $0x99C0;
	s13 =	sadd.s32 $0x50, s14  }
0xe6: {  	[tilespmem:s28], [sflag:$0x2] =	stream.indirect.gather [hbm4b:s6+s25], $0x40, s13, s25, $0xb8;
	[tilespmem:$0x1F540] =	vst v63  }
0xe7: {  	s13 =	sadd.s32 $0xA0, s14  }
0xe8: {  	[tilespmem:s29], [sflag:$0x3] =	stream.indirect.gather [hbm4b:s6+s25], $0x40, s13, s25, $0xb8;
	[tilespmem:$0x1F540] =	vst v63  }
0xe9: {  	_ =	swait.ge [sflag:s30], $0x1400  }
0xea: {  	[sflag:s30] =	ssyncset.done $0x0  }
0xeb: {  	s13 =	sadd.s32 $0x2760, s14;
	[sflag:s30] =	ssyncadd.s32 $0xFFFFEC00  }
0xec: {  	[spmem:s1] =	stream.indirect.scatter.add.f32 [tilespmem:s26], [sflag:$0x4], $0x40, s13, s25, $0xb8;
	[tilespmem:$0x1F540] =	vst v63  }
0xed: {  	_ =	swait.ge [sflag:s31], $0x1400  }
0xee: {  	[sflag:s31] =	ssyncset.done $0x0  }
0xef: {  	s13 =	sadd.s32 $0x27B0, s14;
	[sflag:s31] =	ssyncadd.s32 $0xFFFFEC00  }
0xf0: {  	[spmem:s1] =	stream.indirect.scatter.add.f32 [tilespmem:s28], [sflag:$0x5], $0x40, s13, s25, $0xb8;
	[tilespmem:$0x1F540] =	vst v63  }
0xf1: {  	_ =	swait.ge [sflag:s0], $0x1400  }
0xf2: {  	[sflag:s0] =	ssyncset.done $0x0  }
0xf3: {  	s13 =	sadd.s32 $0x2800, s14;
	[sflag:s0] =	ssyncadd.s32 $0xFFFFEC00  }
0xf4: {  	[spmem:s1] =	stream.indirect.scatter.add.f32 [tilespmem:s29], [sflag:$0x6], $0x40, s13, s25, $0xb8;
	[tilespmem:$0x1F540] =	vst v63  }
0xf5: {  	_ =	swait.ge [sflag:s8], $0x1400  }
0xf6: {  	[sflag:s8] =	ssyncset.done $0x0  }
0xf7: {  	[sflag:s8] =	ssyncadd.s32 $0xFFFFEC00  }
.Ltmp1:
0xf8: {  	_ =	swait.ge [sflag:s12], $0x1400;
	(pc) =	sbr.rel @p0 .LBB2_5-.Ltmp1, $4  }
0xf9: {  	[sflag:s12] =	ssyncset.done $0x0  }
0xfa: {  	[sflag:s12] =	ssyncadd.s32 $0xFFFFEC00  }
0xfb: {  	_ =	swait.ge [sflag:s4], $0x1400  }
0xfc: {  	s13 =	smov.u32 s17;
	[sflag:s4] =	ssyncset.done $0x0  }
0xfd: {  	s10 =	sshra.s32 s10, $0x2;
	[sflag:s4] =	ssyncadd.s32 $0xFFFFEC00  }
0xfe: {  	[tilespmem:s26], [sflag:$0x1] =	stream.indirect.gather [hbm4b:s6+s25], $0x40, s10, s25, $0xb8;
	[tilespmem:$0x1F540] =	vst v63  }
0xff: {  	s13 =	sadd.s32 $0x50, s10  }
0x100: {  	[tilespmem:s28], [sflag:$0x2] =	stream.indirect.gather [hbm4b:s6+s25], $0x40, s13, s25, $0xb8;
	[tilespmem:$0x1F540] =	vst v63  }
0x101: {  	s17 =	sadd.s32 $0xA0, s10  }
0x102: {  	[tilespmem:s29], [sflag:$0x3] =	stream.indirect.gather [hbm4b:s6+s25], $0x40, s17, s25, $0xb8;
	[tilespmem:$0x1F540] =	vst v63  }
0x103: {  	_ =	swait.ge [sflag:s30], $0x1400  }
0x104: {  	[sflag:s30] =	ssyncset.done $0x0  }
0x105: {  	s14 =	sadd.s32 $0x2760, s10;
	[sflag:s30] =	ssyncadd.s32 $0xFFFFEC00  }
0x106: {  	[spmem:s1] =	stream.indirect.scatter.add.f32 [tilespmem:s26], [sflag:$0x4], $0x40, s14, s25, $0xb8;
	[tilespmem:$0x1F540] =	vst v63  }
0x107: {  	_ =	swait.ge [sflag:s31], $0x1400  }
0x108: {  	[sflag:s31] =	ssyncset.done $0x0  }
0x109: {  	s17 =	sadd.s32 $0x27B0, s10;
	[sflag:s31] =	ssyncadd.s32 $0xFFFFEC00  }
0x10a: {  	[spmem:s1] =	stream.indirect.scatter.add.f32 [tilespmem:s28], [sflag:$0x5], $0x40, s17, s25, $0xb8;
	[tilespmem:$0x1F540] =	vst v63  }
0x10b: {  	_ =	swait.ge [sflag:s0], $0x1400  }
0x10c: {  	[sflag:s0] =	ssyncset.done $0x0  }
0x10d: {  	s10 =	sadd.s32 $0x2800, s10;
	[sflag:s0] =	ssyncadd.s32 $0xFFFFEC00  }
0x10e: {  	[spmem:s1] =	stream.indirect.scatter.add.f32 [tilespmem:s29], [sflag:$0x6], $0x40, s10, s25, $0xb8;
	[tilespmem:$0x1F540] =	vst v63  }
0x10f: {  	_ =	swait.ge [sflag:s8], $0x1400  }
0x110: {  	[sflag:s8] =	ssyncset.done $0x0  }
0x111: {  	[sflag:s8] =	ssyncadd.s32 $0xFFFFEC00  }
0x112: {  	_ =	swait.ge [sflag:s12], $0x1400  }
0x113: {  	[sflag:s12] =	ssyncset.done $0x0  }
0x114: {  	[sflag:s12] =	ssyncadd.s32 $0xFFFFEC00  }
0x115: {  	_ =	swait.ge [sflag:s4], $0x1400  }
0x116: {  	[sflag:s4] =	ssyncset.done $0x0  }
0x117: {  	s24 =	sadd.s32 $0x1, s24;
	[sflag:s4] =	ssyncadd.s32 $0xFFFFEC00  }
0x118: {  	s23 =	sadd.s32 $0x5A0000, s23;
	p0 =	sne.s32 s24, $0x24;
	[bflag:$0x0] =	sbarrier.arrive $0xFFFF  }
0x119: {  	[hbm:s23], [sflag:s7] =	dma.local [spmem:s9], $0x1400  }
.Ltmp2:
0x11a: {  	_ =	swait.ge [sflag:s21], $0x1400;
	(pc) =	sbr.rel @p0 .LBB2_2-.Ltmp2, $3  }
0x11b: {  	[sflag:s21] =	ssyncset.done $0x0  }
0x11c: {  	[sflag:s21] =	ssyncadd.s32 $0xFFFFEC00  }
0x11d: {  	[bflag:$0x0] =	sbarrier.arrive $0xFFFF;
	_ =	sdelay $0x1  }
0x11e: {  	s9 =	rddreg [dreg:$0xe]  }
0x11f: {  	s7 =	rddreg [dreg:$0xd];
	s9 =	sadd.s32 $0x1, s9  }
0x120: {  	p0 =	sne.s32 s9, s7  }
.Ltmp3:
0x121: {  	_ = 	snop;
	(pc) =	sbr.rel @p0 .LBB2_1-.Ltmp3, $1  }
0x122: {  	_ =	sdelay $0x3  }
0x123: {  	_ =	sfence.sel $0x180000  }
0x124: {  	[bflag:$0x0] =	sbarrier.arrive $0xFFFF  }
0x125: {  	_ =	strace $0x90000047  }
0x126: {  	s0 =	stileid.u32;
	[bflag:$0x2] =	sbarrier.arrive $0xFFFF  }
0x127: {  	p0 =	sne.s32 s0, $0x0;
	s0 =	rddreg [dreg:$0x3]  }
0x128: {  	s0 =	sadd.s32 @!p0 $0x100000, s0  }
0x129: {  	[sflag:s0] =	ssyncadd.tile.s32 @!p0 $0x1;
	_ =	shalt  }
.Lfunc_end2:
_tile_overlayer_lowered:
.L_overlay_start_2:
0x12a: {  	(tag) =	ssettag $0x2  }
0x12b: {  	s0 =	rddreg [dreg:$0x0];
	s2 =	stileid.u32  }
0x12c: {  	s1 =	rddreg [dreg:$0x1];
	p0 =	sne.s32 s2, $0x0  }
0x12d: {  	s3 =	rddreg [dreg:$0x2];
	[bflag:$0x3] =	sbarrier.arrive $0xFFFF;
	s2 =	simm.s32 @!p0 $0x1C0A  }
0x12e: {  	[timem:s3], [sflag:s2] =	dma.local @!p0 [hbm:s0], s1  }
0x12f: {  	s0 =	simm.s32 @!p0 $0xA  }
0x130: {  	_ =	swait.ge @!p0 [sflag:s0], s1  }
0x131: {  	s1 =	ssub.s32 @!p0 $0x0, s1;
	[sflag:s0] =	ssyncset.done @!p0 $0x0  }
0x132: {  	[sflag:s0] =	ssyncadd.s32 @!p0 s1  }
0x133: {  	[bflag:$0x3] =	sbarrier.arrive $0xFFFF  }
0x134: {  	_ =	shalt  }

</sc_bundles>
